<compile_context>
chip_gen: v7x
topology: tpu7x:2x2x1
jax: 0.10.2.dev20260603
libtpu: 0.0.44.dev20260713+nightly
codegen_flags: <defaults>
</compile_context>

<pallas_src>
import jax
import jax.numpy as jnp
from jax.experimental import pallas as pl
from jax.experimental.pallas import tpu as pltpu
from jax.experimental.pallas import tpu_sc as plsc

_R = 16
_LANES = 16


def kernel(x, pos_emb):
    B, T, C = x.shape
    x2 = x.reshape(B * T, C)
    n_pe_blocks = T // _R

    mesh = plsc.VectorSubcoreMesh(core_axis_name="c", subcore_axis_name="s")

    @pl.kernel(out_type=jax.ShapeDtypeStruct((B * T, C), x.dtype), mesh=mesh)
    def sc_add(x_hbm, pe_hbm, o_hbm):
        def body(x_vmem, pe_vmem, o_vmem):
            @pl.loop(0, _R)
            def _(r):
                for c in range(0, C, _LANES):
                    slc = (pl.ds(r, 1), pl.ds(c, _LANES))
                    o_vmem.at[*slc][...] = (
                        x_vmem.at[*slc][...] + pe_vmem.at[*slc][...]
                    )

        pltpu.emit_pipeline(
            body,
            grid=(B * T // _R,),
            in_specs=[
                pl.BlockSpec((_R, C), index_map=lambda i: (i, 0)),
                pl.BlockSpec((_R, C), index_map=lambda i: (i % n_pe_blocks, 0)),
            ],
            out_specs=[pl.BlockSpec((_R, C), index_map=lambda i: (i, 0))],
            core_axis_name=("c", "s"),
            dimension_semantics=(pltpu.PARALLEL,),
        )(x_hbm, pe_hbm, o_hbm)

    return sc_add(x2, pos_emb).reshape(B, T, C)

# --- scband reference (transcript-rebuilt; emitter-appended) ---
"""Pipeline reference for scband-positional-encoding-47433618817095 (READ-ONLY COPY).

The authoritative reference and input builder live on the scoring server;
editing this copy changes nothing except your own understanding.
"""

import jax, jax.numpy as jnp
import numpy as np

HIDDEN_DIM = 1024
MAX_POS = 2048
B, T = 4, 2048

def setup_inputs(seed: int = 0) -> dict:
    key = jax.random.key(seed)
    k1, k2 = jax.random.split(key)
    x = jax.random.normal(k1, (B, T, HIDDEN_DIM), dtype=jnp.float32)
    pos_emb = jax.random.normal(k2, (MAX_POS, HIDDEN_DIM), dtype=jnp.float32) * 0.02
    return {"x": x, "pos_emb": pos_emb}

def reference(x, pos_emb):
    # idx_remain is None path: position_ids = arange(max_pos)[None, :T]
    seq_length = x.shape[1]
    position_ids = jnp.arange(MAX_POS)[None, :][:, :seq_length]  # (1, T)
    pe = jnp.take(pos_emb, position_ids, axis=0)  # (1, T, C) embedding lookup
    out = x + pe  # broadcast over batch
    # dropout p=0.0 -> identity
    return out

if __name__ == "__main__":
    import jax
    _d = setup_inputs()
    print(jax.jit(kernel)(*tuple(_d.values())))

</pallas_src>

<mosaic_0001>
#map = affine_map<(d0, d1) -> (0, 0)>
module attributes {stable_mosaic.version = 14 : i64} {
  func.func @sc_add(%arg0: i32, %arg1: i32, %arg2: memref<8192x1024xf32, #tpu.memory_space<hbm>>, %arg3: memref<2048x1024xf32, #tpu.memory_space<hbm>>, %arg4: memref<8192x1024xf32, #tpu.memory_space<hbm>>) attributes {dimension_semantics = [#tpu.dimension_semantics<core_parallel>, #tpu.dimension_semantics<subcore_parallel>], iteration_bounds = array<i64: 2, 16>, scalar_prefetch = 0 : i64, scratch_operands = 0 : i64, tpu.core_type = #tpu.core_type<sc_vector_subcore>, window_params = [{transform_indices = #map}, {transform_indices = #map}, {transform_indices = #map}]} {
    %mul3A = arith.constant 1 : i32
    %mul3A_0 = arith.muli %arg1, %mul3A : i32
    %add3A = arith.constant 0 : i32
    %add3A_1 = arith.addi %add3A, %mul3A_0 : i32
    %mul3A_2 = arith.constant 16 : i32
    %mul3A_3 = arith.muli %arg0, %mul3A_2 : i32
    %add3A_4 = arith.addi %add3A_1, %mul3A_3 : i32
    %mul3A_5 = arith.constant 16 : i32
    %mul3A_6 = arith.muli %add3A_4, %mul3A_5 : i32
    "tpu.region"() ({
      %run_scoped3A = memref.alloca() : memref<2x16x1024xf32, #tpu.memory_space<vmem>>
      %run_scoped3A_7 = tpu.sem_alloc : memref<2x!tpu.dma_semaphore, #tpu.memory_space<semaphore_mem>>
      %run_scoped3A_8 = memref.alloca() : memref<2x16x1024xf32, #tpu.memory_space<vmem>>
      %run_scoped3A_9 = tpu.sem_alloc : memref<2x!tpu.dma_semaphore, #tpu.memory_space<semaphore_mem>>
      %run_scoped3A_10 = memref.alloca() : memref<2x16x1024xf32, #tpu.memory_space<vmem>>
      %run_scoped3A_11 = tpu.sem_alloc : memref<2x!tpu.dma_semaphore, #tpu.memory_space<semaphore_mem>>
      %add3A_12 = arith.constant 0 : i32
      %add3A_13 = arith.addi %add3A_12, %mul3A_6 : i32
      %select_n3A = arith.constant true
      %select_n3A_14 = arith.constant 0 : i32
      %select_n3A_15 = arith.constant -1 : i32
      %select_n3A_16 = arith.select %select_n3A, %select_n3A_15, %select_n3A_14 : i32
      %eq3A = arith.constant -1 : i32
      %eq3A_17 = arith.cmpi eq, %select_n3A_16, %eq3A : i32
      %select_n3A_18 = arith.constant 15 : i32
      %select_n3A_19 = arith.select %eq3A_17, %select_n3A_18, %select_n3A_16 : i32
      %add3A_20 = arith.addi %select_n3A_19, %mul3A_6 : i32
      %select_n3A_21 = arith.constant true
      %select_n3A_22 = arith.constant 0 : i32
      %select_n3A_23 = arith.constant 1 : i32
      %select_n3A_24 = arith.select %select_n3A_21, %select_n3A_23, %select_n3A_22 : i32
      %eq3A_25 = arith.constant 16 : i32
      %eq3A_26 = arith.cmpi eq, %select_n3A_24, %eq3A_25 : i32
      %select_n3A_27 = arith.constant 0 : i32
      %select_n3A_28 = arith.select %eq3A_26, %select_n3A_27, %select_n3A_24 : i32
      %add3A_29 = arith.addi %select_n3A_28, %mul3A_6 : i32
      %add3A_30 = arith.constant 1 : i32
      %add3A_31 = arith.addi %select_n3A_28, %add3A_30 : i32
      %select_n3A_32 = arith.constant true
      %select_n3A_33 = arith.select %select_n3A_32, %add3A_31, %select_n3A_28 : i32
      %eq3A_34 = arith.constant 16 : i32
      %eq3A_35 = arith.cmpi eq, %select_n3A_33, %eq3A_34 : i32
      %select_n3A_36 = arith.constant 0 : i32
      %select_n3A_37 = arith.select %eq3A_35, %select_n3A_36, %select_n3A_33 : i32
      %add3A_38 = arith.addi %select_n3A_37, %mul3A_6 : i32
      "tpu.trace_start"() <{level = 10 : i32, message = "ep_initialize_0"}> : () -> ()
      %rem3A = arith.constant 0 : i32
      %rem3A_39 = arith.constant 2 : i32
      %rem3A_40 = arith.remui %rem3A, %rem3A_39 : i32
      %mul3A_41 = arith.constant 16 : i32
      %mul3A_42 = arith.muli %mul3A_41, %add3A_13 : i32
      %dma_start3A = arith.constant 0 : i32
      %dma_start3A_43 = arith.constant 0 : i32
      %dma_start3A_44 = tpu.memref_slice %run_scoped3A[%rem3A_40, %dma_start3A, %dma_start3A_43] : memref<2x16x1024xf32, #tpu.memory_space<vmem>> -> memref<1x16x1024xf32, #tpu.memory_space<vmem>>
      %dma_start3A_45 = tpu.memref_squeeze %dma_start3A_44 : memref<1x16x1024xf32, #tpu.memory_space<vmem>> -> memref<16x1024xf32, #tpu.memory_space<vmem>>
      %dma_start3A_46 = arith.constant 0 : i32
      %dma_start3A_47 = tpu.memref_slice %arg2[%mul3A_42, %dma_start3A_46] : memref<8192x1024xf32, #tpu.memory_space<hbm>> -> memref<16x1024xf32, #tpu.memory_space<hbm>>
      %dma_start3A_48 = tpu.memref_slice %run_scoped3A_7[%rem3A_40] : memref<2x!tpu.dma_semaphore, #tpu.memory_space<semaphore_mem>> -> memref<1x!tpu.dma_semaphore, #tpu.memory_space<semaphore_mem>>
      %dma_start3A_49 = tpu.memref_squeeze %dma_start3A_48 : memref<1x!tpu.dma_semaphore, #tpu.memory_space<semaphore_mem>> -> memref<!tpu.dma_semaphore, #tpu.memory_space<semaphore_mem>>
      %dma_start3A_50 = arith.constant 0 : i32
      %dma_start3A_51 = arith.constant 0 : i32
      %dma_start3A_52 = tpu.memref_slice %run_scoped3A[%rem3A_40, %dma_start3A_50, %dma_start3A_51] : memref<2x16x1024xf32, #tpu.memory_space<vmem>> -> memref<1x16x1024xf32, #tpu.memory_space<vmem>>
      %dma_start3A_53 = tpu.memref_squeeze %dma_start3A_52 : memref<1x16x1024xf32, #tpu.memory_space<vmem>> -> memref<16x1024xf32, #tpu.memory_space<vmem>>
      %dma_start3A_54 = arith.constant 0 : i32
      %dma_start3A_55 = tpu.memref_slice %arg2[%mul3A_42, %dma_start3A_54] : memref<8192x1024xf32, #tpu.memory_space<hbm>> -> memref<16x1024xf32, #tpu.memory_space<hbm>>
      tpu.enqueue_dma source(%dma_start3A_55 : memref<16x1024xf32, #tpu.memory_space<hbm>>) target(%dma_start3A_53 : memref<16x1024xf32, #tpu.memory_space<vmem>>) target_semaphore(%dma_start3A_49 : memref<!tpu.dma_semaphore, #tpu.memory_space<semaphore_mem>>)
      %add3A_56 = arith.constant 0 : i32
      %add3A_57 = arith.constant 1 : i32
      %add3A_58 = arith.addi %add3A_56, %add3A_57 : i32
      %select_n3A_59 = arith.constant true
      %select_n3A_60 = arith.constant 0 : i32
      %select_n3A_61 = arith.select %select_n3A_59, %add3A_58, %select_n3A_60 : i32
      %rem3A_62 = arith.constant 0 : i32
      %rem3A_63 = arith.constant 2 : i32
      %rem3A_64 = arith.remui %rem3A_62, %rem3A_63 : i32
      %jit3A = arith.constant 128 : i32
      %eq3A_65 = arith.constant 0 : i32
      %eq3A_66 = arith.cmpi eq, %jit3A, %eq3A_65 : i32
      %jit3A_67 = arith.constant 1 : i32
      %select_n3A_68 = arith.select %eq3A_66, %jit3A_67, %jit3A : i32
      %rem3A_69 = arith.remsi %add3A_13, %select_n3A_68 : i32
      %ne3A = arith.constant 0 : i32
      %ne3A_70 = arith.cmpi ne, %rem3A_69, %ne3A : i32
      %lt3A = arith.constant 0 : i32
      %lt3A_71 = arith.cmpi slt, %rem3A_69, %lt3A : i32
      %lt3A_72 = arith.constant 0 : i32
      %lt3A_73 = arith.cmpi slt, %select_n3A_68, %lt3A_72 : i32
      %ne3A_74 = arith.xori %lt3A_71, %lt3A_73 : i1
      %and3A = arith.andi %ne3A_74, %ne3A_70 : i1
      %add3A_75 = arith.addi %rem3A_69, %select_n3A_68 : i32
      %select_n3A_76 = arith.select %and3A, %add3A_75, %rem3A_69 : i32
      %mul3A_77 = arith.constant 16 : i32
      %mul3A_78 = arith.muli %mul3A_77, %select_n3A_76 : i32
      %dma_start3A_79 = arith.constant 0 : i32
      %dma_start3A_80 = arith.constant 0 : i32
      %dma_start3A_81 = tpu.memref_slice %run_scoped3A_8[%rem3A_64, %dma_start3A_79, %dma_start3A_80] : memref<2x16x1024xf32, #tpu.memory_space<vmem>> -> memref<1x16x1024xf32, #tpu.memory_space<vmem>>
      %dma_start3A_82 = tpu.memref_squeeze %dma_start3A_81 : memref<1x16x1024xf32, #tpu.memory_space<vmem>> -> memref<16x1024xf32, #tpu.memory_space<vmem>>
      %dma_start3A_83 = arith.constant 0 : i32
      %dma_start3A_84 = tpu.memref_slice %arg3[%mul3A_78, %dma_start3A_83] : memref<2048x1024xf32, #tpu.memory_space<hbm>> -> memref<16x1024xf32, #tpu.memory_space<hbm>>
      %dma_start3A_85 = tpu.memref_slice %run_scoped3A_9[%rem3A_64] : memref<2x!tpu.dma_semaphore, #tpu.memory_space<semaphore_mem>> -> memref<1x!tpu.dma_semaphore, #tpu.memory_space<semaphore_mem>>
      %dma_start3A_86 = tpu.memref_squeeze %dma_start3A_85 : memref<1x!tpu.dma_semaphore, #tpu.memory_space<semaphore_mem>> -> memref<!tpu.dma_semaphore, #tpu.memory_space<semaphore_mem>>
      %dma_start3A_87 = arith.constant 0 : i32
      %dma_start3A_88 = arith.constant 0 : i32
      %dma_start3A_89 = tpu.memref_slice %run_scoped3A_8[%rem3A_64, %dma_start3A_87, %dma_start3A_88] : memref<2x16x1024xf32, #tpu.memory_space<vmem>> -> memref<1x16x1024xf32, #tpu.memory_space<vmem>>
      %dma_start3A_90 = tpu.memref_squeeze %dma_start3A_89 : memref<1x16x1024xf32, #tpu.memory_space<vmem>> -> memref<16x1024xf32, #tpu.memory_space<vmem>>
      %dma_start3A_91 = arith.constant 0 : i32
      %dma_start3A_92 = tpu.memref_slice %arg3[%mul3A_78, %dma_start3A_91] : memref<2048x1024xf32, #tpu.memory_space<hbm>> -> memref<16x1024xf32, #tpu.memory_space<hbm>>
      tpu.enqueue_dma source(%dma_start3A_92 : memref<16x1024xf32, #tpu.memory_space<hbm>>) target(%dma_start3A_90 : memref<16x1024xf32, #tpu.memory_space<vmem>>) target_semaphore(%dma_start3A_86 : memref<!tpu.dma_semaphore, #tpu.memory_space<semaphore_mem>>)
      %add3A_93 = arith.constant 0 : i32
      %add3A_94 = arith.constant 1 : i32
      %add3A_95 = arith.addi %add3A_93, %add3A_94 : i32
      %select_n3A_96 = arith.constant true
      %select_n3A_97 = arith.constant 0 : i32
      %select_n3A_98 = arith.select %select_n3A_96, %add3A_95, %select_n3A_97 : i32
      "tpu.trace_stop"() : () -> ()
      %scan3A = arith.constant 0 : i32
      %scan3A_99 = arith.constant 0 : i32
      %scan3A_100 = arith.constant 0 : i32
      %scan3A_101 = arith.constant 0 : i32
      %scan3A_102 = arith.constant 0 : i32
      %scan3A_103 = arith.constant 0 : i32
      %scan3A_104 = arith.constant 16 : i32
      %scan3A_105 = arith.addi %scan3A_103, %scan3A_104 : i32
      %scan3A_106 = arith.constant 1 : i32
      %scan3A_107:7 = scf.for %scan3A_161 = %scan3A_103 to %scan3A_105 step %scan3A_106 iter_args(%scan3A_162 = %select_n3A_61, %scan3A_163 = %scan3A, %scan3A_164 = %select_n3A_98, %scan3A_165 = %scan3A_99, %scan3A_166 = %scan3A_100, %scan3A_167 = %scan3A_101, %scan3A_168 = %scan3A_102) -> (i32, i32, i32, i32, i32, i32, i32)  : i32 {
        %eq3A_169 = arith.constant 0 : i32
        %eq3A_170 = arith.cmpi eq, %scan3A_161, %eq3A_169 : i32
        %eq3A_171 = arith.constant 15 : i32
        %eq3A_172 = arith.cmpi eq, %scan3A_161, %eq3A_171 : i32
        %add3A_173 = arith.addi %scan3A_168, %mul3A_6 : i32
        %sub3A_174 = arith.constant 1 : i32
        %sub3A_175 = arith.subi %scan3A_168, %sub3A_174 : i32
        %select_n3A_176 = arith.constant true
        %select_n3A_177 = arith.select %select_n3A_176, %sub3A_175, %scan3A_168 : i32
        %eq3A_178 = arith.constant -1 : i32
        %eq3A_179 = arith.cmpi eq, %select_n3A_177, %eq3A_178 : i32
        %select_n3A_180 = arith.constant 15 : i32
        %select_n3A_181 = arith.select %eq3A_179, %select_n3A_180, %select_n3A_177 : i32
        %add3A_182 = arith.addi %select_n3A_181, %mul3A_6 : i32
        %add3A_183 = arith.constant 1 : i32
        %add3A_184 = arith.addi %scan3A_168, %add3A_183 : i32
        %select_n3A_185 = arith.constant true
        %select_n3A_186 = arith.select %select_n3A_185, %add3A_184, %scan3A_168 : i32
        %eq3A_187 = arith.constant 16 : i32
        %eq3A_188 = arith.cmpi eq, %select_n3A_186, %eq3A_187 : i32
        %select_n3A_189 = arith.constant 0 : i32
        %select_n3A_190 = arith.select %eq3A_188, %select_n3A_189, %select_n3A_186 : i32
        %add3A_191 = arith.addi %select_n3A_190, %mul3A_6 : i32
        %add3A_192 = arith.constant 1 : i32
        %add3A_193 = arith.addi %select_n3A_190, %add3A_192 : i32
        %select_n3A_194 = arith.constant true
        %select_n3A_195 = arith.select %select_n3A_194, %add3A_193, %select_n3A_190 : i32
        %eq3A_196 = arith.constant 16 : i32
        %eq3A_197 = arith.cmpi eq, %select_n3A_195, %eq3A_196 : i32
        %select_n3A_198 = arith.constant 0 : i32
        %select_n3A_199 = arith.select %eq3A_197, %select_n3A_198, %select_n3A_195 : i32
        %add3A_200 = arith.addi %select_n3A_199, %mul3A_6 : i32
        %ne3A_201 = arith.cmpi ne, %add3A_173, %add3A_191 : i32
        %or3A = arith.constant false
        %or3A_202 = arith.ori %or3A, %ne3A_201 : i1
        %or3A_203 = arith.constant false
        %or3A_204 = arith.ori %or3A_202, %or3A_203 : i1
        %ge3A = arith.constant 15 : i32
        %ge3A_205 = arith.cmpi sge, %scan3A_161, %ge3A : i32
        %not3A = arith.constant true
        %not3A_206 = arith.xori %ge3A_205, %not3A : i1
        %and3A_207 = arith.andi %or3A_204, %not3A_206 : i1
        %convert_element_type3A = arith.extui %and3A_207 : i1 to i32
        %cond3A = arith.constant 0 : i32
        %cond3A_208 = arith.cmpi ne, %convert_element_type3A, %cond3A : i32
        scf.if %cond3A_208 {
          "tpu.trace_start"() <{level = 10 : i32, message = "ep_copy_in"}> : () -> ()
          %rem3A_544 = arith.constant 2 : i32
          %rem3A_545 = arith.remui %scan3A_162, %rem3A_544 : i32
          %mul3A_546 = arith.constant 16 : i32
          %mul3A_547 = arith.muli %mul3A_546, %add3A_191 : i32
          %dma_start3A_548 = arith.constant 0 : i32
          %dma_start3A_549 = arith.constant 0 : i32
          %dma_start3A_550 = tpu.memref_slice %run_scoped3A[%rem3A_545, %dma_start3A_548, %dma_start3A_549] : memref<2x16x1024xf32, #tpu.memory_space<vmem>> -> memref<1x16x1024xf32, #tpu.memory_space<vmem>>
          %dma_start3A_551 = tpu.memref_squeeze %dma_start3A_550 : memref<1x16x1024xf32, #tpu.memory_space<vmem>> -> memref<16x1024xf32, #tpu.memory_space<vmem>>
          %dma_start3A_552 = arith.constant 0 : i32
          %dma_start3A_553 = tpu.memref_slice %arg2[%mul3A_547, %dma_start3A_552] : memref<8192x1024xf32, #tpu.memory_space<hbm>> -> memref<16x1024xf32, #tpu.memory_space<hbm>>
          %dma_start3A_554 = tpu.memref_slice %run_scoped3A_7[%rem3A_545] : memref<2x!tpu.dma_semaphore, #tpu.memory_space<semaphore_mem>> -> memref<1x!tpu.dma_semaphore, #tpu.memory_space<semaphore_mem>>
          %dma_start3A_555 = tpu.memref_squeeze %dma_start3A_554 : memref<1x!tpu.dma_semaphore, #tpu.memory_space<semaphore_mem>> -> memref<!tpu.dma_semaphore, #tpu.memory_space<semaphore_mem>>
          %dma_start3A_556 = arith.constant 0 : i32
          %dma_start3A_557 = arith.constant 0 : i32
          %dma_start3A_558 = tpu.memref_slice %run_scoped3A[%rem3A_545, %dma_start3A_556, %dma_start3A_557] : memref<2x16x1024xf32, #tpu.memory_space<vmem>> -> memref<1x16x1024xf32, #tpu.memory_space<vmem>>
          %dma_start3A_559 = tpu.memref_squeeze %dma_start3A_558 : memref<1x16x1024xf32, #tpu.memory_space<vmem>> -> memref<16x1024xf32, #tpu.memory_space<vmem>>
          %dma_start3A_560 = arith.constant 0 : i32
          %dma_start3A_561 = tpu.memref_slice %arg2[%mul3A_547, %dma_start3A_560] : memref<8192x1024xf32, #tpu.memory_space<hbm>> -> memref<16x1024xf32, #tpu.memory_space<hbm>>
          tpu.enqueue_dma source(%dma_start3A_561 : memref<16x1024xf32, #tpu.memory_space<hbm>>) target(%dma_start3A_559 : memref<16x1024xf32, #tpu.memory_space<vmem>>) target_semaphore(%dma_start3A_555 : memref<!tpu.dma_semaphore, #tpu.memory_space<semaphore_mem>>)
          "tpu.trace_stop"() : () -> ()
        } else {
        }
        %and3A_209 = arith.constant true
        %and3A_210 = arith.andi %and3A_207, %and3A_209 : i1
        %add3A_211 = arith.constant 1 : i32
        %add3A_212 = arith.addi %scan3A_162, %add3A_211 : i32
        %select_n3A_213 = arith.select %and3A_210, %add3A_212, %scan3A_162 : i32
        %jit3A_214 = arith.constant 128 : i32
        %eq3A_215 = arith.constant 0 : i32
        %eq3A_216 = arith.cmpi eq, %jit3A_214, %eq3A_215 : i32
        %jit3A_217 = arith.constant 1 : i32
        %select_n3A_218 = arith.select %eq3A_216, %jit3A_217, %jit3A_214 : i32
        %rem3A_219 = arith.remsi %add3A_173, %select_n3A_218 : i32
        %ne3A_220 = arith.constant 0 : i32
        %ne3A_221 = arith.cmpi ne, %rem3A_219, %ne3A_220 : i32
        %lt3A_222 = arith.constant 0 : i32
        %lt3A_223 = arith.cmpi slt, %rem3A_219, %lt3A_222 : i32
        %lt3A_224 = arith.constant 0 : i32
        %lt3A_225 = arith.cmpi slt, %select_n3A_218, %lt3A_224 : i32
        %ne3A_226 = arith.xori %lt3A_223, %lt3A_225 : i1
        %and3A_227 = arith.andi %ne3A_226, %ne3A_221 : i1
        %add3A_228 = arith.addi %rem3A_219, %select_n3A_218 : i32
        %select_n3A_229 = arith.select %and3A_227, %add3A_228, %rem3A_219 : i32
        %jit3A_230 = arith.constant 128 : i32
        %eq3A_231 = arith.constant 0 : i32
        %eq3A_232 = arith.cmpi eq, %jit3A_230, %eq3A_231 : i32
        %jit3A_233 = arith.constant 1 : i32
        %select_n3A_234 = arith.select %eq3A_232, %jit3A_233, %jit3A_230 : i32
        %rem3A_235 = arith.remsi %add3A_191, %select_n3A_234 : i32
        %ne3A_236 = arith.constant 0 : i32
        %ne3A_237 = arith.cmpi ne, %rem3A_235, %ne3A_236 : i32
        %lt3A_238 = arith.constant 0 : i32
        %lt3A_239 = arith.cmpi slt, %rem3A_235, %lt3A_238 : i32
        %lt3A_240 = arith.constant 0 : i32
        %lt3A_241 = arith.cmpi slt, %select_n3A_234, %lt3A_240 : i32
        %ne3A_242 = arith.xori %lt3A_239, %lt3A_241 : i1
        %and3A_243 = arith.andi %ne3A_242, %ne3A_237 : i1
        %add3A_244 = arith.addi %rem3A_235, %select_n3A_234 : i32
        %select_n3A_245 = arith.select %and3A_243, %add3A_244, %rem3A_235 : i32
        %ne3A_246 = arith.cmpi ne, %select_n3A_229, %select_n3A_245 : i32
        %or3A_247 = arith.constant false
        %or3A_248 = arith.ori %or3A_247, %ne3A_246 : i1
        %or3A_249 = arith.constant false
        %or3A_250 = arith.ori %or3A_248, %or3A_249 : i1
        %ge3A_251 = arith.constant 15 : i32
        %ge3A_252 = arith.cmpi sge, %scan3A_161, %ge3A_251 : i32
        %not3A_253 = arith.constant true
        %not3A_254 = arith.xori %ge3A_252, %not3A_253 : i1
        %and3A_255 = arith.andi %or3A_250, %not3A_254 : i1
        %convert_element_type3A_256 = arith.extui %and3A_255 : i1 to i32
        %cond3A_257 = arith.constant 0 : i32
        %cond3A_258 = arith.cmpi ne, %convert_element_type3A_256, %cond3A_257 : i32
        scf.if %cond3A_258 {
          "tpu.trace_start"() <{level = 10 : i32, message = "ep_copy_in"}> : () -> ()
          %rem3A_544 = arith.constant 2 : i32
          %rem3A_545 = arith.remui %scan3A_164, %rem3A_544 : i32
          %jit3A_546 = arith.constant 128 : i32
          %eq3A_547 = arith.constant 0 : i32
          %eq3A_548 = arith.cmpi eq, %jit3A_546, %eq3A_547 : i32
          %jit3A_549 = arith.constant 1 : i32
          %select_n3A_550 = arith.select %eq3A_548, %jit3A_549, %jit3A_546 : i32
          %rem3A_551 = arith.remsi %add3A_191, %select_n3A_550 : i32
          %ne3A_552 = arith.constant 0 : i32
          %ne3A_553 = arith.cmpi ne, %rem3A_551, %ne3A_552 : i32
          %lt3A_554 = arith.constant 0 : i32
          %lt3A_555 = arith.cmpi slt, %rem3A_551, %lt3A_554 : i32
          %lt3A_556 = arith.constant 0 : i32
          %lt3A_557 = arith.cmpi slt, %select_n3A_550, %lt3A_556 : i32
          %ne3A_558 = arith.xori %lt3A_555, %lt3A_557 : i1
          %and3A_559 = arith.andi %ne3A_558, %ne3A_553 : i1
          %add3A_560 = arith.addi %rem3A_551, %select_n3A_550 : i32
          %select_n3A_561 = arith.select %and3A_559, %add3A_560, %rem3A_551 : i32
          %mul3A_562 = arith.constant 16 : i32
          %mul3A_563 = arith.muli %mul3A_562, %select_n3A_561 : i32
          %dma_start3A_564 = arith.constant 0 : i32
          %dma_start3A_565 = arith.constant 0 : i32
          %dma_start3A_566 = tpu.memref_slice %run_scoped3A_8[%rem3A_545, %dma_start3A_564, %dma_start3A_565] : memref<2x16x1024xf32, #tpu.memory_space<vmem>> -> memref<1x16x1024xf32, #tpu.memory_space<vmem>>
          %dma_start3A_567 = tpu.memref_squeeze %dma_start3A_566 : memref<1x16x1024xf32, #tpu.memory_space<vmem>> -> memref<16x1024xf32, #tpu.memory_space<vmem>>
          %dma_start3A_568 = arith.constant 0 : i32
          %dma_start3A_569 = tpu.memref_slice %arg3[%mul3A_563, %dma_start3A_568] : memref<2048x1024xf32, #tpu.memory_space<hbm>> -> memref<16x1024xf32, #tpu.memory_space<hbm>>
          %dma_start3A_570 = tpu.memref_slice %run_scoped3A_9[%rem3A_545] : memref<2x!tpu.dma_semaphore, #tpu.memory_space<semaphore_mem>> -> memref<1x!tpu.dma_semaphore, #tpu.memory_space<semaphore_mem>>
          %dma_start3A_571 = tpu.memref_squeeze %dma_start3A_570 : memref<1x!tpu.dma_semaphore, #tpu.memory_space<semaphore_mem>> -> memref<!tpu.dma_semaphore, #tpu.memory_space<semaphore_mem>>
          %dma_start3A_572 = arith.constant 0 : i32
          %dma_start3A_573 = arith.constant 0 : i32
          %dma_start3A_574 = tpu.memref_slice %run_scoped3A_8[%rem3A_545, %dma_start3A_572, %dma_start3A_573] : memref<2x16x1024xf32, #tpu.memory_space<vmem>> -> memref<1x16x1024xf32, #tpu.memory_space<vmem>>
          %dma_start3A_575 = tpu.memref_squeeze %dma_start3A_574 : memref<1x16x1024xf32, #tpu.memory_space<vmem>> -> memref<16x1024xf32, #tpu.memory_space<vmem>>
          %dma_start3A_576 = arith.constant 0 : i32
          %dma_start3A_577 = tpu.memref_slice %arg3[%mul3A_563, %dma_start3A_576] : memref<2048x1024xf32, #tpu.memory_space<hbm>> -> memref<16x1024xf32, #tpu.memory_space<hbm>>
          tpu.enqueue_dma source(%dma_start3A_577 : memref<16x1024xf32, #tpu.memory_space<hbm>>) target(%dma_start3A_575 : memref<16x1024xf32, #tpu.memory_space<vmem>>) target_semaphore(%dma_start3A_571 : memref<!tpu.dma_semaphore, #tpu.memory_space<semaphore_mem>>)
          "tpu.trace_stop"() : () -> ()
        } else {
        }
        %and3A_259 = arith.constant true
        %and3A_260 = arith.andi %and3A_255, %and3A_259 : i1
        %add3A_261 = arith.constant 1 : i32
        %add3A_262 = arith.addi %scan3A_164, %add3A_261 : i32
        %select_n3A_263 = arith.select %and3A_260, %add3A_262, %scan3A_164 : i32
        %ne3A_264 = arith.cmpi ne, %add3A_173, %add3A_191 : i32
        %or3A_265 = arith.constant false
        %or3A_266 = arith.ori %or3A_265, %ne3A_264 : i1
        %or3A_267 = arith.constant false
        %or3A_268 = arith.ori %or3A_266, %or3A_267 : i1
        %ge3A_269 = arith.constant 15 : i32
        %ge3A_270 = arith.cmpi sge, %scan3A_161, %ge3A_269 : i32
        %not3A_271 = arith.constant true
        %not3A_272 = arith.xori %ge3A_270, %not3A_271 : i1
        %and3A_273 = arith.andi %or3A_268, %not3A_272 : i1
        %ne3A_274 = arith.cmpi ne, %add3A_173, %add3A_182 : i32
        %or3A_275 = arith.constant false
        %or3A_276 = arith.ori %or3A_275, %ne3A_274 : i1
        %or3A_277 = arith.constant false
        %or3A_278 = arith.ori %or3A_276, %or3A_277 : i1
        %or3A_279 = arith.ori %or3A_278, %eq3A_170 : i1
        %convert_element_type3A_280 = arith.extui %or3A_279 : i1 to i32
        %cond3A_281 = arith.constant 0 : i32
        %cond3A_282 = arith.cmpi ne, %convert_element_type3A_280, %cond3A_281 : i32
        scf.if %cond3A_282 {
          "tpu.trace_start"() <{level = 10 : i32, message = "ep_wait_in"}> : () -> ()
          %mul3A_544 = arith.constant 16 : i32
          %mul3A_545 = arith.muli %mul3A_544, %add3A_173 : i32
          %rem3A_546 = arith.constant 2 : i32
          %rem3A_547 = arith.remui %scan3A_163, %rem3A_546 : i32
          %dma_wait3A_548 = arith.constant 0 : i32
          %dma_wait3A_549 = arith.constant 0 : i32
          %dma_wait3A_550 = tpu.memref_slice %run_scoped3A[%rem3A_547, %dma_wait3A_548, %dma_wait3A_549] : memref<2x16x1024xf32, #tpu.memory_space<vmem>> -> memref<1x16x1024xf32, #tpu.memory_space<vmem>>
          %dma_wait3A_551 = tpu.memref_squeeze %dma_wait3A_550 : memref<1x16x1024xf32, #tpu.memory_space<vmem>> -> memref<16x1024xf32, #tpu.memory_space<vmem>>
          %dma_wait3A_552 = arith.constant 0 : i32
          %dma_wait3A_553 = tpu.memref_slice %arg2[%mul3A_545, %dma_wait3A_552] : memref<8192x1024xf32, #tpu.memory_space<hbm>> -> memref<16x1024xf32, #tpu.memory_space<hbm>>
          %dma_wait3A_554 = tpu.memref_slice %run_scoped3A_7[%rem3A_547] : memref<2x!tpu.dma_semaphore, #tpu.memory_space<semaphore_mem>> -> memref<1x!tpu.dma_semaphore, #tpu.memory_space<semaphore_mem>>
          %dma_wait3A_555 = tpu.memref_squeeze %dma_wait3A_554 : memref<1x!tpu.dma_semaphore, #tpu.memory_space<semaphore_mem>> -> memref<!tpu.dma_semaphore, #tpu.memory_space<semaphore_mem>>
          %dma_wait3A_556 = arith.constant 0 : i32
          %dma_wait3A_557 = arith.constant 0 : i32
          %dma_wait3A_558 = tpu.memref_slice %run_scoped3A[%rem3A_547, %dma_wait3A_556, %dma_wait3A_557] : memref<2x16x1024xf32, #tpu.memory_space<vmem>> -> memref<1x16x1024xf32, #tpu.memory_space<vmem>>
          %dma_wait3A_559 = tpu.memref_squeeze %dma_wait3A_558 : memref<1x16x1024xf32, #tpu.memory_space<vmem>> -> memref<16x1024xf32, #tpu.memory_space<vmem>>
          %dma_wait3A_560 = arith.constant 0 : i32
          %dma_wait3A_561 = tpu.memref_slice %arg2[%mul3A_545, %dma_wait3A_560] : memref<8192x1024xf32, #tpu.memory_space<hbm>> -> memref<16x1024xf32, #tpu.memory_space<hbm>>
          tpu.wait_dma2 semaphore(%dma_wait3A_555 : memref<!tpu.dma_semaphore, #tpu.memory_space<semaphore_mem>>) src(%dma_wait3A_561 : memref<16x1024xf32, #tpu.memory_space<hbm>>) dst(%dma_wait3A_559 : memref<16x1024xf32, #tpu.memory_space<vmem>>)
          "tpu.trace_stop"() : () -> ()
        } else {
        }
        %jit3A_283 = arith.constant 128 : i32
        %eq3A_284 = arith.constant 0 : i32
        %eq3A_285 = arith.cmpi eq, %jit3A_283, %eq3A_284 : i32
        %jit3A_286 = arith.constant 1 : i32
        %select_n3A_287 = arith.select %eq3A_285, %jit3A_286, %jit3A_283 : i32
        %rem3A_288 = arith.remsi %add3A_173, %select_n3A_287 : i32
        %ne3A_289 = arith.constant 0 : i32
        %ne3A_290 = arith.cmpi ne, %rem3A_288, %ne3A_289 : i32
        %lt3A_291 = arith.constant 0 : i32
        %lt3A_292 = arith.cmpi slt, %rem3A_288, %lt3A_291 : i32
        %lt3A_293 = arith.constant 0 : i32
        %lt3A_294 = arith.cmpi slt, %select_n3A_287, %lt3A_293 : i32
        %ne3A_295 = arith.xori %lt3A_292, %lt3A_294 : i1
        %and3A_296 = arith.andi %ne3A_295, %ne3A_290 : i1
        %add3A_297 = arith.addi %rem3A_288, %select_n3A_287 : i32
        %select_n3A_298 = arith.select %and3A_296, %add3A_297, %rem3A_288 : i32
        %jit3A_299 = arith.constant 128 : i32
        %eq3A_300 = arith.constant 0 : i32
        %eq3A_301 = arith.cmpi eq, %jit3A_299, %eq3A_300 : i32
        %jit3A_302 = arith.constant 1 : i32
        %select_n3A_303 = arith.select %eq3A_301, %jit3A_302, %jit3A_299 : i32
        %rem3A_304 = arith.remsi %add3A_182, %select_n3A_303 : i32
        %ne3A_305 = arith.constant 0 : i32
        %ne3A_306 = arith.cmpi ne, %rem3A_304, %ne3A_305 : i32
        %lt3A_307 = arith.constant 0 : i32
        %lt3A_308 = arith.cmpi slt, %rem3A_304, %lt3A_307 : i32
        %lt3A_309 = arith.constant 0 : i32
        %lt3A_310 = arith.cmpi slt, %select_n3A_303, %lt3A_309 : i32
        %ne3A_311 = arith.xori %lt3A_308, %lt3A_310 : i1
        %and3A_312 = arith.andi %ne3A_311, %ne3A_306 : i1
        %add3A_313 = arith.addi %rem3A_304, %select_n3A_303 : i32
        %select_n3A_314 = arith.select %and3A_312, %add3A_313, %rem3A_304 : i32
        %ne3A_315 = arith.cmpi ne, %select_n3A_298, %select_n3A_314 : i32
        %or3A_316 = arith.constant false
        %or3A_317 = arith.ori %or3A_316, %ne3A_315 : i1
        %or3A_318 = arith.constant false
        %or3A_319 = arith.ori %or3A_317, %or3A_318 : i1
        %or3A_320 = arith.ori %or3A_319, %eq3A_170 : i1
        %convert_element_type3A_321 = arith.extui %or3A_320 : i1 to i32
        %cond3A_322 = arith.constant 0 : i32
        %cond3A_323 = arith.cmpi ne, %convert_element_type3A_321, %cond3A_322 : i32
        scf.if %cond3A_323 {
          %jit3A_544 = arith.constant 128 : i32
          "tpu.trace_start"() <{level = 10 : i32, message = "ep_wait_in"}> : () -> ()
          %eq3A_545 = arith.constant 0 : i32
          %eq3A_546 = arith.cmpi eq, %jit3A_544, %eq3A_545 : i32
          %jit3A_547 = arith.constant 1 : i32
          %select_n3A_548 = arith.select %eq3A_546, %jit3A_547, %jit3A_544 : i32
          %rem3A_549 = arith.remsi %add3A_173, %select_n3A_548 : i32
          %ne3A_550 = arith.constant 0 : i32
          %ne3A_551 = arith.cmpi ne, %rem3A_549, %ne3A_550 : i32
          %lt3A_552 = arith.constant 0 : i32
          %lt3A_553 = arith.cmpi slt, %rem3A_549, %lt3A_552 : i32
          %lt3A_554 = arith.constant 0 : i32
          %lt3A_555 = arith.cmpi slt, %select_n3A_548, %lt3A_554 : i32
          %ne3A_556 = arith.xori %lt3A_553, %lt3A_555 : i1
          %and3A_557 = arith.andi %ne3A_556, %ne3A_551 : i1
          %add3A_558 = arith.addi %rem3A_549, %select_n3A_548 : i32
          %select_n3A_559 = arith.select %and3A_557, %add3A_558, %rem3A_549 : i32
          %mul3A_560 = arith.constant 16 : i32
          %mul3A_561 = arith.muli %mul3A_560, %select_n3A_559 : i32
          %rem3A_562 = arith.constant 2 : i32
          %rem3A_563 = arith.remui %scan3A_165, %rem3A_562 : i32
          %dma_wait3A_564 = arith.constant 0 : i32
          %dma_wait3A_565 = arith.constant 0 : i32
          %dma_wait3A_566 = tpu.memref_slice %run_scoped3A_8[%rem3A_563, %dma_wait3A_564, %dma_wait3A_565] : memref<2x16x1024xf32, #tpu.memory_space<vmem>> -> memref<1x16x1024xf32, #tpu.memory_space<vmem>>
          %dma_wait3A_567 = tpu.memref_squeeze %dma_wait3A_566 : memref<1x16x1024xf32, #tpu.memory_space<vmem>> -> memref<16x1024xf32, #tpu.memory_space<vmem>>
          %dma_wait3A_568 = arith.constant 0 : i32
          %dma_wait3A_569 = tpu.memref_slice %arg3[%mul3A_561, %dma_wait3A_568] : memref<2048x1024xf32, #tpu.memory_space<hbm>> -> memref<16x1024xf32, #tpu.memory_space<hbm>>
          %dma_wait3A_570 = tpu.memref_slice %run_scoped3A_9[%rem3A_563] : memref<2x!tpu.dma_semaphore, #tpu.memory_space<semaphore_mem>> -> memref<1x!tpu.dma_semaphore, #tpu.memory_space<semaphore_mem>>
          %dma_wait3A_571 = tpu.memref_squeeze %dma_wait3A_570 : memref<1x!tpu.dma_semaphore, #tpu.memory_space<semaphore_mem>> -> memref<!tpu.dma_semaphore, #tpu.memory_space<semaphore_mem>>
          %dma_wait3A_572 = arith.constant 0 : i32
          %dma_wait3A_573 = arith.constant 0 : i32
          %dma_wait3A_574 = tpu.memref_slice %run_scoped3A_8[%rem3A_563, %dma_wait3A_572, %dma_wait3A_573] : memref<2x16x1024xf32, #tpu.memory_space<vmem>> -> memref<1x16x1024xf32, #tpu.memory_space<vmem>>
          %dma_wait3A_575 = tpu.memref_squeeze %dma_wait3A_574 : memref<1x16x1024xf32, #tpu.memory_space<vmem>> -> memref<16x1024xf32, #tpu.memory_space<vmem>>
          %dma_wait3A_576 = arith.constant 0 : i32
          %dma_wait3A_577 = tpu.memref_slice %arg3[%mul3A_561, %dma_wait3A_576] : memref<2048x1024xf32, #tpu.memory_space<hbm>> -> memref<16x1024xf32, #tpu.memory_space<hbm>>
          tpu.wait_dma2 semaphore(%dma_wait3A_571 : memref<!tpu.dma_semaphore, #tpu.memory_space<semaphore_mem>>) src(%dma_wait3A_577 : memref<16x1024xf32, #tpu.memory_space<hbm>>) dst(%dma_wait3A_575 : memref<16x1024xf32, #tpu.memory_space<vmem>>)
          "tpu.trace_stop"() : () -> ()
        } else {
        }
        %ne3A_324 = arith.cmpi ne, %add3A_173, %add3A_182 : i32
        %or3A_325 = arith.constant false
        %or3A_326 = arith.ori %or3A_325, %ne3A_324 : i1
        %or3A_327 = arith.constant false
        %or3A_328 = arith.ori %or3A_326, %or3A_327 : i1
        %or3A_329 = arith.ori %or3A_328, %eq3A_170 : i1
        %convert_element_type3A_330 = arith.extui %or3A_329 : i1 to i32
        %cond3A_331 = arith.constant 0 : i32
        %cond3A_332 = arith.cmpi ne, %convert_element_type3A_330, %cond3A_331 : i32
        scf.if %cond3A_332 {
        } else {
        }
        %rem3A_333 = arith.constant 2 : i32
        %rem3A_334 = arith.remui %scan3A_163, %rem3A_333 : i32
        %rem3A_335 = arith.constant 2 : i32
        %rem3A_336 = arith.remui %scan3A_165, %rem3A_335 : i32
        %rem3A_337 = arith.constant 2 : i32
        %rem3A_338 = arith.remui %scan3A_166, %rem3A_337 : i32
        "tpu.trace_start"() <{level = 10 : i32, message = "ep_run_kernel"}> : () -> ()
        %scan3A_339 = arith.constant 0 : i32
        %scan3A_340 = arith.constant 16 : i32
        %scan3A_341 = arith.addi %scan3A_339, %scan3A_340 : i32
        %scan3A_342 = arith.constant 1 : i32
        scf.for %scan3A_544 = %scan3A_339 to %scan3A_341 step %scan3A_342  : i32 {
          %mul3A_545 = arith.constant 1 : i32
          %mul3A_546 = arith.muli %scan3A_544, %mul3A_545 : i32
          %add3A_547 = arith.constant 0 : i32
          %add3A_548 = arith.addi %add3A_547, %mul3A_546 : i32
          %get3A = arith.constant 0 : i32
          %get3A_549 = arith.constant 0 : i32
          %get3A_550 = tpu.memref_slice %run_scoped3A[%rem3A_334, %get3A, %get3A_549] : memref<2x16x1024xf32, #tpu.memory_space<vmem>> -> memref<1x16x1024xf32, #tpu.memory_space<vmem>>
          %get3A_551 = tpu.memref_squeeze %get3A_550 : memref<1x16x1024xf32, #tpu.memory_space<vmem>> -> memref<16x1024xf32, #tpu.memory_space<vmem>>
          %get3A_552 = arith.index_cast %add3A_548 : i32 to index
          %get3A_553 = arith.constant 0 : index
          %get3A_554 = tpu.vector_load %get3A_551[%get3A_552, %get3A_553] {strides = array<i32>} : memref<16x1024xf32, #tpu.memory_space<vmem>>, vector<1x16xf32>,
          %get3A_555 = vector.shape_cast %get3A_554 : vector<1x16xf32> to vector<1x16xf32>
          %get3A_556 = arith.constant 0 : i32
          %get3A_557 = arith.constant 0 : i32
          %get3A_558 = tpu.memref_slice %run_scoped3A_8[%rem3A_336, %get3A_556, %get3A_557] : memref<2x16x1024xf32, #tpu.memory_space<vmem>> -> memref<1x16x1024xf32, #tpu.memory_space<vmem>>
          %get3A_559 = tpu.memref_squeeze %get3A_558 : memref<1x16x1024xf32, #tpu.memory_space<vmem>> -> memref<16x1024xf32, #tpu.memory_space<vmem>>
          %get3A_560 = arith.index_cast %add3A_548 : i32 to index
          %get3A_561 = arith.constant 0 : index
          %get3A_562 = tpu.vector_load %get3A_559[%get3A_560, %get3A_561] {strides = array<i32>} : memref<16x1024xf32, #tpu.memory_space<vmem>>, vector<1x16xf32>,
          %get3A_563 = vector.shape_cast %get3A_562 : vector<1x16xf32> to vector<1x16xf32>
          %add3A_564 = arith.addf %get3A_555, %get3A_563 : vector<1x16xf32>
          %swap3A = arith.constant 0 : i32
          %swap3A_565 = arith.constant 0 : i32
          %swap3A_566 = tpu.memref_slice %run_scoped3A_10[%rem3A_338, %swap3A, %swap3A_565] : memref<2x16x1024xf32, #tpu.memory_space<vmem>> -> memref<1x16x1024xf32, #tpu.memory_space<vmem>>
          %swap3A_567 = tpu.memref_squeeze %swap3A_566 : memref<1x16x1024xf32, #tpu.memory_space<vmem>> -> memref<16x1024xf32, #tpu.memory_space<vmem>>
          %swap3A_568 = arith.index_cast %add3A_548 : i32 to index
          %swap3A_569 = arith.constant 0 : index
          %swap3A_570 = tpu.vector_load %swap3A_567[%swap3A_568, %swap3A_569] {strides = array<i32>} : memref<16x1024xf32, #tpu.memory_space<vmem>>, vector<1x16xf32>,
          %swap3A_571 = vector.shape_cast %swap3A_570 : vector<1x16xf32> to vector<1x16xf32>
          %swap3A_572 = vector.shape_cast %add3A_564 : vector<1x16xf32> to vector<1x16xf32>
          tpu.vector_store %swap3A_567[%swap3A_568, %swap3A_569], %swap3A_572 {strides = array<i32>} : memref<16x1024xf32, #tpu.memory_space<vmem>>, vector<1x16xf32>,
          %get3A_573 = arith.constant 0 : i32
          %get3A_574 = arith.constant 0 : i32
          %get3A_575 = tpu.memref_slice %run_scoped3A[%rem3A_334, %get3A_573, %get3A_574] : memref<2x16x1024xf32, #tpu.memory_space<vmem>> -> memref<1x16x1024xf32, #tpu.memory_space<vmem>>
          %get3A_576 = tpu.memref_squeeze %get3A_575 : memref<1x16x1024xf32, #tpu.memory_space<vmem>> -> memref<16x1024xf32, #tpu.memory_space<vmem>>
          %get3A_577 = arith.index_cast %add3A_548 : i32 to index
          %get3A_578 = arith.constant 16 : index
          %get3A_579 = tpu.vector_load %get3A_576[%get3A_577, %get3A_578] {strides = array<i32>} : memref<16x1024xf32, #tpu.memory_space<vmem>>, vector<1x16xf32>,
          %get3A_580 = vector.shape_cast %get3A_579 : vector<1x16xf32> to vector<1x16xf32>
          %get3A_581 = arith.constant 0 : i32
          %get3A_582 = arith.constant 0 : i32
          %get3A_583 = tpu.memref_slice %run_scoped3A_8[%rem3A_336, %get3A_581, %get3A_582] : memref<2x16x1024xf32, #tpu.memory_space<vmem>> -> memref<1x16x1024xf32, #tpu.memory_space<vmem>>
          %get3A_584 = tpu.memref_squeeze %get3A_583 : memref<1x16x1024xf32, #tpu.memory_space<vmem>> -> memref<16x1024xf32, #tpu.memory_space<vmem>>
          %get3A_585 = arith.index_cast %add3A_548 : i32 to index
          %get3A_586 = arith.constant 16 : index
          %get3A_587 = tpu.vector_load %get3A_584[%get3A_585, %get3A_586] {strides = array<i32>} : memref<16x1024xf32, #tpu.memory_space<vmem>>, vector<1x16xf32>,
          %get3A_588 = vector.shape_cast %get3A_587 : vector<1x16xf32> to vector<1x16xf32>
          %add3A_589 = arith.addf %get3A_580, %get3A_588 : vector<1x16xf32>
          %swap3A_590 = arith.constant 0 : i32
          %swap3A_591 = arith.constant 0 : i32
          %swap3A_592 = tpu.memref_slice %run_scoped3A_10[%rem3A_338, %swap3A_590, %swap3A_591] : memref<2x16x1024xf32, #tpu.memory_space<vmem>> -> memref<1x16x1024xf32, #tpu.memory_space<vmem>>
          %swap3A_593 = tpu.memref_squeeze %swap3A_592 : memref<1x16x1024xf32, #tpu.memory_space<vmem>> -> memref<16x1024xf32, #tpu.memory_space<vmem>>
          %swap3A_594 = arith.index_cast %add3A_548 : i32 to index
          %swap3A_595 = arith.constant 16 : index
          %swap3A_596 = tpu.vector_load %swap3A_593[%swap3A_594, %swap3A_595] {strides = array<i32>} : memref<16x1024xf32, #tpu.memory_space<vmem>>, vector<1x16xf32>,
          %swap3A_597 = vector.shape_cast %swap3A_596 : vector<1x16xf32> to vector<1x16xf32>
          %swap3A_598 = vector.shape_cast %add3A_589 : vector<1x16xf32> to vector<1x16xf32>
          tpu.vector_store %swap3A_593[%swap3A_594, %swap3A_595], %swap3A_598 {strides = array<i32>} : memref<16x1024xf32, #tpu.memory_space<vmem>>, vector<1x16xf32>,
          %get3A_599 = arith.constant 0 : i32
          %get3A_600 = arith.constant 0 : i32
          %get3A_601 = tpu.memref_slice %run_scoped3A[%rem3A_334, %get3A_599, %get3A_600] : memref<2x16x1024xf32, #tpu.memory_space<vmem>> -> memref<1x16x1024xf32, #tpu.memory_space<vmem>>
          %get3A_602 = tpu.memref_squeeze %get3A_601 : memref<1x16x1024xf32, #tpu.memory_space<vmem>> -> memref<16x1024xf32, #tpu.memory_space<vmem>>
          %get3A_603 = arith.index_cast %add3A_548 : i32 to index
          %get3A_604 = arith.constant 32 : index
          %get3A_605 = tpu.vector_load %get3A_602[%get3A_603, %get3A_604] {strides = array<i32>} : memref<16x1024xf32, #tpu.memory_space<vmem>>, vector<1x16xf32>,
          %get3A_606 = vector.shape_cast %get3A_605 : vector<1x16xf32> to vector<1x16xf32>
          %get3A_607 = arith.constant 0 : i32
          %get3A_608 = arith.constant 0 : i32
          %get3A_609 = tpu.memref_slice %run_scoped3A_8[%rem3A_336, %get3A_607, %get3A_608] : memref<2x16x1024xf32, #tpu.memory_space<vmem>> -> memref<1x16x1024xf32, #tpu.memory_space<vmem>>
          %get3A_610 = tpu.memref_squeeze %get3A_609 : memref<1x16x1024xf32, #tpu.memory_space<vmem>> -> memref<16x1024xf32, #tpu.memory_space<vmem>>
          %get3A_611 = arith.index_cast %add3A_548 : i32 to index
          %get3A_612 = arith.constant 32 : index
          %get3A_613 = tpu.vector_load %get3A_610[%get3A_611, %get3A_612] {strides = array<i32>} : memref<16x1024xf32, #tpu.memory_space<vmem>>, vector<1x16xf32>,
          %get3A_614 = vector.shape_cast %get3A_613 : vector<1x16xf32> to vector<1x16xf32>
          %add3A_615 = arith.addf %get3A_606, %get3A_614 : vector<1x16xf32>
          %swap3A_616 = arith.constant 0 : i32
          %swap3A_617 = arith.constant 0 : i32
          %swap3A_618 = tpu.memref_slice %run_scoped3A_10[%rem3A_338, %swap3A_616, %swap3A_617] : memref<2x16x1024xf32, #tpu.memory_space<vmem>> -> memref<1x16x1024xf32, #tpu.memory_space<vmem>>
          %swap3A_619 = tpu.memref_squeeze %swap3A_618 : memref<1x16x1024xf32, #tpu.memory_space<vmem>> -> memref<16x1024xf32, #tpu.memory_space<vmem>>
          %swap3A_620 = arith.index_cast %add3A_548 : i32 to index
          %swap3A_621 = arith.constant 32 : index
          %swap3A_622 = tpu.vector_load %swap3A_619[%swap3A_620, %swap3A_621] {strides = array<i32>} : memref<16x1024xf32, #tpu.memory_space<vmem>>, vector<1x16xf32>,
          %swap3A_623 = vector.shape_cast %swap3A_622 : vector<1x16xf32> to vector<1x16xf32>
          %swap3A_624 = vector.shape_cast %add3A_615 : vector<1x16xf32> to vector<1x16xf32>
          tpu.vector_store %swap3A_619[%swap3A_620, %swap3A_621], %swap3A_624 {strides = array<i32>} : memref<16x1024xf32, #tpu.memory_space<vmem>>, vector<1x16xf32>,
          %get3A_625 = arith.constant 0 : i32
          %get3A_626 = arith.constant 0 : i32
          %get3A_627 = tpu.memref_slice %run_scoped3A[%rem3A_334, %get3A_625, %get3A_626] : memref<2x16x1024xf32, #tpu.memory_space<vmem>> -> memref<1x16x1024xf32, #tpu.memory_space<vmem>>
          %get3A_628 = tpu.memref_squeeze %get3A_627 : memref<1x16x1024xf32, #tpu.memory_space<vmem>> -> memref<16x1024xf32, #tpu.memory_space<vmem>>
          %get3A_629 = arith.index_cast %add3A_548 : i32 to index
          %get3A_630 = arith.constant 48 : index
          %get3A_631 = tpu.vector_load %get3A_628[%get3A_629, %get3A_630] {strides = array<i32>} : memref<16x1024xf32, #tpu.memory_space<vmem>>, vector<1x16xf32>,
          %get3A_632 = vector.shape_cast %get3A_631 : vector<1x16xf32> to vector<1x16xf32>
          %get3A_633 = arith.constant 0 : i32
          %get3A_634 = arith.constant 0 : i32
          %get3A_635 = tpu.memref_slice %run_scoped3A_8[%rem3A_336, %get3A_633, %get3A_634] : memref<2x16x1024xf32, #tpu.memory_space<vmem>> -> memref<1x16x1024xf32, #tpu.memory_space<vmem>>
          %get3A_636 = tpu.memref_squeeze %get3A_635 : memref<1x16x1024xf32, #tpu.memory_space<vmem>> -> memref<16x1024xf32, #tpu.memory_space<vmem>>
          %get3A_637 = arith.index_cast %add3A_548 : i32 to index
          %get3A_638 = arith.constant 48 : index
          %get3A_639 = tpu.vector_load %get3A_636[%get3A_637, %get3A_638] {strides = array<i32>} : memref<16x1024xf32, #tpu.memory_space<vmem>>, vector<1x16xf32>,
          %get3A_640 = vector.shape_cast %get3A_639 : vector<1x16xf32> to vector<1x16xf32>
          %add3A_641 = arith.addf %get3A_632, %get3A_640 : vector<1x16xf32>
          %swap3A_642 = arith.constant 0 : i32
          %swap3A_643 = arith.constant 0 : i32
          %swap3A_644 = tpu.memref_slice %run_scoped3A_10[%rem3A_338, %swap3A_642, %swap3A_643] : memref<2x16x1024xf32, #tpu.memory_space<vmem>> -> memref<1x16x1024xf32, #tpu.memory_space<vmem>>
          %swap3A_645 = tpu.memref_squeeze %swap3A_644 : memref<1x16x1024xf32, #tpu.memory_space<vmem>> -> memref<16x1024xf32, #tpu.memory_space<vmem>>
          %swap3A_646 = arith.index_cast %add3A_548 : i32 to index
          %swap3A_647 = arith.constant 48 : index
          %swap3A_648 = tpu.vector_load %swap3A_645[%swap3A_646, %swap3A_647] {strides = array<i32>} : memref<16x1024xf32, #tpu.memory_space<vmem>>, vector<1x16xf32>,
          %swap3A_649 = vector.shape_cast %swap3A_648 : vector<1x16xf32> to vector<1x16xf32>
          %swap3A_650 = vector.shape_cast %add3A_641 : vector<1x16xf32> to vector<1x16xf32>
          tpu.vector_store %swap3A_645[%swap3A_646, %swap3A_647], %swap3A_650 {strides = array<i32>} : memref<16x1024xf32, #tpu.memory_space<vmem>>, vector<1x16xf32>,
          %get3A_651 = arith.constant 0 : i32
          %get3A_652 = arith.constant 0 : i32
          %get3A_653 = tpu.memref_slice %run_scoped3A[%rem3A_334, %get3A_651, %get3A_652] : memref<2x16x1024xf32, #tpu.memory_space<vmem>> -> memref<1x16x1024xf32, #tpu.memory_space<vmem>>
          %get3A_654 = tpu.memref_squeeze %get3A_653 : memref<1x16x1024xf32, #tpu.memory_space<vmem>> -> memref<16x1024xf32, #tpu.memory_space<vmem>>
          %get3A_655 = arith.index_cast %add3A_548 : i32 to index
          %get3A_656 = arith.constant 64 : index
          %get3A_657 = tpu.vector_load %get3A_654[%get3A_655, %get3A_656] {strides = array<i32>} : memref<16x1024xf32, #tpu.memory_space<vmem>>, vector<1x16xf32>,
          %get3A_658 = vector.shape_cast %get3A_657 : vector<1x16xf32> to vector<1x16xf32>
          %get3A_659 = arith.constant 0 : i32
          %get3A_660 = arith.constant 0 : i32
          %get3A_661 = tpu.memref_slice %run_scoped3A_8[%rem3A_336, %get3A_659, %get3A_660] : memref<2x16x1024xf32, #tpu.memory_space<vmem>> -> memref<1x16x1024xf32, #tpu.memory_space<vmem>>
          %get3A_662 = tpu.memref_squeeze %get3A_661 : memref<1x16x1024xf32, #tpu.memory_space<vmem>> -> memref<16x1024xf32, #tpu.memory_space<vmem>>
          %get3A_663 = arith.index_cast %add3A_548 : i32 to index
          %get3A_664 = arith.constant 64 : index
          %get3A_665 = tpu.vector_load %get3A_662[%get3A_663, %get3A_664] {strides = array<i32>} : memref<16x1024xf32, #tpu.memory_space<vmem>>, vector<1x16xf32>,
          %get3A_666 = vector.shape_cast %get3A_665 : vector<1x16xf32> to vector<1x16xf32>
          %add3A_667 = arith.addf %get3A_658, %get3A_666 : vector<1x16xf32>
          %swap3A_668 = arith.constant 0 : i32
          %swap3A_669 = arith.constant 0 : i32
          %swap3A_670 = tpu.memref_slice %run_scoped3A_10[%rem3A_338, %swap3A_668, %swap3A_669] : memref<2x16x1024xf32, #tpu.memory_space<vmem>> -> memref<1x16x1024xf32, #tpu.memory_space<vmem>>
          %swap3A_671 = tpu.memref_squeeze %swap3A_670 : memref<1x16x1024xf32, #tpu.memory_space<vmem>> -> memref<16x1024xf32, #tpu.memory_space<vmem>>
          %swap3A_672 = arith.index_cast %add3A_548 : i32 to index
          %swap3A_673 = arith.constant 64 : index
          %swap3A_674 = tpu.vector_load %swap3A_671[%swap3A_672, %swap3A_673] {strides = array<i32>} : memref<16x1024xf32, #tpu.memory_space<vmem>>, vector<1x16xf32>,
          %swap3A_675 = vector.shape_cast %swap3A_674 : vector<1x16xf32> to vector<1x16xf32>
          %swap3A_676 = vector.shape_cast %add3A_667 : vector<1x16xf32> to vector<1x16xf32>
          tpu.vector_store %swap3A_671[%swap3A_672, %swap3A_673], %swap3A_676 {strides = array<i32>} : memref<16x1024xf32, #tpu.memory_space<vmem>>, vector<1x16xf32>,
          %get3A_677 = arith.constant 0 : i32
          %get3A_678 = arith.constant 0 : i32
          %get3A_679 = tpu.memref_slice %run_scoped3A[%rem3A_334, %get3A_677, %get3A_678] : memref<2x16x1024xf32, #tpu.memory_space<vmem>> -> memref<1x16x1024xf32, #tpu.memory_space<vmem>>
          %get3A_680 = tpu.memref_squeeze %get3A_679 : memref<1x16x1024xf32, #tpu.memory_space<vmem>> -> memref<16x1024xf32, #tpu.memory_space<vmem>>
          %get3A_681 = arith.index_cast %add3A_548 : i32 to index
          %get3A_682 = arith.constant 80 : index
          %get3A_683 = tpu.vector_load %get3A_680[%get3A_681, %get3A_682] {strides = array<i32>} : memref<16x1024xf32, #tpu.memory_space<vmem>>, vector<1x16xf32>,
          %get3A_684 = vector.shape_cast %get3A_683 : vector<1x16xf32> to vector<1x16xf32>
          %get3A_685 = arith.constant 0 : i32
          %get3A_686 = arith.constant 0 : i32
          %get3A_687 = tpu.memref_slice %run_scoped3A_8[%rem3A_336, %get3A_685, %get3A_686] : memref<2x16x1024xf32, #tpu.memory_space<vmem>> -> memref<1x16x1024xf32, #tpu.memory_space<vmem>>
          %get3A_688 = tpu.memref_squeeze %get3A_687 : memref<1x16x1024xf32, #tpu.memory_space<vmem>> -> memref<16x1024xf32, #tpu.memory_space<vmem>>
          %get3A_689 = arith.index_cast %add3A_548 : i32 to index
          %get3A_690 = arith.constant 80 : index
          %get3A_691 = tpu.vector_load %get3A_688[%get3A_689, %get3A_690] {strides = array<i32>} : memref<16x1024xf32, #tpu.memory_space<vmem>>, vector<1x16xf32>,
          %get3A_692 = vector.shape_cast %get3A_691 : vector<1x16xf32> to vector<1x16xf32>
          %add3A_693 = arith.addf %get3A_684, %get3A_692 : vector<1x16xf32>
          %swap3A_694 = arith.constant 0 : i32
          %swap3A_695 = arith.constant 0 : i32
          %swap3A_696 = tpu.memref_slice %run_scoped3A_10[%rem3A_338, %swap3A_694, %swap3A_695] : memref<2x16x1024xf32, #tpu.memory_space<vmem>> -> memref<1x16x1024xf32, #tpu.memory_space<vmem>>
          %swap3A_697 = tpu.memref_squeeze %swap3A_696 : memref<1x16x1024xf32, #tpu.memory_space<vmem>> -> memref<16x1024xf32, #tpu.memory_space<vmem>>
          %swap3A_698 = arith.index_cast %add3A_548 : i32 to index
          %swap3A_699 = arith.constant 80 : index
          %swap3A_700 = tpu.vector_load %swap3A_697[%swap3A_698, %swap3A_699] {strides = array<i32>} : memref<16x1024xf32, #tpu.memory_space<vmem>>, vector<1x16xf32>,
          %swap3A_701 = vector.shape_cast %swap3A_700 : vector<1x16xf32> to vector<1x16xf32>
          %swap3A_702 = vector.shape_cast %add3A_693 : vector<1x16xf32> to vector<1x16xf32>
          tpu.vector_store %swap3A_697[%swap3A_698, %swap3A_699], %swap3A_702 {strides = array<i32>} : memref<16x1024xf32, #tpu.memory_space<vmem>>, vector<1x16xf32>,
          %get3A_703 = arith.constant 0 : i32
          %get3A_704 = arith.constant 0 : i32
          %get3A_705 = tpu.memref_slice %run_scoped3A[%rem3A_334, %get3A_703, %get3A_704] : memref<2x16x1024xf32, #tpu.memory_space<vmem>> -> memref<1x16x1024xf32, #tpu.memory_space<vmem>>
          %get3A_706 = tpu.memref_squeeze %get3A_705 : memref<1x16x1024xf32, #tpu.memory_space<vmem>> -> memref<16x1024xf32, #tpu.memory_space<vmem>>
          %get3A_707 = arith.index_cast %add3A_548 : i32 to index
          %get3A_708 = arith.constant 96 : index
          %get3A_709 = tpu.vector_load %get3A_706[%get3A_707, %get3A_708] {strides = array<i32>} : memref<16x1024xf32, #tpu.memory_space<vmem>>, vector<1x16xf32>,
          %get3A_710 = vector.shape_cast %get3A_709 : vector<1x16xf32> to vector<1x16xf32>
          %get3A_711 = arith.constant 0 : i32
          %get3A_712 = arith.constant 0 : i32
          %get3A_713 = tpu.memref_slice %run_scoped3A_8[%rem3A_336, %get3A_711, %get3A_712] : memref<2x16x1024xf32, #tpu.memory_space<vmem>> -> memref<1x16x1024xf32, #tpu.memory_space<vmem>>
          %get3A_714 = tpu.memref_squeeze %get3A_713 : memref<1x16x1024xf32, #tpu.memory_space<vmem>> -> memref<16x1024xf32, #tpu.memory_space<vmem>>
          %get3A_715 = arith.index_cast %add3A_548 : i32 to index
          %get3A_716 = arith.constant 96 : index
          %get3A_717 = tpu.vector_load %get3A_714[%get3A_715, %get3A_716] {strides = array<i32>} : memref<16x1024xf32, #tpu.memory_space<vmem>>, vector<1x16xf32>,
          %get3A_718 = vector.shape_cast %get3A_717 : vector<1x16xf32> to vector<1x16xf32>
          %add3A_719 = arith.addf %get3A_710, %get3A_718 : vector<1x16xf32>
          %swap3A_720 = arith.constant 0 : i32
          %swap3A_721 = arith.constant 0 : i32
          %swap3A_722 = tpu.memref_slice %run_scoped3A_10[%rem3A_338, %swap3A_720, %swap3A_721] : memref<2x16x1024xf32, #tpu.memory_space<vmem>> -> memref<1x16x1024xf32, #tpu.memory_space<vmem>>
          %swap3A_723 = tpu.memref_squeeze %swap3A_722 : memref<1x16x1024xf32, #tpu.memory_space<vmem>> -> memref<16x1024xf32, #tpu.memory_space<vmem>>
          %swap3A_724 = arith.index_cast %add3A_548 : i32 to index
          %swap3A_725 = arith.constant 96 : index
          %swap3A_726 = tpu.vector_load %swap3A_723[%swap3A_724, %swap3A_725] {strides = array<i32>} : memref<16x1024xf32, #tpu.memory_space<vmem>>, vector<1x16xf32>,
          %swap3A_727 = vector.shape_cast %swap3A_726 : vector<1x16xf32> to vector<1x16xf32>
          %swap3A_728 = vector.shape_cast %add3A_719 : vector<1x16xf32> to vector<1x16xf32>
          tpu.vector_store %swap3A_723[%swap3A_724, %swap3A_725], %swap3A_728 {strides = array<i32>} : memref<16x1024xf32, #tpu.memory_space<vmem>>, vector<1x16xf32>,
          %get3A_729 = arith.constant 0 : i32
          %get3A_730 = arith.constant 0 : i32
          %get3A_731 = tpu.memref_slice %run_scoped3A[%rem3A_334, %get3A_729, %get3A_730] : memref<2x16x1024xf32, #tpu.memory_space<vmem>> -> memref<1x16x1024xf32, #tpu.memory_space<vmem>>
          %get3A_732 = tpu.memref_squeeze %get3A_731 : memref<1x16x1024xf32, #tpu.memory_space<vmem>> -> memref<16x1024xf32, #tpu.memory_space<vmem>>
          %get3A_733 = arith.index_cast %add3A_548 : i32 to index
          %get3A_734 = arith.constant 112 : index
          %get3A_735 = tpu.vector_load %get3A_732[%get3A_733, %get3A_734] {strides = array<i32>} : memref<16x1024xf32, #tpu.memory_space<vmem>>, vector<1x16xf32>,
          %get3A_736 = vector.shape_cast %get3A_735 : vector<1x16xf32> to vector<1x16xf32>
          %get3A_737 = arith.constant 0 : i32
          %get3A_738 = arith.constant 0 : i32
          %get3A_739 = tpu.memref_slice %run_scoped3A_8[%rem3A_336, %get3A_737, %get3A_738] : memref<2x16x1024xf32, #tpu.memory_space<vmem>> -> memref<1x16x1024xf32, #tpu.memory_space<vmem>>
          %get3A_740 = tpu.memref_squeeze %get3A_739 : memref<1x16x1024xf32, #tpu.memory_space<vmem>> -> memref<16x1024xf32, #tpu.memory_space<vmem>>
          %get3A_741 = arith.index_cast %add3A_548 : i32 to index
          %get3A_742 = arith.constant 112 : index
          %get3A_743 = tpu.vector_load %get3A_740[%get3A_741, %get3A_742] {strides = array<i32>} : memref<16x1024xf32, #tpu.memory_space<vmem>>, vector<1x16xf32>,
          %get3A_744 = vector.shape_cast %get3A_743 : vector<1x16xf32> to vector<1x16xf32>
          %add3A_745 = arith.addf %get3A_736, %get3A_744 : vector<1x16xf32>
          %swap3A_746 = arith.constant 0 : i32
          %swap3A_747 = arith.constant 0 : i32
          %swap3A_748 = tpu.memref_slice %run_scoped3A_10[%rem3A_338, %swap3A_746, %swap3A_747] : memref<2x16x1024xf32, #tpu.memory_space<vmem>> -> memref<1x16x1024xf32, #tpu.memory_space<vmem>>
          %swap3A_749 = tpu.memref_squeeze %swap3A_748 : memref<1x16x1024xf32, #tpu.memory_space<vmem>> -> memref<16x1024xf32, #tpu.memory_space<vmem>>
          %swap3A_750 = arith.index_cast %add3A_548 : i32 to index
          %swap3A_751 = arith.constant 112 : index
          %swap3A_752 = tpu.vector_load %swap3A_749[%swap3A_750, %swap3A_751] {strides = array<i32>} : memref<16x1024xf32, #tpu.memory_space<vmem>>, vector<1x16xf32>,
          %swap3A_753 = vector.shape_cast %swap3A_752 : vector<1x16xf32> to vector<1x16xf32>
          %swap3A_754 = vector.shape_cast %add3A_745 : vector<1x16xf32> to vector<1x16xf32>
          tpu.vector_store %swap3A_749[%swap3A_750, %swap3A_751], %swap3A_754 {strides = array<i32>} : memref<16x1024xf32, #tpu.memory_space<vmem>>, vector<1x16xf32>,
          %get3A_755 = arith.constant 0 : i32
          %get3A_756 = arith.constant 0 : i32
          %get3A_757 = tpu.memref_slice %run_scoped3A[%rem3A_334, %get3A_755, %get3A_756] : memref<2x16x1024xf32, #tpu.memory_space<vmem>> -> memref<1x16x1024xf32, #tpu.memory_space<vmem>>
          %get3A_758 = tpu.memref_squeeze %get3A_757 : memref<1x16x1024xf32, #tpu.memory_space<vmem>> -> memref<16x1024xf32, #tpu.memory_space<vmem>>
          %get3A_759 = arith.index_cast %add3A_548 : i32 to index
          %get3A_760 = arith.constant 128 : index
          %get3A_761 = tpu.vector_load %get3A_758[%get3A_759, %get3A_760] {strides = array<i32>} : memref<16x1024xf32, #tpu.memory_space<vmem>>, vector<1x16xf32>,
          %get3A_762 = vector.shape_cast %get3A_761 : vector<1x16xf32> to vector<1x16xf32>
          %get3A_763 = arith.constant 0 : i32
          %get3A_764 = arith.constant 0 : i32
          %get3A_765 = tpu.memref_slice %run_scoped3A_8[%rem3A_336, %get3A_763, %get3A_764] : memref<2x16x1024xf32, #tpu.memory_space<vmem>> -> memref<1x16x1024xf32, #tpu.memory_space<vmem>>
          %get3A_766 = tpu.memref_squeeze %get3A_765 : memref<1x16x1024xf32, #tpu.memory_space<vmem>> -> memref<16x1024xf32, #tpu.memory_space<vmem>>
          %get3A_767 = arith.index_cast %add3A_548 : i32 to index
          %get3A_768 = arith.constant 128 : index
          %get3A_769 = tpu.vector_load %get3A_766[%get3A_767, %get3A_768] {strides = array<i32>} : memref<16x1024xf32, #tpu.memory_space<vmem>>, vector<1x16xf32>,
          %get3A_770 = vector.shape_cast %get3A_769 : vector<1x16xf32> to vector<1x16xf32>
          %add3A_771 = arith.addf %get3A_762, %get3A_770 : vector<1x16xf32>
          %swap3A_772 = arith.constant 0 : i32
          %swap3A_773 = arith.constant 0 : i32
          %swap3A_774 = tpu.memref_slice %run_scoped3A_10[%rem3A_338, %swap3A_772, %swap3A_773] : memref<2x16x1024xf32, #tpu.memory_space<vmem>> -> memref<1x16x1024xf32, #tpu.memory_space<vmem>>
          %swap3A_775 = tpu.memref_squeeze %swap3A_774 : memref<1x16x1024xf32, #tpu.memory_space<vmem>> -> memref<16x1024xf32, #tpu.memory_space<vmem>>
          %swap3A_776 = arith.index_cast %add3A_548 : i32 to index
          %swap3A_777 = arith.constant 128 : index
          %swap3A_778 = tpu.vector_load %swap3A_775[%swap3A_776, %swap3A_777] {strides = array<i32>} : memref<16x1024xf32, #tpu.memory_space<vmem>>, vector<1x16xf32>,
          %swap3A_779 = vector.shape_cast %swap3A_778 : vector<1x16xf32> to vector<1x16xf32>
          %swap3A_780 = vector.shape_cast %add3A_771 : vector<1x16xf32> to vector<1x16xf32>
          tpu.vector_store %swap3A_775[%swap3A_776, %swap3A_777], %swap3A_780 {strides = array<i32>} : memref<16x1024xf32, #tpu.memory_space<vmem>>, vector<1x16xf32>,
          %get3A_781 = arith.constant 0 : i32
          %get3A_782 = arith.constant 0 : i32
          %get3A_783 = tpu.memref_slice %run_scoped3A[%rem3A_334, %get3A_781, %get3A_782] : memref<2x16x1024xf32, #tpu.memory_space<vmem>> -> memref<1x16x1024xf32, #tpu.memory_space<vmem>>
          %get3A_784 = tpu.memref_squeeze %get3A_783 : memref<1x16x1024xf32, #tpu.memory_space<vmem>> -> memref<16x1024xf32, #tpu.memory_space<vmem>>
          %get3A_785 = arith.index_cast %add3A_548 : i32 to index
          %get3A_786 = arith.constant 144 : index
          %get3A_787 = tpu.vector_load %get3A_784[%get3A_785, %get3A_786] {strides = array<i32>} : memref<16x1024xf32, #tpu.memory_space<vmem>>, vector<1x16xf32>,
          %get3A_788 = vector.shape_cast %get3A_787 : vector<1x16xf32> to vector<1x16xf32>
          %get3A_789 = arith.constant 0 : i32
          %get3A_790 = arith.constant 0 : i32
          %get3A_791 = tpu.memref_slice %run_scoped3A_8[%rem3A_336, %get3A_789, %get3A_790] : memref<2x16x1024xf32, #tpu.memory_space<vmem>> -> memref<1x16x1024xf32, #tpu.memory_space<vmem>>
          %get3A_792 = tpu.memref_squeeze %get3A_791 : memref<1x16x1024xf32, #tpu.memory_space<vmem>> -> memref<16x1024xf32, #tpu.memory_space<vmem>>
          %get3A_793 = arith.index_cast %add3A_548 : i32 to index
          %get3A_794 = arith.constant 144 : index
          %get3A_795 = tpu.vector_load %get3A_792[%get3A_793, %get3A_794] {strides = array<i32>} : memref<16x1024xf32, #tpu.memory_space<vmem>>, vector<1x16xf32>,
          %get3A_796 = vector.shape_cast %get3A_795 : vector<1x16xf32> to vector<1x16xf32>
          %add3A_797 = arith.addf %get3A_788, %get3A_796 : vector<1x16xf32>
          %swap3A_798 = arith.constant 0 : i32
          %swap3A_799 = arith.constant 0 : i32
          %swap3A_800 = tpu.memref_slice %run_scoped3A_10[%rem3A_338, %swap3A_798, %swap3A_799] : memref<2x16x1024xf32, #tpu.memory_space<vmem>> -> memref<1x16x1024xf32, #tpu.memory_space<vmem>>
          %swap3A_801 = tpu.memref_squeeze %swap3A_800 : memref<1x16x1024xf32, #tpu.memory_space<vmem>> -> memref<16x1024xf32, #tpu.memory_space<vmem>>
          %swap3A_802 = arith.index_cast %add3A_548 : i32 to index
          %swap3A_803 = arith.constant 144 : index
          %swap3A_804 = tpu.vector_load %swap3A_801[%swap3A_802, %swap3A_803] {strides = array<i32>} : memref<16x1024xf32, #tpu.memory_space<vmem>>, vector<1x16xf32>,
          %swap3A_805 = vector.shape_cast %swap3A_804 : vector<1x16xf32> to vector<1x16xf32>
          %swap3A_806 = vector.shape_cast %add3A_797 : vector<1x16xf32> to vector<1x16xf32>
          tpu.vector_store %swap3A_801[%swap3A_802, %swap3A_803], %swap3A_806 {strides = array<i32>} : memref<16x1024xf32, #tpu.memory_space<vmem>>, vector<1x16xf32>,
          %get3A_807 = arith.constant 0 : i32
          %get3A_808 = arith.constant 0 : i32
          %get3A_809 = tpu.memref_slice %run_scoped3A[%rem3A_334, %get3A_807, %get3A_808] : memref<2x16x1024xf32, #tpu.memory_space<vmem>> -> memref<1x16x1024xf32, #tpu.memory_space<vmem>>
          %get3A_810 = tpu.memref_squeeze %get3A_809 : memref<1x16x1024xf32, #tpu.memory_space<vmem>> -> memref<16x1024xf32, #tpu.memory_space<vmem>>
          %get3A_811 = arith.index_cast %add3A_548 : i32 to index
          %get3A_812 = arith.constant 160 : index
          %get3A_813 = tpu.vector_load %get3A_810[%get3A_811, %get3A_812] {strides = array<i32>} : memref<16x1024xf32, #tpu.memory_space<vmem>>, vector<1x16xf32>,
          %get3A_814 = vector.shape_cast %get3A_813 : vector<1x16xf32> to vector<1x16xf32>
          %get3A_815 = arith.constant 0 : i32
          %get3A_816 = arith.constant 0 : i32
          %get3A_817 = tpu.memref_slice %run_scoped3A_8[%rem3A_336, %get3A_815, %get3A_816] : memref<2x16x1024xf32, #tpu.memory_space<vmem>> -> memref<1x16x1024xf32, #tpu.memory_space<vmem>>
          %get3A_818 = tpu.memref_squeeze %get3A_817 : memref<1x16x1024xf32, #tpu.memory_space<vmem>> -> memref<16x1024xf32, #tpu.memory_space<vmem>>
          %get3A_819 = arith.index_cast %add3A_548 : i32 to index
          %get3A_820 = arith.constant 160 : index
          %get3A_821 = tpu.vector_load %get3A_818[%get3A_819, %get3A_820] {strides = array<i32>} : memref<16x1024xf32, #tpu.memory_space<vmem>>, vector<1x16xf32>,
          %get3A_822 = vector.shape_cast %get3A_821 : vector<1x16xf32> to vector<1x16xf32>
          %add3A_823 = arith.addf %get3A_814, %get3A_822 : vector<1x16xf32>
          %swap3A_824 = arith.constant 0 : i32
          %swap3A_825 = arith.constant 0 : i32
          %swap3A_826 = tpu.memref_slice %run_scoped3A_10[%rem3A_338, %swap3A_824, %swap3A_825] : memref<2x16x1024xf32, #tpu.memory_space<vmem>> -> memref<1x16x1024xf32, #tpu.memory_space<vmem>>
          %swap3A_827 = tpu.memref_squeeze %swap3A_826 : memref<1x16x1024xf32, #tpu.memory_space<vmem>> -> memref<16x1024xf32, #tpu.memory_space<vmem>>
          %swap3A_828 = arith.index_cast %add3A_548 : i32 to index
          %swap3A_829 = arith.constant 160 : index
          %swap3A_830 = tpu.vector_load %swap3A_827[%swap3A_828, %swap3A_829] {strides = array<i32>} : memref<16x1024xf32, #tpu.memory_space<vmem>>, vector<1x16xf32>,
          %swap3A_831 = vector.shape_cast %swap3A_830 : vector<1x16xf32> to vector<1x16xf32>
          %swap3A_832 = vector.shape_cast %add3A_823 : vector<1x16xf32> to vector<1x16xf32>
          tpu.vector_store %swap3A_827[%swap3A_828, %swap3A_829], %swap3A_832 {strides = array<i32>} : memref<16x1024xf32, #tpu.memory_space<vmem>>, vector<1x16xf32>,
          %get3A_833 = arith.constant 0 : i32
          %get3A_834 = arith.constant 0 : i32
          %get3A_835 = tpu.memref_slice %run_scoped3A[%rem3A_334, %get3A_833, %get3A_834] : memref<2x16x1024xf32, #tpu.memory_space<vmem>> -> memref<1x16x1024xf32, #tpu.memory_space<vmem>>
          %get3A_836 = tpu.memref_squeeze %get3A_835 : memref<1x16x1024xf32, #tpu.memory_space<vmem>> -> memref<16x1024xf32, #tpu.memory_space<vmem>>
          %get3A_837 = arith.index_cast %add3A_548 : i32 to index
          %get3A_838 = arith.constant 176 : index
          %get3A_839 = tpu.vector_load %get3A_836[%get3A_837, %get3A_838] {strides = array<i32>} : memref<16x1024xf32, #tpu.memory_space<vmem>>, vector<1x16xf32>,
          %get3A_840 = vector.shape_cast %get3A_839 : vector<1x16xf32> to vector<1x16xf32>
          %get3A_841 = arith.constant 0 : i32
          %get3A_842 = arith.constant 0 : i32
          %get3A_843 = tpu.memref_slice %run_scoped3A_8[%rem3A_336, %get3A_841, %get3A_842] : memref<2x16x1024xf32, #tpu.memory_space<vmem>> -> memref<1x16x1024xf32, #tpu.memory_space<vmem>>
          %get3A_844 = tpu.memref_squeeze %get3A_843 : memref<1x16x1024xf32, #tpu.memory_space<vmem>> -> memref<16x1024xf32, #tpu.memory_space<vmem>>
          %get3A_845 = arith.index_cast %add3A_548 : i32 to index
          %get3A_846 = arith.constant 176 : index
          %get3A_847 = tpu.vector_load %get3A_844[%get3A_845, %get3A_846] {strides = array<i32>} : memref<16x1024xf32, #tpu.memory_space<vmem>>, vector<1x16xf32>,
          %get3A_848 = vector.shape_cast %get3A_847 : vector<1x16xf32> to vector<1x16xf32>
          %add3A_849 = arith.addf %get3A_840, %get3A_848 : vector<1x16xf32>
          %swap3A_850 = arith.constant 0 : i32
          %swap3A_851 = arith.constant 0 : i32
          %swap3A_852 = tpu.memref_slice %run_scoped3A_10[%rem3A_338, %swap3A_850, %swap3A_851] : memref<2x16x1024xf32, #tpu.memory_space<vmem>> -> memref<1x16x1024xf32, #tpu.memory_space<vmem>>
          %swap3A_853 = tpu.memref_squeeze %swap3A_852 : memref<1x16x1024xf32, #tpu.memory_space<vmem>> -> memref<16x1024xf32, #tpu.memory_space<vmem>>
          %swap3A_854 = arith.index_cast %add3A_548 : i32 to index
          %swap3A_855 = arith.constant 176 : index
          %swap3A_856 = tpu.vector_load %swap3A_853[%swap3A_854, %swap3A_855] {strides = array<i32>} : memref<16x1024xf32, #tpu.memory_space<vmem>>, vector<1x16xf32>,
          %swap3A_857 = vector.shape_cast %swap3A_856 : vector<1x16xf32> to vector<1x16xf32>
          %swap3A_858 = vector.shape_cast %add3A_849 : vector<1x16xf32> to vector<1x16xf32>
          tpu.vector_store %swap3A_853[%swap3A_854, %swap3A_855], %swap3A_858 {strides = array<i32>} : memref<16x1024xf32, #tpu.memory_space<vmem>>, vector<1x16xf32>,
          %get3A_859 = arith.constant 0 : i32
          %get3A_860 = arith.constant 0 : i32
          %get3A_861 = tpu.memref_slice %run_scoped3A[%rem3A_334, %get3A_859, %get3A_860] : memref<2x16x1024xf32, #tpu.memory_space<vmem>> -> memref<1x16x1024xf32, #tpu.memory_space<vmem>>
          %get3A_862 = tpu.memref_squeeze %get3A_861 : memref<1x16x1024xf32, #tpu.memory_space<vmem>> -> memref<16x1024xf32, #tpu.memory_space<vmem>>
          %get3A_863 = arith.index_cast %add3A_548 : i32 to index
          %get3A_864 = arith.constant 192 : index
          %get3A_865 = tpu.vector_load %get3A_862[%get3A_863, %get3A_864] {strides = array<i32>} : memref<16x1024xf32, #tpu.memory_space<vmem>>, vector<1x16xf32>,
          %get3A_866 = vector.shape_cast %get3A_865 : vector<1x16xf32> to vector<1x16xf32>
          %get3A_867 = arith.constant 0 : i32
          %get3A_868 = arith.constant 0 : i32
          %get3A_869 = tpu.memref_slice %run_scoped3A_8[%rem3A_336, %get3A_867, %get3A_868] : memref<2x16x1024xf32, #tpu.memory_space<vmem>> -> memref<1x16x1024xf32, #tpu.memory_space<vmem>>
          %get3A_870 = tpu.memref_squeeze %get3A_869 : memref<1x16x1024xf32, #tpu.memory_space<vmem>> -> memref<16x1024xf32, #tpu.memory_space<vmem>>
          %get3A_871 = arith.index_cast %add3A_548 : i32 to index
          %get3A_872 = arith.constant 192 : index
          %get3A_873 = tpu.vector_load %get3A_870[%get3A_871, %get3A_872] {strides = array<i32>} : memref<16x1024xf32, #tpu.memory_space<vmem>>, vector<1x16xf32>,
          %get3A_874 = vector.shape_cast %get3A_873 : vector<1x16xf32> to vector<1x16xf32>
          %add3A_875 = arith.addf %get3A_866, %get3A_874 : vector<1x16xf32>
          %swap3A_876 = arith.constant 0 : i32
          %swap3A_877 = arith.constant 0 : i32
          %swap3A_878 = tpu.memref_slice %run_scoped3A_10[%rem3A_338, %swap3A_876, %swap3A_877] : memref<2x16x1024xf32, #tpu.memory_space<vmem>> -> memref<1x16x1024xf32, #tpu.memory_space<vmem>>
          %swap3A_879 = tpu.memref_squeeze %swap3A_878 : memref<1x16x1024xf32, #tpu.memory_space<vmem>> -> memref<16x1024xf32, #tpu.memory_space<vmem>>
          %swap3A_880 = arith.index_cast %add3A_548 : i32 to index
          %swap3A_881 = arith.constant 192 : index
          %swap3A_882 = tpu.vector_load %swap3A_879[%swap3A_880, %swap3A_881] {strides = array<i32>} : memref<16x1024xf32, #tpu.memory_space<vmem>>, vector<1x16xf32>,
          %swap3A_883 = vector.shape_cast %swap3A_882 : vector<1x16xf32> to vector<1x16xf32>
          %swap3A_884 = vector.shape_cast %add3A_875 : vector<1x16xf32> to vector<1x16xf32>
          tpu.vector_store %swap3A_879[%swap3A_880, %swap3A_881], %swap3A_884 {strides = array<i32>} : memref<16x1024xf32, #tpu.memory_space<vmem>>, vector<1x16xf32>,
          %get3A_885 = arith.constant 0 : i32
          %get3A_886 = arith.constant 0 : i32
          %get3A_887 = tpu.memref_slice %run_scoped3A[%rem3A_334, %get3A_885, %get3A_886] : memref<2x16x1024xf32, #tpu.memory_space<vmem>> -> memref<1x16x1024xf32, #tpu.memory_space<vmem>>
          %get3A_888 = tpu.memref_squeeze %get3A_887 : memref<1x16x1024xf32, #tpu.memory_space<vmem>> -> memref<16x1024xf32, #tpu.memory_space<vmem>>
          %get3A_889 = arith.index_cast %add3A_548 : i32 to index
          %get3A_890 = arith.constant 208 : index
          %get3A_891 = tpu.vector_load %get3A_888[%get3A_889, %get3A_890] {strides = array<i32>} : memref<16x1024xf32, #tpu.memory_space<vmem>>, vector<1x16xf32>,
          %get3A_892 = vector.shape_cast %get3A_891 : vector<1x16xf32> to vector<1x16xf32>
          %get3A_893 = arith.constant 0 : i32
          %get3A_894 = arith.constant 0 : i32
          %get3A_895 = tpu.memref_slice %run_scoped3A_8[%rem3A_336, %get3A_893, %get3A_894] : memref<2x16x1024xf32, #tpu.memory_space<vmem>> -> memref<1x16x1024xf32, #tpu.memory_space<vmem>>
          %get3A_896 = tpu.memref_squeeze %get3A_895 : memref<1x16x1024xf32, #tpu.memory_space<vmem>> -> memref<16x1024xf32, #tpu.memory_space<vmem>>
          %get3A_897 = arith.index_cast %add3A_548 : i32 to index
          %get3A_898 = arith.constant 208 : index
          %get3A_899 = tpu.vector_load %get3A_896[%get3A_897, %get3A_898] {strides = array<i32>} : memref<16x1024xf32, #tpu.memory_space<vmem>>, vector<1x16xf32>,
          %get3A_900 = vector.shape_cast %get3A_899 : vector<1x16xf32> to vector<1x16xf32>
          %add3A_901 = arith.addf %get3A_892, %get3A_900 : vector<1x16xf32>
          %swap3A_902 = arith.constant 0 : i32
          %swap3A_903 = arith.constant 0 : i32
          %swap3A_904 = tpu.memref_slice %run_scoped3A_10[%rem3A_338, %swap3A_902, %swap3A_903] : memref<2x16x1024xf32, #tpu.memory_space<vmem>> -> memref<1x16x1024xf32, #tpu.memory_space<vmem>>
          %swap3A_905 = tpu.memref_squeeze %swap3A_904 : memref<1x16x1024xf32, #tpu.memory_space<vmem>> -> memref<16x1024xf32, #tpu.memory_space<vmem>>
          %swap3A_906 = arith.index_cast %add3A_548 : i32 to index
          %swap3A_907 = arith.constant 208 : index
          %swap3A_908 = tpu.vector_load %swap3A_905[%swap3A_906, %swap3A_907] {strides = array<i32>} : memref<16x1024xf32, #tpu.memory_space<vmem>>, vector<1x16xf32>,
          %swap3A_909 = vector.shape_cast %swap3A_908 : vector<1x16xf32> to vector<1x16xf32>
          %swap3A_910 = vector.shape_cast %add3A_901 : vector<1x16xf32> to vector<1x16xf32>
          tpu.vector_store %swap3A_905[%swap3A_906, %swap3A_907], %swap3A_910 {strides = array<i32>} : memref<16x1024xf32, #tpu.memory_space<vmem>>, vector<1x16xf32>,
          %get3A_911 = arith.constant 0 : i32
          %get3A_912 = arith.constant 0 : i32
          %get3A_913 = tpu.memref_slice %run_scoped3A[%rem3A_334, %get3A_911, %get3A_912] : memref<2x16x1024xf32, #tpu.memory_space<vmem>> -> memref<1x16x1024xf32, #tpu.memory_space<vmem>>
          %get3A_914 = tpu.memref_squeeze %get3A_913 : memref<1x16x1024xf32, #tpu.memory_space<vmem>> -> memref<16x1024xf32, #tpu.memory_space<vmem>>
          %get3A_915 = arith.index_cast %add3A_548 : i32 to index
          %get3A_916 = arith.constant 224 : index
          %get3A_917 = tpu.vector_load %get3A_914[%get3A_915, %get3A_916] {strides = array<i32>} : memref<16x1024xf32, #tpu.memory_space<vmem>>, vector<1x16xf32>,
          %get3A_918 = vector.shape_cast %get3A_917 : vector<1x16xf32> to vector<1x16xf32>
          %get3A_919 = arith.constant 0 : i32
          %get3A_920 = arith.constant 0 : i32
          %get3A_921 = tpu.memref_slice %run_scoped3A_8[%rem3A_336, %get3A_919, %get3A_920] : memref<2x16x1024xf32, #tpu.memory_space<vmem>> -> memref<1x16x1024xf32, #tpu.memory_space<vmem>>
          %get3A_922 = tpu.memref_squeeze %get3A_921 : memref<1x16x1024xf32, #tpu.memory_space<vmem>> -> memref<16x1024xf32, #tpu.memory_space<vmem>>
          %get3A_923 = arith.index_cast %add3A_548 : i32 to index
          %get3A_924 = arith.constant 224 : index
          %get3A_925 = tpu.vector_load %get3A_922[%get3A_923, %get3A_924] {strides = array<i32>} : memref<16x1024xf32, #tpu.memory_space<vmem>>, vector<1x16xf32>,
          %get3A_926 = vector.shape_cast %get3A_925 : vector<1x16xf32> to vector<1x16xf32>
          %add3A_927 = arith.addf %get3A_918, %get3A_926 : vector<1x16xf32>
          %swap3A_928 = arith.constant 0 : i32
          %swap3A_929 = arith.constant 0 : i32
          %swap3A_930 = tpu.memref_slice %run_scoped3A_10[%rem3A_338, %swap3A_928, %swap3A_929] : memref<2x16x1024xf32, #tpu.memory_space<vmem>> -> memref<1x16x1024xf32, #tpu.memory_space<vmem>>
          %swap3A_931 = tpu.memref_squeeze %swap3A_930 : memref<1x16x1024xf32, #tpu.memory_space<vmem>> -> memref<16x1024xf32, #tpu.memory_space<vmem>>
          %swap3A_932 = arith.index_cast %add3A_548 : i32 to index
          %swap3A_933 = arith.constant 224 : index
          %swap3A_934 = tpu.vector_load %swap3A_931[%swap3A_932, %swap3A_933] {strides = array<i32>} : memref<16x1024xf32, #tpu.memory_space<vmem>>, vector<1x16xf32>,
          %swap3A_935 = vector.shape_cast %swap3A_934 : vector<1x16xf32> to vector<1x16xf32>
          %swap3A_936 = vector.shape_cast %add3A_927 : vector<1x16xf32> to vector<1x16xf32>
          tpu.vector_store %swap3A_931[%swap3A_932, %swap3A_933], %swap3A_936 {strides = array<i32>} : memref<16x1024xf32, #tpu.memory_space<vmem>>, vector<1x16xf32>,
          %get3A_937 = arith.constant 0 : i32
          %get3A_938 = arith.constant 0 : i32
          %get3A_939 = tpu.memref_slice %run_scoped3A[%rem3A_334, %get3A_937, %get3A_938] : memref<2x16x1024xf32, #tpu.memory_space<vmem>> -> memref<1x16x1024xf32, #tpu.memory_space<vmem>>
          %get3A_940 = tpu.memref_squeeze %get3A_939 : memref<1x16x1024xf32, #tpu.memory_space<vmem>> -> memref<16x1024xf32, #tpu.memory_space<vmem>>
          %get3A_941 = arith.index_cast %add3A_548 : i32 to index
          %get3A_942 = arith.constant 240 : index
          %get3A_943 = tpu.vector_load %get3A_940[%get3A_941, %get3A_942] {strides = array<i32>} : memref<16x1024xf32, #tpu.memory_space<vmem>>, vector<1x16xf32>,
          %get3A_944 = vector.shape_cast %get3A_943 : vector<1x16xf32> to vector<1x16xf32>
          %get3A_945 = arith.constant 0 : i32
          %get3A_946 = arith.constant 0 : i32
          %get3A_947 = tpu.memref_slice %run_scoped3A_8[%rem3A_336, %get3A_945, %get3A_946] : memref<2x16x1024xf32, #tpu.memory_space<vmem>> -> memref<1x16x1024xf32, #tpu.memory_space<vmem>>
          %get3A_948 = tpu.memref_squeeze %get3A_947 : memref<1x16x1024xf32, #tpu.memory_space<vmem>> -> memref<16x1024xf32, #tpu.memory_space<vmem>>
          %get3A_949 = arith.index_cast %add3A_548 : i32 to index
          %get3A_950 = arith.constant 240 : index
          %get3A_951 = tpu.vector_load %get3A_948[%get3A_949, %get3A_950] {strides = array<i32>} : memref<16x1024xf32, #tpu.memory_space<vmem>>, vector<1x16xf32>,
          %get3A_952 = vector.shape_cast %get3A_951 : vector<1x16xf32> to vector<1x16xf32>
          %add3A_953 = arith.addf %get3A_944, %get3A_952 : vector<1x16xf32>
          %swap3A_954 = arith.constant 0 : i32
          %swap3A_955 = arith.constant 0 : i32
          %swap3A_956 = tpu.memref_slice %run_scoped3A_10[%rem3A_338, %swap3A_954, %swap3A_955] : memref<2x16x1024xf32, #tpu.memory_space<vmem>> -> memref<1x16x1024xf32, #tpu.memory_space<vmem>>
          %swap3A_957 = tpu.memref_squeeze %swap3A_956 : memref<1x16x1024xf32, #tpu.memory_space<vmem>> -> memref<16x1024xf32, #tpu.memory_space<vmem>>
          %swap3A_958 = arith.index_cast %add3A_548 : i32 to index
          %swap3A_959 = arith.constant 240 : index
          %swap3A_960 = tpu.vector_load %swap3A_957[%swap3A_958, %swap3A_959] {strides = array<i32>} : memref<16x1024xf32, #tpu.memory_space<vmem>>, vector<1x16xf32>,
          %swap3A_961 = vector.shape_cast %swap3A_960 : vector<1x16xf32> to vector<1x16xf32>
          %swap3A_962 = vector.shape_cast %add3A_953 : vector<1x16xf32> to vector<1x16xf32>
          tpu.vector_store %swap3A_957[%swap3A_958, %swap3A_959], %swap3A_962 {strides = array<i32>} : memref<16x1024xf32, #tpu.memory_space<vmem>>, vector<1x16xf32>,
          %get3A_963 = arith.constant 0 : i32
          %get3A_964 = arith.constant 0 : i32
          %get3A_965 = tpu.memref_slice %run_scoped3A[%rem3A_334, %get3A_963, %get3A_964] : memref<2x16x1024xf32, #tpu.memory_space<vmem>> -> memref<1x16x1024xf32, #tpu.memory_space<vmem>>
          %get3A_966 = tpu.memref_squeeze %get3A_965 : memref<1x16x1024xf32, #tpu.memory_space<vmem>> -> memref<16x1024xf32, #tpu.memory_space<vmem>>
          %get3A_967 = arith.index_cast %add3A_548 : i32 to index
          %get3A_968 = arith.constant 256 : index
          %get3A_969 = tpu.vector_load %get3A_966[%get3A_967, %get3A_968] {strides = array<i32>} : memref<16x1024xf32, #tpu.memory_space<vmem>>, vector<1x16xf32>,
          %get3A_970 = vector.shape_cast %get3A_969 : vector<1x16xf32> to vector<1x16xf32>
          %get3A_971 = arith.constant 0 : i32
          %get3A_972 = arith.constant 0 : i32
          %get3A_973 = tpu.memref_slice %run_scoped3A_8[%rem3A_336, %get3A_971, %get3A_972] : memref<2x16x1024xf32, #tpu.memory_space<vmem>> -> memref<1x16x1024xf32, #tpu.memory_space<vmem>>
          %get3A_974 = tpu.memref_squeeze %get3A_973 : memref<1x16x1024xf32, #tpu.memory_space<vmem>> -> memref<16x1024xf32, #tpu.memory_space<vmem>>
          %get3A_975 = arith.index_cast %add3A_548 : i32 to index
          %get3A_976 = arith.constant 256 : index
          %get3A_977 = tpu.vector_load %get3A_974[%get3A_975, %get3A_976] {strides = array<i32>} : memref<16x1024xf32, #tpu.memory_space<vmem>>, vector<1x16xf32>,
          %get3A_978 = vector.shape_cast %get3A_977 : vector<1x16xf32> to vector<1x16xf32>
          %add3A_979 = arith.addf %get3A_970, %get3A_978 : vector<1x16xf32>
          %swap3A_980 = arith.constant 0 : i32
          %swap3A_981 = arith.constant 0 : i32
          %swap3A_982 = tpu.memref_slice %run_scoped3A_10[%rem3A_338, %swap3A_980, %swap3A_981] : memref<2x16x1024xf32, #tpu.memory_space<vmem>> -> memref<1x16x1024xf32, #tpu.memory_space<vmem>>
          %swap3A_983 = tpu.memref_squeeze %swap3A_982 : memref<1x16x1024xf32, #tpu.memory_space<vmem>> -> memref<16x1024xf32, #tpu.memory_space<vmem>>
          %swap3A_984 = arith.index_cast %add3A_548 : i32 to index
          %swap3A_985 = arith.constant 256 : index
          %swap3A_986 = tpu.vector_load %swap3A_983[%swap3A_984, %swap3A_985] {strides = array<i32>} : memref<16x1024xf32, #tpu.memory_space<vmem>>, vector<1x16xf32>,
          %swap3A_987 = vector.shape_cast %swap3A_986 : vector<1x16xf32> to vector<1x16xf32>
          %swap3A_988 = vector.shape_cast %add3A_979 : vector<1x16xf32> to vector<1x16xf32>
          tpu.vector_store %swap3A_983[%swap3A_984, %swap3A_985], %swap3A_988 {strides = array<i32>} : memref<16x1024xf32, #tpu.memory_space<vmem>>, vector<1x16xf32>,
          %get3A_989 = arith.constant 0 : i32
          %get3A_990 = arith.constant 0 : i32
          %get3A_991 = tpu.memref_slice %run_scoped3A[%rem3A_334, %get3A_989, %get3A_990] : memref<2x16x1024xf32, #tpu.memory_space<vmem>> -> memref<1x16x1024xf32, #tpu.memory_space<vmem>>
          %get3A_992 = tpu.memref_squeeze %get3A_991 : memref<1x16x1024xf32, #tpu.memory_space<vmem>> -> memref<16x1024xf32, #tpu.memory_space<vmem>>
          %get3A_993 = arith.index_cast %add3A_548 : i32 to index
          %get3A_994 = arith.constant 272 : index
          %get3A_995 = tpu.vector_load %get3A_992[%get3A_993, %get3A_994] {strides = array<i32>} : memref<16x1024xf32, #tpu.memory_space<vmem>>, vector<1x16xf32>,
          %get3A_996 = vector.shape_cast %get3A_995 : vector<1x16xf32> to vector<1x16xf32>
          %get3A_997 = arith.constant 0 : i32
          %get3A_998 = arith.constant 0 : i32
          %get3A_999 = tpu.memref_slice %run_scoped3A_8[%rem3A_336, %get3A_997, %get3A_998] : memref<2x16x1024xf32, #tpu.memory_space<vmem>> -> memref<1x16x1024xf32, #tpu.memory_space<vmem>>
          %get3A_1000 = tpu.memref_squeeze %get3A_999 : memref<1x16x1024xf32, #tpu.memory_space<vmem>> -> memref<16x1024xf32, #tpu.memory_space<vmem>>
          %get3A_1001 = arith.index_cast %add3A_548 : i32 to index
          %get3A_1002 = arith.constant 272 : index
          %get3A_1003 = tpu.vector_load %get3A_1000[%get3A_1001, %get3A_1002] {strides = array<i32>} : memref<16x1024xf32, #tpu.memory_space<vmem>>, vector<1x16xf32>,
          %get3A_1004 = vector.shape_cast %get3A_1003 : vector<1x16xf32> to vector<1x16xf32>
          %add3A_1005 = arith.addf %get3A_996, %get3A_1004 : vector<1x16xf32>
          %swap3A_1006 = arith.constant 0 : i32
          %swap3A_1007 = arith.constant 0 : i32
          %swap3A_1008 = tpu.memref_slice %run_scoped3A_10[%rem3A_338, %swap3A_1006, %swap3A_1007] : memref<2x16x1024xf32, #tpu.memory_space<vmem>> -> memref<1x16x1024xf32, #tpu.memory_space<vmem>>
          %swap3A_1009 = tpu.memref_squeeze %swap3A_1008 : memref<1x16x1024xf32, #tpu.memory_space<vmem>> -> memref<16x1024xf32, #tpu.memory_space<vmem>>
          %swap3A_1010 = arith.index_cast %add3A_548 : i32 to index
          %swap3A_1011 = arith.constant 272 : index
          %swap3A_1012 = tpu.vector_load %swap3A_1009[%swap3A_1010, %swap3A_1011] {strides = array<i32>} : memref<16x1024xf32, #tpu.memory_space<vmem>>, vector<1x16xf32>,
          %swap3A_1013 = vector.shape_cast %swap3A_1012 : vector<1x16xf32> to vector<1x16xf32>
          %swap3A_1014 = vector.shape_cast %add3A_1005 : vector<1x16xf32> to vector<1x16xf32>
          tpu.vector_store %swap3A_1009[%swap3A_1010, %swap3A_1011], %swap3A_1014 {strides = array<i32>} : memref<16x1024xf32, #tpu.memory_space<vmem>>, vector<1x16xf32>,
          %get3A_1015 = arith.constant 0 : i32
          %get3A_1016 = arith.constant 0 : i32
          %get3A_1017 = tpu.memref_slice %run_scoped3A[%rem3A_334, %get3A_1015, %get3A_1016] : memref<2x16x1024xf32, #tpu.memory_space<vmem>> -> memref<1x16x1024xf32, #tpu.memory_space<vmem>>
          %get3A_1018 = tpu.memref_squeeze %get3A_1017 : memref<1x16x1024xf32, #tpu.memory_space<vmem>> -> memref<16x1024xf32, #tpu.memory_space<vmem>>
          %get3A_1019 = arith.index_cast %add3A_548 : i32 to index
          %get3A_1020 = arith.constant 288 : index
          %get3A_1021 = tpu.vector_load %get3A_1018[%get3A_1019, %get3A_1020] {strides = array<i32>} : memref<16x1024xf32, #tpu.memory_space<vmem>>, vector<1x16xf32>,
          %get3A_1022 = vector.shape_cast %get3A_1021 : vector<1x16xf32> to vector<1x16xf32>
          %get3A_1023 = arith.constant 0 : i32
          %get3A_1024 = arith.constant 0 : i32
          %get3A_1025 = tpu.memref_slice %run_scoped3A_8[%rem3A_336, %get3A_1023, %get3A_1024] : memref<2x16x1024xf32, #tpu.memory_space<vmem>> -> memref<1x16x1024xf32, #tpu.memory_space<vmem>>
          %get3A_1026 = tpu.memref_squeeze %get3A_1025 : memref<1x16x1024xf32, #tpu.memory_space<vmem>> -> memref<16x1024xf32, #tpu.memory_space<vmem>>
          %get3A_1027 = arith.index_cast %add3A_548 : i32 to index
          %get3A_1028 = arith.constant 288 : index
          %get3A_1029 = tpu.vector_load %get3A_1026[%get3A_1027, %get3A_1028] {strides = array<i32>} : memref<16x1024xf32, #tpu.memory_space<vmem>>, vector<1x16xf32>,
          %get3A_1030 = vector.shape_cast %get3A_1029 : vector<1x16xf32> to vector<1x16xf32>
          %add3A_1031 = arith.addf %get3A_1022, %get3A_1030 : vector<1x16xf32>
          %swap3A_1032 = arith.constant 0 : i32
          %swap3A_1033 = arith.constant 0 : i32
          %swap3A_1034 = tpu.memref_slice %run_scoped3A_10[%rem3A_338, %swap3A_1032, %swap3A_1033] : memref<2x16x1024xf32, #tpu.memory_space<vmem>> -> memref<1x16x1024xf32, #tpu.memory_space<vmem>>
          %swap3A_1035 = tpu.memref_squeeze %swap3A_1034 : memref<1x16x1024xf32, #tpu.memory_space<vmem>> -> memref<16x1024xf32, #tpu.memory_space<vmem>>
          %swap3A_1036 = arith.index_cast %add3A_548 : i32 to index
          %swap3A_1037 = arith.constant 288 : index
          %swap3A_1038 = tpu.vector_load %swap3A_1035[%swap3A_1036, %swap3A_1037] {strides = array<i32>} : memref<16x1024xf32, #tpu.memory_space<vmem>>, vector<1x16xf32>,
          %swap3A_1039 = vector.shape_cast %swap3A_1038 : vector<1x16xf32> to vector<1x16xf32>
          %swap3A_1040 = vector.shape_cast %add3A_1031 : vector<1x16xf32> to vector<1x16xf32>
          tpu.vector_store %swap3A_1035[%swap3A_1036, %swap3A_1037], %swap3A_1040 {strides = array<i32>} : memref<16x1024xf32, #tpu.memory_space<vmem>>, vector<1x16xf32>,
          %get3A_1041 = arith.constant 0 : i32
          %get3A_1042 = arith.constant 0 : i32
          %get3A_1043 = tpu.memref_slice %run_scoped3A[%rem3A_334, %get3A_1041, %get3A_1042] : memref<2x16x1024xf32, #tpu.memory_space<vmem>> -> memref<1x16x1024xf32, #tpu.memory_space<vmem>>
          %get3A_1044 = tpu.memref_squeeze %get3A_1043 : memref<1x16x1024xf32, #tpu.memory_space<vmem>> -> memref<16x1024xf32, #tpu.memory_space<vmem>>
          %get3A_1045 = arith.index_cast %add3A_548 : i32 to index
          %get3A_1046 = arith.constant 304 : index
          %get3A_1047 = tpu.vector_load %get3A_1044[%get3A_1045, %get3A_1046] {strides = array<i32>} : memref<16x1024xf32, #tpu.memory_space<vmem>>, vector<1x16xf32>,
          %get3A_1048 = vector.shape_cast %get3A_1047 : vector<1x16xf32> to vector<1x16xf32>
          %get3A_1049 = arith.constant 0 : i32
          %get3A_1050 = arith.constant 0 : i32
          %get3A_1051 = tpu.memref_slice %run_scoped3A_8[%rem3A_336, %get3A_1049, %get3A_1050] : memref<2x16x1024xf32, #tpu.memory_space<vmem>> -> memref<1x16x1024xf32, #tpu.memory_space<vmem>>
          %get3A_1052 = tpu.memref_squeeze %get3A_1051 : memref<1x16x1024xf32, #tpu.memory_space<vmem>> -> memref<16x1024xf32, #tpu.memory_space<vmem>>
          %get3A_1053 = arith.index_cast %add3A_548 : i32 to index
          %get3A_1054 = arith.constant 304 : index
          %get3A_1055 = tpu.vector_load %get3A_1052[%get3A_1053, %get3A_1054] {strides = array<i32>} : memref<16x1024xf32, #tpu.memory_space<vmem>>, vector<1x16xf32>,
          %get3A_1056 = vector.shape_cast %get3A_1055 : vector<1x16xf32> to vector<1x16xf32>
          %add3A_1057 = arith.addf %get3A_1048, %get3A_1056 : vector<1x16xf32>
          %swap3A_1058 = arith.constant 0 : i32
          %swap3A_1059 = arith.constant 0 : i32
          %swap3A_1060 = tpu.memref_slice %run_scoped3A_10[%rem3A_338, %swap3A_1058, %swap3A_1059] : memref<2x16x1024xf32, #tpu.memory_space<vmem>> -> memref<1x16x1024xf32, #tpu.memory_space<vmem>>
          %swap3A_1061 = tpu.memref_squeeze %swap3A_1060 : memref<1x16x1024xf32, #tpu.memory_space<vmem>> -> memref<16x1024xf32, #tpu.memory_space<vmem>>
          %swap3A_1062 = arith.index_cast %add3A_548 : i32 to index
          %swap3A_1063 = arith.constant 304 : index
          %swap3A_1064 = tpu.vector_load %swap3A_1061[%swap3A_1062, %swap3A_1063] {strides = array<i32>} : memref<16x1024xf32, #tpu.memory_space<vmem>>, vector<1x16xf32>,
          %swap3A_1065 = vector.shape_cast %swap3A_1064 : vector<1x16xf32> to vector<1x16xf32>
          %swap3A_1066 = vector.shape_cast %add3A_1057 : vector<1x16xf32> to vector<1x16xf32>
          tpu.vector_store %swap3A_1061[%swap3A_1062, %swap3A_1063], %swap3A_1066 {strides = array<i32>} : memref<16x1024xf32, #tpu.memory_space<vmem>>, vector<1x16xf32>,
          %get3A_1067 = arith.constant 0 : i32
          %get3A_1068 = arith.constant 0 : i32
          %get3A_1069 = tpu.memref_slice %run_scoped3A[%rem3A_334, %get3A_1067, %get3A_1068] : memref<2x16x1024xf32, #tpu.memory_space<vmem>> -> memref<1x16x1024xf32, #tpu.memory_space<vmem>>
          %get3A_1070 = tpu.memref_squeeze %get3A_1069 : memref<1x16x1024xf32, #tpu.memory_space<vmem>> -> memref<16x1024xf32, #tpu.memory_space<vmem>>
          %get3A_1071 = arith.index_cast %add3A_548 : i32 to index
          %get3A_1072 = arith.constant 320 : index
          %get3A_1073 = tpu.vector_load %get3A_1070[%get3A_1071, %get3A_1072] {strides = array<i32>} : memref<16x1024xf32, #tpu.memory_space<vmem>>, vector<1x16xf32>,
          %get3A_1074 = vector.shape_cast %get3A_1073 : vector<1x16xf32> to vector<1x16xf32>
          %get3A_1075 = arith.constant 0 : i32
          %get3A_1076 = arith.constant 0 : i32
          %get3A_1077 = tpu.memref_slice %run_scoped3A_8[%rem3A_336, %get3A_1075, %get3A_1076] : memref<2x16x1024xf32, #tpu.memory_space<vmem>> -> memref<1x16x1024xf32, #tpu.memory_space<vmem>>
          %get3A_1078 = tpu.memref_squeeze %get3A_1077 : memref<1x16x1024xf32, #tpu.memory_space<vmem>> -> memref<16x1024xf32, #tpu.memory_space<vmem>>
          %get3A_1079 = arith.index_cast %add3A_548 : i32 to index
          %get3A_1080 = arith.constant 320 : index
          %get3A_1081 = tpu.vector_load %get3A_1078[%get3A_1079, %get3A_1080] {strides = array<i32>} : memref<16x1024xf32, #tpu.memory_space<vmem>>, vector<1x16xf32>,
          %get3A_1082 = vector.shape_cast %get3A_1081 : vector<1x16xf32> to vector<1x16xf32>
          %add3A_1083 = arith.addf %get3A_1074, %get3A_1082 : vector<1x16xf32>
          %swap3A_1084 = arith.constant 0 : i32
          %swap3A_1085 = arith.constant 0 : i32
          %swap3A_1086 = tpu.memref_slice %run_scoped3A_10[%rem3A_338, %swap3A_1084, %swap3A_1085] : memref<2x16x1024xf32, #tpu.memory_space<vmem>> -> memref<1x16x1024xf32, #tpu.memory_space<vmem>>
          %swap3A_1087 = tpu.memref_squeeze %swap3A_1086 : memref<1x16x1024xf32, #tpu.memory_space<vmem>> -> memref<16x1024xf32, #tpu.memory_space<vmem>>
          %swap3A_1088 = arith.index_cast %add3A_548 : i32 to index
          %swap3A_1089 = arith.constant 320 : index
          %swap3A_1090 = tpu.vector_load %swap3A_1087[%swap3A_1088, %swap3A_1089] {strides = array<i32>} : memref<16x1024xf32, #tpu.memory_space<vmem>>, vector<1x16xf32>,
          %swap3A_1091 = vector.shape_cast %swap3A_1090 : vector<1x16xf32> to vector<1x16xf32>
          %swap3A_1092 = vector.shape_cast %add3A_1083 : vector<1x16xf32> to vector<1x16xf32>
          tpu.vector_store %swap3A_1087[%swap3A_1088, %swap3A_1089], %swap3A_1092 {strides = array<i32>} : memref<16x1024xf32, #tpu.memory_space<vmem>>, vector<1x16xf32>,
          %get3A_1093 = arith.constant 0 : i32
          %get3A_1094 = arith.constant 0 : i32
          %get3A_1095 = tpu.memref_slice %run_scoped3A[%rem3A_334, %get3A_1093, %get3A_1094] : memref<2x16x1024xf32, #tpu.memory_space<vmem>> -> memref<1x16x1024xf32, #tpu.memory_space<vmem>>
          %get3A_1096 = tpu.memref_squeeze %get3A_1095 : memref<1x16x1024xf32, #tpu.memory_space<vmem>> -> memref<16x1024xf32, #tpu.memory_space<vmem>>
          %get3A_1097 = arith.index_cast %add3A_548 : i32 to index
          %get3A_1098 = arith.constant 336 : index
          %get3A_1099 = tpu.vector_load %get3A_1096[%get3A_1097, %get3A_1098] {strides = array<i32>} : memref<16x1024xf32, #tpu.memory_space<vmem>>, vector<1x16xf32>,
          %get3A_1100 = vector.shape_cast %get3A_1099 : vector<1x16xf32> to vector<1x16xf32>
          %get3A_1101 = arith.constant 0 : i32
          %get3A_1102 = arith.constant 0 : i32
          %get3A_1103 = tpu.memref_slice %run_scoped3A_8[%rem3A_336, %get3A_1101, %get3A_1102] : memref<2x16x1024xf32, #tpu.memory_space<vmem>> -> memref<1x16x1024xf32, #tpu.memory_space<vmem>>
          %get3A_1104 = tpu.memref_squeeze %get3A_1103 : memref<1x16x1024xf32, #tpu.memory_space<vmem>> -> memref<16x1024xf32, #tpu.memory_space<vmem>>
          %get3A_1105 = arith.index_cast %add3A_548 : i32 to index
          %get3A_1106 = arith.constant 336 : index
          %get3A_1107 = tpu.vector_load %get3A_1104[%get3A_1105, %get3A_1106] {strides = array<i32>} : memref<16x1024xf32, #tpu.memory_space<vmem>>, vector<1x16xf32>,
          %get3A_1108 = vector.shape_cast %get3A_1107 : vector<1x16xf32> to vector<1x16xf32>
          %add3A_1109 = arith.addf %get3A_1100, %get3A_1108 : vector<1x16xf32>
          %swap3A_1110 = arith.constant 0 : i32
          %swap3A_1111 = arith.constant 0 : i32
          %swap3A_1112 = tpu.memref_slice %run_scoped3A_10[%rem3A_338, %swap3A_1110, %swap3A_1111] : memref<2x16x1024xf32, #tpu.memory_space<vmem>> -> memref<1x16x1024xf32, #tpu.memory_space<vmem>>
          %swap3A_1113 = tpu.memref_squeeze %swap3A_1112 : memref<1x16x1024xf32, #tpu.memory_space<vmem>> -> memref<16x1024xf32, #tpu.memory_space<vmem>>
          %swap3A_1114 = arith.index_cast %add3A_548 : i32 to index
          %swap3A_1115 = arith.constant 336 : index
          %swap3A_1116 = tpu.vector_load %swap3A_1113[%swap3A_1114, %swap3A_1115] {strides = array<i32>} : memref<16x1024xf32, #tpu.memory_space<vmem>>, vector<1x16xf32>,
          %swap3A_1117 = vector.shape_cast %swap3A_1116 : vector<1x16xf32> to vector<1x16xf32>
          %swap3A_1118 = vector.shape_cast %add3A_1109 : vector<1x16xf32> to vector<1x16xf32>
          tpu.vector_store %swap3A_1113[%swap3A_1114, %swap3A_1115], %swap3A_1118 {strides = array<i32>} : memref<16x1024xf32, #tpu.memory_space<vmem>>, vector<1x16xf32>,
          %get3A_1119 = arith.constant 0 : i32
          %get3A_1120 = arith.constant 0 : i32
          %get3A_1121 = tpu.memref_slice %run_scoped3A[%rem3A_334, %get3A_1119, %get3A_1120] : memref<2x16x1024xf32, #tpu.memory_space<vmem>> -> memref<1x16x1024xf32, #tpu.memory_space<vmem>>
          %get3A_1122 = tpu.memref_squeeze %get3A_1121 : memref<1x16x1024xf32, #tpu.memory_space<vmem>> -> memref<16x1024xf32, #tpu.memory_space<vmem>>
          %get3A_1123 = arith.index_cast %add3A_548 : i32 to index
          %get3A_1124 = arith.constant 352 : index
          %get3A_1125 = tpu.vector_load %get3A_1122[%get3A_1123, %get3A_1124] {strides = array<i32>} : memref<16x1024xf32, #tpu.memory_space<vmem>>, vector<1x16xf32>,
          %get3A_1126 = vector.shape_cast %get3A_1125 : vector<1x16xf32> to vector<1x16xf32>
          %get3A_1127 = arith.constant 0 : i32
          %get3A_1128 = arith.constant 0 : i32
          %get3A_1129 = tpu.memref_slice %run_scoped3A_8[%rem3A_336, %get3A_1127, %get3A_1128] : memref<2x16x1024xf32, #tpu.memory_space<vmem>> -> memref<1x16x1024xf32, #tpu.memory_space<vmem>>
          %get3A_1130 = tpu.memref_squeeze %get3A_1129 : memref<1x16x1024xf32, #tpu.memory_space<vmem>> -> memref<16x1024xf32, #tpu.memory_space<vmem>>
          %get3A_1131 = arith.index_cast %add3A_548 : i32 to index
          %get3A_1132 = arith.constant 352 : index
          %get3A_1133 = tpu.vector_load %get3A_1130[%get3A_1131, %get3A_1132] {strides = array<i32>} : memref<16x1024xf32, #tpu.memory_space<vmem>>, vector<1x16xf32>,
          %get3A_1134 = vector.shape_cast %get3A_1133 : vector<1x16xf32> to vector<1x16xf32>
          %add3A_1135 = arith.addf %get3A_1126, %get3A_1134 : vector<1x16xf32>
          %swap3A_1136 = arith.constant 0 : i32
          %swap3A_1137 = arith.constant 0 : i32
          %swap3A_1138 = tpu.memref_slice %run_scoped3A_10[%rem3A_338, %swap3A_1136, %swap3A_1137] : memref<2x16x1024xf32, #tpu.memory_space<vmem>> -> memref<1x16x1024xf32, #tpu.memory_space<vmem>>
          %swap3A_1139 = tpu.memref_squeeze %swap3A_1138 : memref<1x16x1024xf32, #tpu.memory_space<vmem>> -> memref<16x1024xf32, #tpu.memory_space<vmem>>
          %swap3A_1140 = arith.index_cast %add3A_548 : i32 to index
          %swap3A_1141 = arith.constant 352 : index
          %swap3A_1142 = tpu.vector_load %swap3A_1139[%swap3A_1140, %swap3A_1141] {strides = array<i32>} : memref<16x1024xf32, #tpu.memory_space<vmem>>, vector<1x16xf32>,
          %swap3A_1143 = vector.shape_cast %swap3A_1142 : vector<1x16xf32> to vector<1x16xf32>
          %swap3A_1144 = vector.shape_cast %add3A_1135 : vector<1x16xf32> to vector<1x16xf32>
          tpu.vector_store %swap3A_1139[%swap3A_1140, %swap3A_1141], %swap3A_1144 {strides = array<i32>} : memref<16x1024xf32, #tpu.memory_space<vmem>>, vector<1x16xf32>,
          %get3A_1145 = arith.constant 0 : i32
          %get3A_1146 = arith.constant 0 : i32
          %get3A_1147 = tpu.memref_slice %run_scoped3A[%rem3A_334, %get3A_1145, %get3A_1146] : memref<2x16x1024xf32, #tpu.memory_space<vmem>> -> memref<1x16x1024xf32, #tpu.memory_space<vmem>>
          %get3A_1148 = tpu.memref_squeeze %get3A_1147 : memref<1x16x1024xf32, #tpu.memory_space<vmem>> -> memref<16x1024xf32, #tpu.memory_space<vmem>>
          %get3A_1149 = arith.index_cast %add3A_548 : i32 to index
          %get3A_1150 = arith.constant 368 : index
          %get3A_1151 = tpu.vector_load %get3A_1148[%get3A_1149, %get3A_1150] {strides = array<i32>} : memref<16x1024xf32, #tpu.memory_space<vmem>>, vector<1x16xf32>,
          %get3A_1152 = vector.shape_cast %get3A_1151 : vector<1x16xf32> to vector<1x16xf32>
          %get3A_1153 = arith.constant 0 : i32
          %get3A_1154 = arith.constant 0 : i32
          %get3A_1155 = tpu.memref_slice %run_scoped3A_8[%rem3A_336, %get3A_1153, %get3A_1154] : memref<2x16x1024xf32, #tpu.memory_space<vmem>> -> memref<1x16x1024xf32, #tpu.memory_space<vmem>>
          %get3A_1156 = tpu.memref_squeeze %get3A_1155 : memref<1x16x1024xf32, #tpu.memory_space<vmem>> -> memref<16x1024xf32, #tpu.memory_space<vmem>>
          %get3A_1157 = arith.index_cast %add3A_548 : i32 to index
          %get3A_1158 = arith.constant 368 : index
          %get3A_1159 = tpu.vector_load %get3A_1156[%get3A_1157, %get3A_1158] {strides = array<i32>} : memref<16x1024xf32, #tpu.memory_space<vmem>>, vector<1x16xf32>,
          %get3A_1160 = vector.shape_cast %get3A_1159 : vector<1x16xf32> to vector<1x16xf32>
          %add3A_1161 = arith.addf %get3A_1152, %get3A_1160 : vector<1x16xf32>
          %swap3A_1162 = arith.constant 0 : i32
          %swap3A_1163 = arith.constant 0 : i32
          %swap3A_1164 = tpu.memref_slice %run_scoped3A_10[%rem3A_338, %swap3A_1162, %swap3A_1163] : memref<2x16x1024xf32, #tpu.memory_space<vmem>> -> memref<1x16x1024xf32, #tpu.memory_space<vmem>>
          %swap3A_1165 = tpu.memref_squeeze %swap3A_1164 : memref<1x16x1024xf32, #tpu.memory_space<vmem>> -> memref<16x1024xf32, #tpu.memory_space<vmem>>
          %swap3A_1166 = arith.index_cast %add3A_548 : i32 to index
          %swap3A_1167 = arith.constant 368 : index
          %swap3A_1168 = tpu.vector_load %swap3A_1165[%swap3A_1166, %swap3A_1167] {strides = array<i32>} : memref<16x1024xf32, #tpu.memory_space<vmem>>, vector<1x16xf32>,
          %swap3A_1169 = vector.shape_cast %swap3A_1168 : vector<1x16xf32> to vector<1x16xf32>
          %swap3A_1170 = vector.shape_cast %add3A_1161 : vector<1x16xf32> to vector<1x16xf32>
          tpu.vector_store %swap3A_1165[%swap3A_1166, %swap3A_1167], %swap3A_1170 {strides = array<i32>} : memref<16x1024xf32, #tpu.memory_space<vmem>>, vector<1x16xf32>,
          %get3A_1171 = arith.constant 0 : i32
          %get3A_1172 = arith.constant 0 : i32
          %get3A_1173 = tpu.memref_slice %run_scoped3A[%rem3A_334, %get3A_1171, %get3A_1172] : memref<2x16x1024xf32, #tpu.memory_space<vmem>> -> memref<1x16x1024xf32, #tpu.memory_space<vmem>>
          %get3A_1174 = tpu.memref_squeeze %get3A_1173 : memref<1x16x1024xf32, #tpu.memory_space<vmem>> -> memref<16x1024xf32, #tpu.memory_space<vmem>>
          %get3A_1175 = arith.index_cast %add3A_548 : i32 to index
          %get3A_1176 = arith.constant 384 : index
          %get3A_1177 = tpu.vector_load %get3A_1174[%get3A_1175, %get3A_1176] {strides = array<i32>} : memref<16x1024xf32, #tpu.memory_space<vmem>>, vector<1x16xf32>,
          %get3A_1178 = vector.shape_cast %get3A_1177 : vector<1x16xf32> to vector<1x16xf32>
          %get3A_1179 = arith.constant 0 : i32
          %get3A_1180 = arith.constant 0 : i32
          %get3A_1181 = tpu.memref_slice %run_scoped3A_8[%rem3A_336, %get3A_1179, %get3A_1180] : memref<2x16x1024xf32, #tpu.memory_space<vmem>> -> memref<1x16x1024xf32, #tpu.memory_space<vmem>>
          %get3A_1182 = tpu.memref_squeeze %get3A_1181 : memref<1x16x1024xf32, #tpu.memory_space<vmem>> -> memref<16x1024xf32, #tpu.memory_space<vmem>>
          %get3A_1183 = arith.index_cast %add3A_548 : i32 to index
          %get3A_1184 = arith.constant 384 : index
          %get3A_1185 = tpu.vector_load %get3A_1182[%get3A_1183, %get3A_1184] {strides = array<i32>} : memref<16x1024xf32, #tpu.memory_space<vmem>>, vector<1x16xf32>,
          %get3A_1186 = vector.shape_cast %get3A_1185 : vector<1x16xf32> to vector<1x16xf32>
          %add3A_1187 = arith.addf %get3A_1178, %get3A_1186 : vector<1x16xf32>
          %swap3A_1188 = arith.constant 0 : i32
          %swap3A_1189 = arith.constant 0 : i32
          %swap3A_1190 = tpu.memref_slice %run_scoped3A_10[%rem3A_338, %swap3A_1188, %swap3A_1189] : memref<2x16x1024xf32, #tpu.memory_space<vmem>> -> memref<1x16x1024xf32, #tpu.memory_space<vmem>>
          %swap3A_1191 = tpu.memref_squeeze %swap3A_1190 : memref<1x16x1024xf32, #tpu.memory_space<vmem>> -> memref<16x1024xf32, #tpu.memory_space<vmem>>
          %swap3A_1192 = arith.index_cast %add3A_548 : i32 to index
          %swap3A_1193 = arith.constant 384 : index
          %swap3A_1194 = tpu.vector_load %swap3A_1191[%swap3A_1192, %swap3A_1193] {strides = array<i32>} : memref<16x1024xf32, #tpu.memory_space<vmem>>, vector<1x16xf32>,
          %swap3A_1195 = vector.shape_cast %swap3A_1194 : vector<1x16xf32> to vector<1x16xf32>
          %swap3A_1196 = vector.shape_cast %add3A_1187 : vector<1x16xf32> to vector<1x16xf32>
          tpu.vector_store %swap3A_1191[%swap3A_1192, %swap3A_1193], %swap3A_1196 {strides = array<i32>} : memref<16x1024xf32, #tpu.memory_space<vmem>>, vector<1x16xf32>,
          %get3A_1197 = arith.constant 0 : i32
          %get3A_1198 = arith.constant 0 : i32
          %get3A_1199 = tpu.memref_slice %run_scoped3A[%rem3A_334, %get3A_1197, %get3A_1198] : memref<2x16x1024xf32, #tpu.memory_space<vmem>> -> memref<1x16x1024xf32, #tpu.memory_space<vmem>>
          %get3A_1200 = tpu.memref_squeeze %get3A_1199 : memref<1x16x1024xf32, #tpu.memory_space<vmem>> -> memref<16x1024xf32, #tpu.memory_space<vmem>>
          %get3A_1201 = arith.index_cast %add3A_548 : i32 to index
          %get3A_1202 = arith.constant 400 : index
          %get3A_1203 = tpu.vector_load %get3A_1200[%get3A_1201, %get3A_1202] {strides = array<i32>} : memref<16x1024xf32, #tpu.memory_space<vmem>>, vector<1x16xf32>,
          %get3A_1204 = vector.shape_cast %get3A_1203 : vector<1x16xf32> to vector<1x16xf32>
          %get3A_1205 = arith.constant 0 : i32
          %get3A_1206 = arith.constant 0 : i32
          %get3A_1207 = tpu.memref_slice %run_scoped3A_8[%rem3A_336, %get3A_1205, %get3A_1206] : memref<2x16x1024xf32, #tpu.memory_space<vmem>> -> memref<1x16x1024xf32, #tpu.memory_space<vmem>>
          %get3A_1208 = tpu.memref_squeeze %get3A_1207 : memref<1x16x1024xf32, #tpu.memory_space<vmem>> -> memref<16x1024xf32, #tpu.memory_space<vmem>>
          %get3A_1209 = arith.index_cast %add3A_548 : i32 to index
          %get3A_1210 = arith.constant 400 : index
          %get3A_1211 = tpu.vector_load %get3A_1208[%get3A_1209, %get3A_1210] {strides = array<i32>} : memref<16x1024xf32, #tpu.memory_space<vmem>>, vector<1x16xf32>,
          %get3A_1212 = vector.shape_cast %get3A_1211 : vector<1x16xf32> to vector<1x16xf32>
          %add3A_1213 = arith.addf %get3A_1204, %get3A_1212 : vector<1x16xf32>
          %swap3A_1214 = arith.constant 0 : i32
          %swap3A_1215 = arith.constant 0 : i32
          %swap3A_1216 = tpu.memref_slice %run_scoped3A_10[%rem3A_338, %swap3A_1214, %swap3A_1215] : memref<2x16x1024xf32, #tpu.memory_space<vmem>> -> memref<1x16x1024xf32, #tpu.memory_space<vmem>>
          %swap3A_1217 = tpu.memref_squeeze %swap3A_1216 : memref<1x16x1024xf32, #tpu.memory_space<vmem>> -> memref<16x1024xf32, #tpu.memory_space<vmem>>
          %swap3A_1218 = arith.index_cast %add3A_548 : i32 to index
          %swap3A_1219 = arith.constant 400 : index
          %swap3A_1220 = tpu.vector_load %swap3A_1217[%swap3A_1218, %swap3A_1219] {strides = array<i32>} : memref<16x1024xf32, #tpu.memory_space<vmem>>, vector<1x16xf32>,
          %swap3A_1221 = vector.shape_cast %swap3A_1220 : vector<1x16xf32> to vector<1x16xf32>
          %swap3A_1222 = vector.shape_cast %add3A_1213 : vector<1x16xf32> to vector<1x16xf32>
          tpu.vector_store %swap3A_1217[%swap3A_1218, %swap3A_1219], %swap3A_1222 {strides = array<i32>} : memref<16x1024xf32, #tpu.memory_space<vmem>>, vector<1x16xf32>,
          %get3A_1223 = arith.constant 0 : i32
          %get3A_1224 = arith.constant 0 : i32
          %get3A_1225 = tpu.memref_slice %run_scoped3A[%rem3A_334, %get3A_1223, %get3A_1224] : memref<2x16x1024xf32, #tpu.memory_space<vmem>> -> memref<1x16x1024xf32, #tpu.memory_space<vmem>>
          %get3A_1226 = tpu.memref_squeeze %get3A_1225 : memref<1x16x1024xf32, #tpu.memory_space<vmem>> -> memref<16x1024xf32, #tpu.memory_space<vmem>>
          %get3A_1227 = arith.index_cast %add3A_548 : i32 to index
          %get3A_1228 = arith.constant 416 : index
          %get3A_1229 = tpu.vector_load %get3A_1226[%get3A_1227, %get3A_1228] {strides = array<i32>} : memref<16x1024xf32, #tpu.memory_space<vmem>>, vector<1x16xf32>,
          %get3A_1230 = vector.shape_cast %get3A_1229 : vector<1x16xf32> to vector<1x16xf32>
          %get3A_1231 = arith.constant 0 : i32
          %get3A_1232 = arith.constant 0 : i32
          %get3A_1233 = tpu.memref_slice %run_scoped3A_8[%rem3A_336, %get3A_1231, %get3A_1232] : memref<2x16x1024xf32, #tpu.memory_space<vmem>> -> memref<1x16x1024xf32, #tpu.memory_space<vmem>>
          %get3A_1234 = tpu.memref_squeeze %get3A_1233 : memref<1x16x1024xf32, #tpu.memory_space<vmem>> -> memref<16x1024xf32, #tpu.memory_space<vmem>>
          %get3A_1235 = arith.index_cast %add3A_548 : i32 to index
          %get3A_1236 = arith.constant 416 : index
          %get3A_1237 = tpu.vector_load %get3A_1234[%get3A_1235, %get3A_1236] {strides = array<i32>} : memref<16x1024xf32, #tpu.memory_space<vmem>>, vector<1x16xf32>,
          %get3A_1238 = vector.shape_cast %get3A_1237 : vector<1x16xf32> to vector<1x16xf32>
          %add3A_1239 = arith.addf %get3A_1230, %get3A_1238 : vector<1x16xf32>
          %swap3A_1240 = arith.constant 0 : i32
          %swap3A_1241 = arith.constant 0 : i32
          %swap3A_1242 = tpu.memref_slice %run_scoped3A_10[%rem3A_338, %swap3A_1240, %swap3A_1241] : memref<2x16x1024xf32, #tpu.memory_space<vmem>> -> memref<1x16x1024xf32, #tpu.memory_space<vmem>>
          %swap3A_1243 = tpu.memref_squeeze %swap3A_1242 : memref<1x16x1024xf32, #tpu.memory_space<vmem>> -> memref<16x1024xf32, #tpu.memory_space<vmem>>
          %swap3A_1244 = arith.index_cast %add3A_548 : i32 to index
          %swap3A_1245 = arith.constant 416 : index
          %swap3A_1246 = tpu.vector_load %swap3A_1243[%swap3A_1244, %swap3A_1245] {strides = array<i32>} : memref<16x1024xf32, #tpu.memory_space<vmem>>, vector<1x16xf32>,
          %swap3A_1247 = vector.shape_cast %swap3A_1246 : vector<1x16xf32> to vector<1x16xf32>
          %swap3A_1248 = vector.shape_cast %add3A_1239 : vector<1x16xf32> to vector<1x16xf32>
          tpu.vector_store %swap3A_1243[%swap3A_1244, %swap3A_1245], %swap3A_1248 {strides = array<i32>} : memref<16x1024xf32, #tpu.memory_space<vmem>>, vector<1x16xf32>,
          %get3A_1249 = arith.constant 0 : i32
          %get3A_1250 = arith.constant 0 : i32
          %get3A_1251 = tpu.memref_slice %run_scoped3A[%rem3A_334, %get3A_1249, %get3A_1250] : memref<2x16x1024xf32, #tpu.memory_space<vmem>> -> memref<1x16x1024xf32, #tpu.memory_space<vmem>>
          %get3A_1252 = tpu.memref_squeeze %get3A_1251 : memref<1x16x1024xf32, #tpu.memory_space<vmem>> -> memref<16x1024xf32, #tpu.memory_space<vmem>>
          %get3A_1253 = arith.index_cast %add3A_548 : i32 to index
          %get3A_1254 = arith.constant 432 : index
          %get3A_1255 = tpu.vector_load %get3A_1252[%get3A_1253, %get3A_1254] {strides = array<i32>} : memref<16x1024xf32, #tpu.memory_space<vmem>>, vector<1x16xf32>,
          %get3A_1256 = vector.shape_cast %get3A_1255 : vector<1x16xf32> to vector<1x16xf32>
          %get3A_1257 = arith.constant 0 : i32
          %get3A_1258 = arith.constant 0 : i32
          %get3A_1259 = tpu.memref_slice %run_scoped3A_8[%rem3A_336, %get3A_1257, %get3A_1258] : memref<2x16x1024xf32, #tpu.memory_space<vmem>> -> memref<1x16x1024xf32, #tpu.memory_space<vmem>>
          %get3A_1260 = tpu.memref_squeeze %get3A_1259 : memref<1x16x1024xf32, #tpu.memory_space<vmem>> -> memref<16x1024xf32, #tpu.memory_space<vmem>>
          %get3A_1261 = arith.index_cast %add3A_548 : i32 to index
          %get3A_1262 = arith.constant 432 : index
          %get3A_1263 = tpu.vector_load %get3A_1260[%get3A_1261, %get3A_1262] {strides = array<i32>} : memref<16x1024xf32, #tpu.memory_space<vmem>>, vector<1x16xf32>,
          %get3A_1264 = vector.shape_cast %get3A_1263 : vector<1x16xf32> to vector<1x16xf32>
          %add3A_1265 = arith.addf %get3A_1256, %get3A_1264 : vector<1x16xf32>
          %swap3A_1266 = arith.constant 0 : i32
          %swap3A_1267 = arith.constant 0 : i32
          %swap3A_1268 = tpu.memref_slice %run_scoped3A_10[%rem3A_338, %swap3A_1266, %swap3A_1267] : memref<2x16x1024xf32, #tpu.memory_space<vmem>> -> memref<1x16x1024xf32, #tpu.memory_space<vmem>>
          %swap3A_1269 = tpu.memref_squeeze %swap3A_1268 : memref<1x16x1024xf32, #tpu.memory_space<vmem>> -> memref<16x1024xf32, #tpu.memory_space<vmem>>
          %swap3A_1270 = arith.index_cast %add3A_548 : i32 to index
          %swap3A_1271 = arith.constant 432 : index
          %swap3A_1272 = tpu.vector_load %swap3A_1269[%swap3A_1270, %swap3A_1271] {strides = array<i32>} : memref<16x1024xf32, #tpu.memory_space<vmem>>, vector<1x16xf32>,
          %swap3A_1273 = vector.shape_cast %swap3A_1272 : vector<1x16xf32> to vector<1x16xf32>
          %swap3A_1274 = vector.shape_cast %add3A_1265 : vector<1x16xf32> to vector<1x16xf32>
          tpu.vector_store %swap3A_1269[%swap3A_1270, %swap3A_1271], %swap3A_1274 {strides = array<i32>} : memref<16x1024xf32, #tpu.memory_space<vmem>>, vector<1x16xf32>,
          %get3A_1275 = arith.constant 0 : i32
          %get3A_1276 = arith.constant 0 : i32
          %get3A_1277 = tpu.memref_slice %run_scoped3A[%rem3A_334, %get3A_1275, %get3A_1276] : memref<2x16x1024xf32, #tpu.memory_space<vmem>> -> memref<1x16x1024xf32, #tpu.memory_space<vmem>>
          %get3A_1278 = tpu.memref_squeeze %get3A_1277 : memref<1x16x1024xf32, #tpu.memory_space<vmem>> -> memref<16x1024xf32, #tpu.memory_space<vmem>>
          %get3A_1279 = arith.index_cast %add3A_548 : i32 to index
          %get3A_1280 = arith.constant 448 : index
          %get3A_1281 = tpu.vector_load %get3A_1278[%get3A_1279, %get3A_1280] {strides = array<i32>} : memref<16x1024xf32, #tpu.memory_space<vmem>>, vector<1x16xf32>,
          %get3A_1282 = vector.shape_cast %get3A_1281 : vector<1x16xf32> to vector<1x16xf32>
          %get3A_1283 = arith.constant 0 : i32
          %get3A_1284 = arith.constant 0 : i32
          %get3A_1285 = tpu.memref_slice %run_scoped3A_8[%rem3A_336, %get3A_1283, %get3A_1284] : memref<2x16x1024xf32, #tpu.memory_space<vmem>> -> memref<1x16x1024xf32, #tpu.memory_space<vmem>>
          %get3A_1286 = tpu.memref_squeeze %get3A_1285 : memref<1x16x1024xf32, #tpu.memory_space<vmem>> -> memref<16x1024xf32, #tpu.memory_space<vmem>>
          %get3A_1287 = arith.index_cast %add3A_548 : i32 to index
          %get3A_1288 = arith.constant 448 : index
          %get3A_1289 = tpu.vector_load %get3A_1286[%get3A_1287, %get3A_1288] {strides = array<i32>} : memref<16x1024xf32, #tpu.memory_space<vmem>>, vector<1x16xf32>,
          %get3A_1290 = vector.shape_cast %get3A_1289 : vector<1x16xf32> to vector<1x16xf32>
          %add3A_1291 = arith.addf %get3A_1282, %get3A_1290 : vector<1x16xf32>
          %swap3A_1292 = arith.constant 0 : i32
          %swap3A_1293 = arith.constant 0 : i32
          %swap3A_1294 = tpu.memref_slice %run_scoped3A_10[%rem3A_338, %swap3A_1292, %swap3A_1293] : memref<2x16x1024xf32, #tpu.memory_space<vmem>> -> memref<1x16x1024xf32, #tpu.memory_space<vmem>>
          %swap3A_1295 = tpu.memref_squeeze %swap3A_1294 : memref<1x16x1024xf32, #tpu.memory_space<vmem>> -> memref<16x1024xf32, #tpu.memory_space<vmem>>
          %swap3A_1296 = arith.index_cast %add3A_548 : i32 to index
          %swap3A_1297 = arith.constant 448 : index
          %swap3A_1298 = tpu.vector_load %swap3A_1295[%swap3A_1296, %swap3A_1297] {strides = array<i32>} : memref<16x1024xf32, #tpu.memory_space<vmem>>, vector<1x16xf32>,
          %swap3A_1299 = vector.shape_cast %swap3A_1298 : vector<1x16xf32> to vector<1x16xf32>
          %swap3A_1300 = vector.shape_cast %add3A_1291 : vector<1x16xf32> to vector<1x16xf32>
          tpu.vector_store %swap3A_1295[%swap3A_1296, %swap3A_1297], %swap3A_1300 {strides = array<i32>} : memref<16x1024xf32, #tpu.memory_space<vmem>>, vector<1x16xf32>,
          %get3A_1301 = arith.constant 0 : i32
          %get3A_1302 = arith.constant 0 : i32
          %get3A_1303 = tpu.memref_slice %run_scoped3A[%rem3A_334, %get3A_1301, %get3A_1302] : memref<2x16x1024xf32, #tpu.memory_space<vmem>> -> memref<1x16x1024xf32, #tpu.memory_space<vmem>>
          %get3A_1304 = tpu.memref_squeeze %get3A_1303 : memref<1x16x1024xf32, #tpu.memory_space<vmem>> -> memref<16x1024xf32, #tpu.memory_space<vmem>>
          %get3A_1305 = arith.index_cast %add3A_548 : i32 to index
          %get3A_1306 = arith.constant 464 : index
          %get3A_1307 = tpu.vector_load %get3A_1304[%get3A_1305, %get3A_1306] {strides = array<i32>} : memref<16x1024xf32, #tpu.memory_space<vmem>>, vector<1x16xf32>,
          %get3A_1308 = vector.shape_cast %get3A_1307 : vector<1x16xf32> to vector<1x16xf32>
          %get3A_1309 = arith.constant 0 : i32
          %get3A_1310 = arith.constant 0 : i32
          %get3A_1311 = tpu.memref_slice %run_scoped3A_8[%rem3A_336, %get3A_1309, %get3A_1310] : memref<2x16x1024xf32, #tpu.memory_space<vmem>> -> memref<1x16x1024xf32, #tpu.memory_space<vmem>>
          %get3A_1312 = tpu.memref_squeeze %get3A_1311 : memref<1x16x1024xf32, #tpu.memory_space<vmem>> -> memref<16x1024xf32, #tpu.memory_space<vmem>>
          %get3A_1313 = arith.index_cast %add3A_548 : i32 to index
          %get3A_1314 = arith.constant 464 : index
          %get3A_1315 = tpu.vector_load %get3A_1312[%get3A_1313, %get3A_1314] {strides = array<i32>} : memref<16x1024xf32, #tpu.memory_space<vmem>>, vector<1x16xf32>,
          %get3A_1316 = vector.shape_cast %get3A_1315 : vector<1x16xf32> to vector<1x16xf32>
          %add3A_1317 = arith.addf %get3A_1308, %get3A_1316 : vector<1x16xf32>
          %swap3A_1318 = arith.constant 0 : i32
          %swap3A_1319 = arith.constant 0 : i32
          %swap3A_1320 = tpu.memref_slice %run_scoped3A_10[%rem3A_338, %swap3A_1318, %swap3A_1319] : memref<2x16x1024xf32, #tpu.memory_space<vmem>> -> memref<1x16x1024xf32, #tpu.memory_space<vmem>>
          %swap3A_1321 = tpu.memref_squeeze %swap3A_1320 : memref<1x16x1024xf32, #tpu.memory_space<vmem>> -> memref<16x1024xf32, #tpu.memory_space<vmem>>
          %swap3A_1322 = arith.index_cast %add3A_548 : i32 to index
          %swap3A_1323 = arith.constant 464 : index
          %swap3A_1324 = tpu.vector_load %swap3A_1321[%swap3A_1322, %swap3A_1323] {strides = array<i32>} : memref<16x1024xf32, #tpu.memory_space<vmem>>, vector<1x16xf32>,
          %swap3A_1325 = vector.shape_cast %swap3A_1324 : vector<1x16xf32> to vector<1x16xf32>
          %swap3A_1326 = vector.shape_cast %add3A_1317 : vector<1x16xf32> to vector<1x16xf32>
          tpu.vector_store %swap3A_1321[%swap3A_1322, %swap3A_1323], %swap3A_1326 {strides = array<i32>} : memref<16x1024xf32, #tpu.memory_space<vmem>>, vector<1x16xf32>,
          %get3A_1327 = arith.constant 0 : i32
          %get3A_1328 = arith.constant 0 : i32
          %get3A_1329 = tpu.memref_slice %run_scoped3A[%rem3A_334, %get3A_1327, %get3A_1328] : memref<2x16x1024xf32, #tpu.memory_space<vmem>> -> memref<1x16x1024xf32, #tpu.memory_space<vmem>>
          %get3A_1330 = tpu.memref_squeeze %get3A_1329 : memref<1x16x1024xf32, #tpu.memory_space<vmem>> -> memref<16x1024xf32, #tpu.memory_space<vmem>>
          %get3A_1331 = arith.index_cast %add3A_548 : i32 to index
          %get3A_1332 = arith.constant 480 : index
          %get3A_1333 = tpu.vector_load %get3A_1330[%get3A_1331, %get3A_1332] {strides = array<i32>} : memref<16x1024xf32, #tpu.memory_space<vmem>>, vector<1x16xf32>,
          %get3A_1334 = vector.shape_cast %get3A_1333 : vector<1x16xf32> to vector<1x16xf32>
          %get3A_1335 = arith.constant 0 : i32
          %get3A_1336 = arith.constant 0 : i32
          %get3A_1337 = tpu.memref_slice %run_scoped3A_8[%rem3A_336, %get3A_1335, %get3A_1336] : memref<2x16x1024xf32, #tpu.memory_space<vmem>> -> memref<1x16x1024xf32, #tpu.memory_space<vmem>>
          %get3A_1338 = tpu.memref_squeeze %get3A_1337 : memref<1x16x1024xf32, #tpu.memory_space<vmem>> -> memref<16x1024xf32, #tpu.memory_space<vmem>>
          %get3A_1339 = arith.index_cast %add3A_548 : i32 to index
          %get3A_1340 = arith.constant 480 : index
          %get3A_1341 = tpu.vector_load %get3A_1338[%get3A_1339, %get3A_1340] {strides = array<i32>} : memref<16x1024xf32, #tpu.memory_space<vmem>>, vector<1x16xf32>,
          %get3A_1342 = vector.shape_cast %get3A_1341 : vector<1x16xf32> to vector<1x16xf32>
          %add3A_1343 = arith.addf %get3A_1334, %get3A_1342 : vector<1x16xf32>
          %swap3A_1344 = arith.constant 0 : i32
          %swap3A_1345 = arith.constant 0 : i32
          %swap3A_1346 = tpu.memref_slice %run_scoped3A_10[%rem3A_338, %swap3A_1344, %swap3A_1345] : memref<2x16x1024xf32, #tpu.memory_space<vmem>> -> memref<1x16x1024xf32, #tpu.memory_space<vmem>>
          %swap3A_1347 = tpu.memref_squeeze %swap3A_1346 : memref<1x16x1024xf32, #tpu.memory_space<vmem>> -> memref<16x1024xf32, #tpu.memory_space<vmem>>
          %swap3A_1348 = arith.index_cast %add3A_548 : i32 to index
          %swap3A_1349 = arith.constant 480 : index
          %swap3A_1350 = tpu.vector_load %swap3A_1347[%swap3A_1348, %swap3A_1349] {strides = array<i32>} : memref<16x1024xf32, #tpu.memory_space<vmem>>, vector<1x16xf32>,
          %swap3A_1351 = vector.shape_cast %swap3A_1350 : vector<1x16xf32> to vector<1x16xf32>
          %swap3A_1352 = vector.shape_cast %add3A_1343 : vector<1x16xf32> to vector<1x16xf32>
          tpu.vector_store %swap3A_1347[%swap3A_1348, %swap3A_1349], %swap3A_1352 {strides = array<i32>} : memref<16x1024xf32, #tpu.memory_space<vmem>>, vector<1x16xf32>,
          %get3A_1353 = arith.constant 0 : i32
          %get3A_1354 = arith.constant 0 : i32
          %get3A_1355 = tpu.memref_slice %run_scoped3A[%rem3A_334, %get3A_1353, %get3A_1354] : memref<2x16x1024xf32, #tpu.memory_space<vmem>> -> memref<1x16x1024xf32, #tpu.memory_space<vmem>>
          %get3A_1356 = tpu.memref_squeeze %get3A_1355 : memref<1x16x1024xf32, #tpu.memory_space<vmem>> -> memref<16x1024xf32, #tpu.memory_space<vmem>>
          %get3A_1357 = arith.index_cast %add3A_548 : i32 to index
          %get3A_1358 = arith.constant 496 : index
          %get3A_1359 = tpu.vector_load %get3A_1356[%get3A_1357, %get3A_1358] {strides = array<i32>} : memref<16x1024xf32, #tpu.memory_space<vmem>>, vector<1x16xf32>,
          %get3A_1360 = vector.shape_cast %get3A_1359 : vector<1x16xf32> to vector<1x16xf32>
          %get3A_1361 = arith.constant 0 : i32
          %get3A_1362 = arith.constant 0 : i32
          %get3A_1363 = tpu.memref_slice %run_scoped3A_8[%rem3A_336, %get3A_1361, %get3A_1362] : memref<2x16x1024xf32, #tpu.memory_space<vmem>> -> memref<1x16x1024xf32, #tpu.memory_space<vmem>>
          %get3A_1364 = tpu.memref_squeeze %get3A_1363 : memref<1x16x1024xf32, #tpu.memory_space<vmem>> -> memref<16x1024xf32, #tpu.memory_space<vmem>>
          %get3A_1365 = arith.index_cast %add3A_548 : i32 to index
          %get3A_1366 = arith.constant 496 : index
          %get3A_1367 = tpu.vector_load %get3A_1364[%get3A_1365, %get3A_1366] {strides = array<i32>} : memref<16x1024xf32, #tpu.memory_space<vmem>>, vector<1x16xf32>,
          %get3A_1368 = vector.shape_cast %get3A_1367 : vector<1x16xf32> to vector<1x16xf32>
          %add3A_1369 = arith.addf %get3A_1360, %get3A_1368 : vector<1x16xf32>
          %swap3A_1370 = arith.constant 0 : i32
          %swap3A_1371 = arith.constant 0 : i32
          %swap3A_1372 = tpu.memref_slice %run_scoped3A_10[%rem3A_338, %swap3A_1370, %swap3A_1371] : memref<2x16x1024xf32, #tpu.memory_space<vmem>> -> memref<1x16x1024xf32, #tpu.memory_space<vmem>>
          %swap3A_1373 = tpu.memref_squeeze %swap3A_1372 : memref<1x16x1024xf32, #tpu.memory_space<vmem>> -> memref<16x1024xf32, #tpu.memory_space<vmem>>
          %swap3A_1374 = arith.index_cast %add3A_548 : i32 to index
          %swap3A_1375 = arith.constant 496 : index
          %swap3A_1376 = tpu.vector_load %swap3A_1373[%swap3A_1374, %swap3A_1375] {strides = array<i32>} : memref<16x1024xf32, #tpu.memory_space<vmem>>, vector<1x16xf32>,
          %swap3A_1377 = vector.shape_cast %swap3A_1376 : vector<1x16xf32> to vector<1x16xf32>
          %swap3A_1378 = vector.shape_cast %add3A_1369 : vector<1x16xf32> to vector<1x16xf32>
          tpu.vector_store %swap3A_1373[%swap3A_1374, %swap3A_1375], %swap3A_1378 {strides = array<i32>} : memref<16x1024xf32, #tpu.memory_space<vmem>>, vector<1x16xf32>,
          %get3A_1379 = arith.constant 0 : i32
          %get3A_1380 = arith.constant 0 : i32
          %get3A_1381 = tpu.memref_slice %run_scoped3A[%rem3A_334, %get3A_1379, %get3A_1380] : memref<2x16x1024xf32, #tpu.memory_space<vmem>> -> memref<1x16x1024xf32, #tpu.memory_space<vmem>>
          %get3A_1382 = tpu.memref_squeeze %get3A_1381 : memref<1x16x1024xf32, #tpu.memory_space<vmem>> -> memref<16x1024xf32, #tpu.memory_space<vmem>>
          %get3A_1383 = arith.index_cast %add3A_548 : i32 to index
          %get3A_1384 = arith.constant 512 : index
          %get3A_1385 = tpu.vector_load %get3A_1382[%get3A_1383, %get3A_1384] {strides = array<i32>} : memref<16x1024xf32, #tpu.memory_space<vmem>>, vector<1x16xf32>,
          %get3A_1386 = vector.shape_cast %get3A_1385 : vector<1x16xf32> to vector<1x16xf32>
          %get3A_1387 = arith.constant 0 : i32
          %get3A_1388 = arith.constant 0 : i32
          %get3A_1389 = tpu.memref_slice %run_scoped3A_8[%rem3A_336, %get3A_1387, %get3A_1388] : memref<2x16x1024xf32, #tpu.memory_space<vmem>> -> memref<1x16x1024xf32, #tpu.memory_space<vmem>>
          %get3A_1390 = tpu.memref_squeeze %get3A_1389 : memref<1x16x1024xf32, #tpu.memory_space<vmem>> -> memref<16x1024xf32, #tpu.memory_space<vmem>>
          %get3A_1391 = arith.index_cast %add3A_548 : i32 to index
          %get3A_1392 = arith.constant 512 : index
          %get3A_1393 = tpu.vector_load %get3A_1390[%get3A_1391, %get3A_1392] {strides = array<i32>} : memref<16x1024xf32, #tpu.memory_space<vmem>>, vector<1x16xf32>,
          %get3A_1394 = vector.shape_cast %get3A_1393 : vector<1x16xf32> to vector<1x16xf32>
          %add3A_1395 = arith.addf %get3A_1386, %get3A_1394 : vector<1x16xf32>
          %swap3A_1396 = arith.constant 0 : i32
          %swap3A_1397 = arith.constant 0 : i32
          %swap3A_1398 = tpu.memref_slice %run_scoped3A_10[%rem3A_338, %swap3A_1396, %swap3A_1397] : memref<2x16x1024xf32, #tpu.memory_space<vmem>> -> memref<1x16x1024xf32, #tpu.memory_space<vmem>>
          %swap3A_1399 = tpu.memref_squeeze %swap3A_1398 : memref<1x16x1024xf32, #tpu.memory_space<vmem>> -> memref<16x1024xf32, #tpu.memory_space<vmem>>
          %swap3A_1400 = arith.index_cast %add3A_548 : i32 to index
          %swap3A_1401 = arith.constant 512 : index
          %swap3A_1402 = tpu.vector_load %swap3A_1399[%swap3A_1400, %swap3A_1401] {strides = array<i32>} : memref<16x1024xf32, #tpu.memory_space<vmem>>, vector<1x16xf32>,
          %swap3A_1403 = vector.shape_cast %swap3A_1402 : vector<1x16xf32> to vector<1x16xf32>
          %swap3A_1404 = vector.shape_cast %add3A_1395 : vector<1x16xf32> to vector<1x16xf32>
          tpu.vector_store %swap3A_1399[%swap3A_1400, %swap3A_1401], %swap3A_1404 {strides = array<i32>} : memref<16x1024xf32, #tpu.memory_space<vmem>>, vector<1x16xf32>,
          %get3A_1405 = arith.constant 0 : i32
          %get3A_1406 = arith.constant 0 : i32
          %get3A_1407 = tpu.memref_slice %run_scoped3A[%rem3A_334, %get3A_1405, %get3A_1406] : memref<2x16x1024xf32, #tpu.memory_space<vmem>> -> memref<1x16x1024xf32, #tpu.memory_space<vmem>>
          %get3A_1408 = tpu.memref_squeeze %get3A_1407 : memref<1x16x1024xf32, #tpu.memory_space<vmem>> -> memref<16x1024xf32, #tpu.memory_space<vmem>>
          %get3A_1409 = arith.index_cast %add3A_548 : i32 to index
          %get3A_1410 = arith.constant 528 : index
          %get3A_1411 = tpu.vector_load %get3A_1408[%get3A_1409, %get3A_1410] {strides = array<i32>} : memref<16x1024xf32, #tpu.memory_space<vmem>>, vector<1x16xf32>,
          %get3A_1412 = vector.shape_cast %get3A_1411 : vector<1x16xf32> to vector<1x16xf32>
          %get3A_1413 = arith.constant 0 : i32
          %get3A_1414 = arith.constant 0 : i32
          %get3A_1415 = tpu.memref_slice %run_scoped3A_8[%rem3A_336, %get3A_1413, %get3A_1414] : memref<2x16x1024xf32, #tpu.memory_space<vmem>> -> memref<1x16x1024xf32, #tpu.memory_space<vmem>>
          %get3A_1416 = tpu.memref_squeeze %get3A_1415 : memref<1x16x1024xf32, #tpu.memory_space<vmem>> -> memref<16x1024xf32, #tpu.memory_space<vmem>>
          %get3A_1417 = arith.index_cast %add3A_548 : i32 to index
          %get3A_1418 = arith.constant 528 : index
          %get3A_1419 = tpu.vector_load %get3A_1416[%get3A_1417, %get3A_1418] {strides = array<i32>} : memref<16x1024xf32, #tpu.memory_space<vmem>>, vector<1x16xf32>,
          %get3A_1420 = vector.shape_cast %get3A_1419 : vector<1x16xf32> to vector<1x16xf32>
          %add3A_1421 = arith.addf %get3A_1412, %get3A_1420 : vector<1x16xf32>
          %swap3A_1422 = arith.constant 0 : i32
          %swap3A_1423 = arith.constant 0 : i32
          %swap3A_1424 = tpu.memref_slice %run_scoped3A_10[%rem3A_338, %swap3A_1422, %swap3A_1423] : memref<2x16x1024xf32, #tpu.memory_space<vmem>> -> memref<1x16x1024xf32, #tpu.memory_space<vmem>>
          %swap3A_1425 = tpu.memref_squeeze %swap3A_1424 : memref<1x16x1024xf32, #tpu.memory_space<vmem>> -> memref<16x1024xf32, #tpu.memory_space<vmem>>
          %swap3A_1426 = arith.index_cast %add3A_548 : i32 to index
          %swap3A_1427 = arith.constant 528 : index
          %swap3A_1428 = tpu.vector_load %swap3A_1425[%swap3A_1426, %swap3A_1427] {strides = array<i32>} : memref<16x1024xf32, #tpu.memory_space<vmem>>, vector<1x16xf32>,
          %swap3A_1429 = vector.shape_cast %swap3A_1428 : vector<1x16xf32> to vector<1x16xf32>
          %swap3A_1430 = vector.shape_cast %add3A_1421 : vector<1x16xf32> to vector<1x16xf32>
          tpu.vector_store %swap3A_1425[%swap3A_1426, %swap3A_1427], %swap3A_1430 {strides = array<i32>} : memref<16x1024xf32, #tpu.memory_space<vmem>>, vector<1x16xf32>,
          %get3A_1431 = arith.constant 0 : i32
          %get3A_1432 = arith.constant 0 : i32
          %get3A_1433 = tpu.memref_slice %run_scoped3A[%rem3A_334, %get3A_1431, %get3A_1432] : memref<2x16x1024xf32, #tpu.memory_space<vmem>> -> memref<1x16x1024xf32, #tpu.memory_space<vmem>>
          %get3A_1434 = tpu.memref_squeeze %get3A_1433 : memref<1x16x1024xf32, #tpu.memory_space<vmem>> -> memref<16x1024xf32, #tpu.memory_space<vmem>>
          %get3A_1435 = arith.index_cast %add3A_548 : i32 to index
          %get3A_1436 = arith.constant 544 : index
          %get3A_1437 = tpu.vector_load %get3A_1434[%get3A_1435, %get3A_1436] {strides = array<i32>} : memref<16x1024xf32, #tpu.memory_space<vmem>>, vector<1x16xf32>,
          %get3A_1438 = vector.shape_cast %get3A_1437 : vector<1x16xf32> to vector<1x16xf32>
          %get3A_1439 = arith.constant 0 : i32
          %get3A_1440 = arith.constant 0 : i32
          %get3A_1441 = tpu.memref_slice %run_scoped3A_8[%rem3A_336, %get3A_1439, %get3A_1440] : memref<2x16x1024xf32, #tpu.memory_space<vmem>> -> memref<1x16x1024xf32, #tpu.memory_space<vmem>>
          %get3A_1442 = tpu.memref_squeeze %get3A_1441 : memref<1x16x1024xf32, #tpu.memory_space<vmem>> -> memref<16x1024xf32, #tpu.memory_space<vmem>>
          %get3A_1443 = arith.index_cast %add3A_548 : i32 to index
          %get3A_1444 = arith.constant 544 : index
          %get3A_1445 = tpu.vector_load %get3A_1442[%get3A_1443, %get3A_1444] {strides = array<i32>} : memref<16x1024xf32, #tpu.memory_space<vmem>>, vector<1x16xf32>,
          %get3A_1446 = vector.shape_cast %get3A_1445 : vector<1x16xf32> to vector<1x16xf32>
          %add3A_1447 = arith.addf %get3A_1438, %get3A_1446 : vector<1x16xf32>
          %swap3A_1448 = arith.constant 0 : i32
          %swap3A_1449 = arith.constant 0 : i32
          %swap3A_1450 = tpu.memref_slice %run_scoped3A_10[%rem3A_338, %swap3A_1448, %swap3A_1449] : memref<2x16x1024xf32, #tpu.memory_space<vmem>> -> memref<1x16x1024xf32, #tpu.memory_space<vmem>>
          %swap3A_1451 = tpu.memref_squeeze %swap3A_1450 : memref<1x16x1024xf32, #tpu.memory_space<vmem>> -> memref<16x1024xf32, #tpu.memory_space<vmem>>
          %swap3A_1452 = arith.index_cast %add3A_548 : i32 to index
          %swap3A_1453 = arith.constant 544 : index
          %swap3A_1454 = tpu.vector_load %swap3A_1451[%swap3A_1452, %swap3A_1453] {strides = array<i32>} : memref<16x1024xf32, #tpu.memory_space<vmem>>, vector<1x16xf32>,
          %swap3A_1455 = vector.shape_cast %swap3A_1454 : vector<1x16xf32> to vector<1x16xf32>
          %swap3A_1456 = vector.shape_cast %add3A_1447 : vector<1x16xf32> to vector<1x16xf32>
          tpu.vector_store %swap3A_1451[%swap3A_1452, %swap3A_1453], %swap3A_1456 {strides = array<i32>} : memref<16x1024xf32, #tpu.memory_space<vmem>>, vector<1x16xf32>,
          %get3A_1457 = arith.constant 0 : i32
          %get3A_1458 = arith.constant 0 : i32
          %get3A_1459 = tpu.memref_slice %run_scoped3A[%rem3A_334, %get3A_1457, %get3A_1458] : memref<2x16x1024xf32, #tpu.memory_space<vmem>> -> memref<1x16x1024xf32, #tpu.memory_space<vmem>>
          %get3A_1460 = tpu.memref_squeeze %get3A_1459 : memref<1x16x1024xf32, #tpu.memory_space<vmem>> -> memref<16x1024xf32, #tpu.memory_space<vmem>>
          %get3A_1461 = arith.index_cast %add3A_548 : i32 to index
          %get3A_1462 = arith.constant 560 : index
          %get3A_1463 = tpu.vector_load %get3A_1460[%get3A_1461, %get3A_1462] {strides = array<i32>} : memref<16x1024xf32, #tpu.memory_space<vmem>>, vector<1x16xf32>,
          %get3A_1464 = vector.shape_cast %get3A_1463 : vector<1x16xf32> to vector<1x16xf32>
          %get3A_1465 = arith.constant 0 : i32
          %get3A_1466 = arith.constant 0 : i32
          %get3A_1467 = tpu.memref_slice %run_scoped3A_8[%rem3A_336, %get3A_1465, %get3A_1466] : memref<2x16x1024xf32, #tpu.memory_space<vmem>> -> memref<1x16x1024xf32, #tpu.memory_space<vmem>>
          %get3A_1468 = tpu.memref_squeeze %get3A_1467 : memref<1x16x1024xf32, #tpu.memory_space<vmem>> -> memref<16x1024xf32, #tpu.memory_space<vmem>>
          %get3A_1469 = arith.index_cast %add3A_548 : i32 to index
          %get3A_1470 = arith.constant 560 : index
          %get3A_1471 = tpu.vector_load %get3A_1468[%get3A_1469, %get3A_1470] {strides = array<i32>} : memref<16x1024xf32, #tpu.memory_space<vmem>>, vector<1x16xf32>,
          %get3A_1472 = vector.shape_cast %get3A_1471 : vector<1x16xf32> to vector<1x16xf32>
          %add3A_1473 = arith.addf %get3A_1464, %get3A_1472 : vector<1x16xf32>
          %swap3A_1474 = arith.constant 0 : i32
          %swap3A_1475 = arith.constant 0 : i32
          %swap3A_1476 = tpu.memref_slice %run_scoped3A_10[%rem3A_338, %swap3A_1474, %swap3A_1475] : memref<2x16x1024xf32, #tpu.memory_space<vmem>> -> memref<1x16x1024xf32, #tpu.memory_space<vmem>>
          %swap3A_1477 = tpu.memref_squeeze %swap3A_1476 : memref<1x16x1024xf32, #tpu.memory_space<vmem>> -> memref<16x1024xf32, #tpu.memory_space<vmem>>
          %swap3A_1478 = arith.index_cast %add3A_548 : i32 to index
          %swap3A_1479 = arith.constant 560 : index
          %swap3A_1480 = tpu.vector_load %swap3A_1477[%swap3A_1478, %swap3A_1479] {strides = array<i32>} : memref<16x1024xf32, #tpu.memory_space<vmem>>, vector<1x16xf32>,
          %swap3A_1481 = vector.shape_cast %swap3A_1480 : vector<1x16xf32> to vector<1x16xf32>
          %swap3A_1482 = vector.shape_cast %add3A_1473 : vector<1x16xf32> to vector<1x16xf32>
          tpu.vector_store %swap3A_1477[%swap3A_1478, %swap3A_1479], %swap3A_1482 {strides = array<i32>} : memref<16x1024xf32, #tpu.memory_space<vmem>>, vector<1x16xf32>,
          %get3A_1483 = arith.constant 0 : i32
          %get3A_1484 = arith.constant 0 : i32
          %get3A_1485 = tpu.memref_slice %run_scoped3A[%rem3A_334, %get3A_1483, %get3A_1484] : memref<2x16x1024xf32, #tpu.memory_space<vmem>> -> memref<1x16x1024xf32, #tpu.memory_space<vmem>>
          %get3A_1486 = tpu.memref_squeeze %get3A_1485 : memref<1x16x1024xf32, #tpu.memory_space<vmem>> -> memref<16x1024xf32, #tpu.memory_space<vmem>>
          %get3A_1487 = arith.index_cast %add3A_548 : i32 to index
          %get3A_1488 = arith.constant 576 : index
          %get3A_1489 = tpu.vector_load %get3A_1486[%get3A_1487, %get3A_1488] {strides = array<i32>} : memref<16x1024xf32, #tpu.memory_space<vmem>>, vector<1x16xf32>,
          %get3A_1490 = vector.shape_cast %get3A_1489 : vector<1x16xf32> to vector<1x16xf32>
          %get3A_1491 = arith.constant 0 : i32
          %get3A_1492 = arith.constant 0 : i32
          %get3A_1493 = tpu.memref_slice %run_scoped3A_8[%rem3A_336, %get3A_1491, %get3A_1492] : memref<2x16x1024xf32, #tpu.memory_space<vmem>> -> memref<1x16x1024xf32, #tpu.memory_space<vmem>>
          %get3A_1494 = tpu.memref_squeeze %get3A_1493 : memref<1x16x1024xf32, #tpu.memory_space<vmem>> -> memref<16x1024xf32, #tpu.memory_space<vmem>>
          %get3A_1495 = arith.index_cast %add3A_548 : i32 to index
          %get3A_1496 = arith.constant 576 : index
          %get3A_1497 = tpu.vector_load %get3A_1494[%get3A_1495, %get3A_1496] {strides = array<i32>} : memref<16x1024xf32, #tpu.memory_space<vmem>>, vector<1x16xf32>,
          %get3A_1498 = vector.shape_cast %get3A_1497 : vector<1x16xf32> to vector<1x16xf32>
          %add3A_1499 = arith.addf %get3A_1490, %get3A_1498 : vector<1x16xf32>
          %swap3A_1500 = arith.constant 0 : i32
          %swap3A_1501 = arith.constant 0 : i32
          %swap3A_1502 = tpu.memref_slice %run_scoped3A_10[%rem3A_338, %swap3A_1500, %swap3A_1501] : memref<2x16x1024xf32, #tpu.memory_space<vmem>> -> memref<1x16x1024xf32, #tpu.memory_space<vmem>>
          %swap3A_1503 = tpu.memref_squeeze %swap3A_1502 : memref<1x16x1024xf32, #tpu.memory_space<vmem>> -> memref<16x1024xf32, #tpu.memory_space<vmem>>
          %swap3A_1504 = arith.index_cast %add3A_548 : i32 to index
          %swap3A_1505 = arith.constant 576 : index
          %swap3A_1506 = tpu.vector_load %swap3A_1503[%swap3A_1504, %swap3A_1505] {strides = array<i32>} : memref<16x1024xf32, #tpu.memory_space<vmem>>, vector<1x16xf32>,
          %swap3A_1507 = vector.shape_cast %swap3A_1506 : vector<1x16xf32> to vector<1x16xf32>
          %swap3A_1508 = vector.shape_cast %add3A_1499 : vector<1x16xf32> to vector<1x16xf32>
          tpu.vector_store %swap3A_1503[%swap3A_1504, %swap3A_1505], %swap3A_1508 {strides = array<i32>} : memref<16x1024xf32, #tpu.memory_space<vmem>>, vector<1x16xf32>,
          %get3A_1509 = arith.constant 0 : i32
          %get3A_1510 = arith.constant 0 : i32
          %get3A_1511 = tpu.memref_slice %run_scoped3A[%rem3A_334, %get3A_1509, %get3A_1510] : memref<2x16x1024xf32, #tpu.memory_space<vmem>> -> memref<1x16x1024xf32, #tpu.memory_space<vmem>>
          %get3A_1512 = tpu.memref_squeeze %get3A_1511 : memref<1x16x1024xf32, #tpu.memory_space<vmem>> -> memref<16x1024xf32, #tpu.memory_space<vmem>>
          %get3A_1513 = arith.index_cast %add3A_548 : i32 to index
          %get3A_1514 = arith.constant 592 : index
          %get3A_1515 = tpu.vector_load %get3A_1512[%get3A_1513, %get3A_1514] {strides = array<i32>} : memref<16x1024xf32, #tpu.memory_space<vmem>>, vector<1x16xf32>,
          %get3A_1516 = vector.shape_cast %get3A_1515 : vector<1x16xf32> to vector<1x16xf32>
          %get3A_1517 = arith.constant 0 : i32
          %get3A_1518 = arith.constant 0 : i32
          %get3A_1519 = tpu.memref_slice %run_scoped3A_8[%rem3A_336, %get3A_1517, %get3A_1518] : memref<2x16x1024xf32, #tpu.memory_space<vmem>> -> memref<1x16x1024xf32, #tpu.memory_space<vmem>>
          %get3A_1520 = tpu.memref_squeeze %get3A_1519 : memref<1x16x1024xf32, #tpu.memory_space<vmem>> -> memref<16x1024xf32, #tpu.memory_space<vmem>>
          %get3A_1521 = arith.index_cast %add3A_548 : i32 to index
          %get3A_1522 = arith.constant 592 : index
          %get3A_1523 = tpu.vector_load %get3A_1520[%get3A_1521, %get3A_1522] {strides = array<i32>} : memref<16x1024xf32, #tpu.memory_space<vmem>>, vector<1x16xf32>,
          %get3A_1524 = vector.shape_cast %get3A_1523 : vector<1x16xf32> to vector<1x16xf32>
          %add3A_1525 = arith.addf %get3A_1516, %get3A_1524 : vector<1x16xf32>
          %swap3A_1526 = arith.constant 0 : i32
          %swap3A_1527 = arith.constant 0 : i32
          %swap3A_1528 = tpu.memref_slice %run_scoped3A_10[%rem3A_338, %swap3A_1526, %swap3A_1527] : memref<2x16x1024xf32, #tpu.memory_space<vmem>> -> memref<1x16x1024xf32, #tpu.memory_space<vmem>>
          %swap3A_1529 = tpu.memref_squeeze %swap3A_1528 : memref<1x16x1024xf32, #tpu.memory_space<vmem>> -> memref<16x1024xf32, #tpu.memory_space<vmem>>
          %swap3A_1530 = arith.index_cast %add3A_548 : i32 to index
          %swap3A_1531 = arith.constant 592 : index
          %swap3A_1532 = tpu.vector_load %swap3A_1529[%swap3A_1530, %swap3A_1531] {strides = array<i32>} : memref<16x1024xf32, #tpu.memory_space<vmem>>, vector<1x16xf32>,
          %swap3A_1533 = vector.shape_cast %swap3A_1532 : vector<1x16xf32> to vector<1x16xf32>
          %swap3A_1534 = vector.shape_cast %add3A_1525 : vector<1x16xf32> to vector<1x16xf32>
          tpu.vector_store %swap3A_1529[%swap3A_1530, %swap3A_1531], %swap3A_1534 {strides = array<i32>} : memref<16x1024xf32, #tpu.memory_space<vmem>>, vector<1x16xf32>,
          %get3A_1535 = arith.constant 0 : i32
          %get3A_1536 = arith.constant 0 : i32
          %get3A_1537 = tpu.memref_slice %run_scoped3A[%rem3A_334, %get3A_1535, %get3A_1536] : memref<2x16x1024xf32, #tpu.memory_space<vmem>> -> memref<1x16x1024xf32, #tpu.memory_space<vmem>>
          %get3A_1538 = tpu.memref_squeeze %get3A_1537 : memref<1x16x1024xf32, #tpu.memory_space<vmem>> -> memref<16x1024xf32, #tpu.memory_space<vmem>>
          %get3A_1539 = arith.index_cast %add3A_548 : i32 to index
          %get3A_1540 = arith.constant 608 : index
          %get3A_1541 = tpu.vector_load %get3A_1538[%get3A_1539, %get3A_1540] {strides = array<i32>} : memref<16x1024xf32, #tpu.memory_space<vmem>>, vector<1x16xf32>,
          %get3A_1542 = vector.shape_cast %get3A_1541 : vector<1x16xf32> to vector<1x16xf32>
          %get3A_1543 = arith.constant 0 : i32
          %get3A_1544 = arith.constant 0 : i32
          %get3A_1545 = tpu.memref_slice %run_scoped3A_8[%rem3A_336, %get3A_1543, %get3A_1544] : memref<2x16x1024xf32, #tpu.memory_space<vmem>> -> memref<1x16x1024xf32, #tpu.memory_space<vmem>>
          %get3A_1546 = tpu.memref_squeeze %get3A_1545 : memref<1x16x1024xf32, #tpu.memory_space<vmem>> -> memref<16x1024xf32, #tpu.memory_space<vmem>>
          %get3A_1547 = arith.index_cast %add3A_548 : i32 to index
          %get3A_1548 = arith.constant 608 : index
          %get3A_1549 = tpu.vector_load %get3A_1546[%get3A_1547, %get3A_1548] {strides = array<i32>} : memref<16x1024xf32, #tpu.memory_space<vmem>>, vector<1x16xf32>,
          %get3A_1550 = vector.shape_cast %get3A_1549 : vector<1x16xf32> to vector<1x16xf32>
          %add3A_1551 = arith.addf %get3A_1542, %get3A_1550 : vector<1x16xf32>
          %swap3A_1552 = arith.constant 0 : i32
          %swap3A_1553 = arith.constant 0 : i32
          %swap3A_1554 = tpu.memref_slice %run_scoped3A_10[%rem3A_338, %swap3A_1552, %swap3A_1553] : memref<2x16x1024xf32, #tpu.memory_space<vmem>> -> memref<1x16x1024xf32, #tpu.memory_space<vmem>>
          %swap3A_1555 = tpu.memref_squeeze %swap3A_1554 : memref<1x16x1024xf32, #tpu.memory_space<vmem>> -> memref<16x1024xf32, #tpu.memory_space<vmem>>
          %swap3A_1556 = arith.index_cast %add3A_548 : i32 to index
          %swap3A_1557 = arith.constant 608 : index
          %swap3A_1558 = tpu.vector_load %swap3A_1555[%swap3A_1556, %swap3A_1557] {strides = array<i32>} : memref<16x1024xf32, #tpu.memory_space<vmem>>, vector<1x16xf32>,
          %swap3A_1559 = vector.shape_cast %swap3A_1558 : vector<1x16xf32> to vector<1x16xf32>
          %swap3A_1560 = vector.shape_cast %add3A_1551 : vector<1x16xf32> to vector<1x16xf32>
          tpu.vector_store %swap3A_1555[%swap3A_1556, %swap3A_1557], %swap3A_1560 {strides = array<i32>} : memref<16x1024xf32, #tpu.memory_space<vmem>>, vector<1x16xf32>,
          %get3A_1561 = arith.constant 0 : i32
          %get3A_1562 = arith.constant 0 : i32
          %get3A_1563 = tpu.memref_slice %run_scoped3A[%rem3A_334, %get3A_1561, %get3A_1562] : memref<2x16x1024xf32, #tpu.memory_space<vmem>> -> memref<1x16x1024xf32, #tpu.memory_space<vmem>>
          %get3A_1564 = tpu.memref_squeeze %get3A_1563 : memref<1x16x1024xf32, #tpu.memory_space<vmem>> -> memref<16x1024xf32, #tpu.memory_space<vmem>>
          %get3A_1565 = arith.index_cast %add3A_548 : i32 to index
          %get3A_1566 = arith.constant 624 : index
          %get3A_1567 = tpu.vector_load %get3A_1564[%get3A_1565, %get3A_1566] {strides = array<i32>} : memref<16x1024xf32, #tpu.memory_space<vmem>>, vector<1x16xf32>,
          %get3A_1568 = vector.shape_cast %get3A_1567 : vector<1x16xf32> to vector<1x16xf32>
          %get3A_1569 = arith.constant 0 : i32
          %get3A_1570 = arith.constant 0 : i32
          %get3A_1571 = tpu.memref_slice %run_scoped3A_8[%rem3A_336, %get3A_1569, %get3A_1570] : memref<2x16x1024xf32, #tpu.memory_space<vmem>> -> memref<1x16x1024xf32, #tpu.memory_space<vmem>>
          %get3A_1572 = tpu.memref_squeeze %get3A_1571 : memref<1x16x1024xf32, #tpu.memory_space<vmem>> -> memref<16x1024xf32, #tpu.memory_space<vmem>>
          %get3A_1573 = arith.index_cast %add3A_548 : i32 to index
          %get3A_1574 = arith.constant 624 : index
          %get3A_1575 = tpu.vector_load %get3A_1572[%get3A_1573, %get3A_1574] {strides = array<i32>} : memref<16x1024xf32, #tpu.memory_space<vmem>>, vector<1x16xf32>,
          %get3A_1576 = vector.shape_cast %get3A_1575 : vector<1x16xf32> to vector<1x16xf32>
          %add3A_1577 = arith.addf %get3A_1568, %get3A_1576 : vector<1x16xf32>
          %swap3A_1578 = arith.constant 0 : i32
          %swap3A_1579 = arith.constant 0 : i32
          %swap3A_1580 = tpu.memref_slice %run_scoped3A_10[%rem3A_338, %swap3A_1578, %swap3A_1579] : memref<2x16x1024xf32, #tpu.memory_space<vmem>> -> memref<1x16x1024xf32, #tpu.memory_space<vmem>>
          %swap3A_1581 = tpu.memref_squeeze %swap3A_1580 : memref<1x16x1024xf32, #tpu.memory_space<vmem>> -> memref<16x1024xf32, #tpu.memory_space<vmem>>
          %swap3A_1582 = arith.index_cast %add3A_548 : i32 to index
          %swap3A_1583 = arith.constant 624 : index
          %swap3A_1584 = tpu.vector_load %swap3A_1581[%swap3A_1582, %swap3A_1583] {strides = array<i32>} : memref<16x1024xf32, #tpu.memory_space<vmem>>, vector<1x16xf32>,
          %swap3A_1585 = vector.shape_cast %swap3A_1584 : vector<1x16xf32> to vector<1x16xf32>
          %swap3A_1586 = vector.shape_cast %add3A_1577 : vector<1x16xf32> to vector<1x16xf32>
          tpu.vector_store %swap3A_1581[%swap3A_1582, %swap3A_1583], %swap3A_1586 {strides = array<i32>} : memref<16x1024xf32, #tpu.memory_space<vmem>>, vector<1x16xf32>,
          %get3A_1587 = arith.constant 0 : i32
          %get3A_1588 = arith.constant 0 : i32
          %get3A_1589 = tpu.memref_slice %run_scoped3A[%rem3A_334, %get3A_1587, %get3A_1588] : memref<2x16x1024xf32, #tpu.memory_space<vmem>> -> memref<1x16x1024xf32, #tpu.memory_space<vmem>>
          %get3A_1590 = tpu.memref_squeeze %get3A_1589 : memref<1x16x1024xf32, #tpu.memory_space<vmem>> -> memref<16x1024xf32, #tpu.memory_space<vmem>>
          %get3A_1591 = arith.index_cast %add3A_548 : i32 to index
          %get3A_1592 = arith.constant 640 : index
          %get3A_1593 = tpu.vector_load %get3A_1590[%get3A_1591, %get3A_1592] {strides = array<i32>} : memref<16x1024xf32, #tpu.memory_space<vmem>>, vector<1x16xf32>,
          %get3A_1594 = vector.shape_cast %get3A_1593 : vector<1x16xf32> to vector<1x16xf32>
          %get3A_1595 = arith.constant 0 : i32
          %get3A_1596 = arith.constant 0 : i32
          %get3A_1597 = tpu.memref_slice %run_scoped3A_8[%rem3A_336, %get3A_1595, %get3A_1596] : memref<2x16x1024xf32, #tpu.memory_space<vmem>> -> memref<1x16x1024xf32, #tpu.memory_space<vmem>>
          %get3A_1598 = tpu.memref_squeeze %get3A_1597 : memref<1x16x1024xf32, #tpu.memory_space<vmem>> -> memref<16x1024xf32, #tpu.memory_space<vmem>>
          %get3A_1599 = arith.index_cast %add3A_548 : i32 to index
          %get3A_1600 = arith.constant 640 : index
          %get3A_1601 = tpu.vector_load %get3A_1598[%get3A_1599, %get3A_1600] {strides = array<i32>} : memref<16x1024xf32, #tpu.memory_space<vmem>>, vector<1x16xf32>,
          %get3A_1602 = vector.shape_cast %get3A_1601 : vector<1x16xf32> to vector<1x16xf32>
          %add3A_1603 = arith.addf %get3A_1594, %get3A_1602 : vector<1x16xf32>
          %swap3A_1604 = arith.constant 0 : i32
          %swap3A_1605 = arith.constant 0 : i32
          %swap3A_1606 = tpu.memref_slice %run_scoped3A_10[%rem3A_338, %swap3A_1604, %swap3A_1605] : memref<2x16x1024xf32, #tpu.memory_space<vmem>> -> memref<1x16x1024xf32, #tpu.memory_space<vmem>>
          %swap3A_1607 = tpu.memref_squeeze %swap3A_1606 : memref<1x16x1024xf32, #tpu.memory_space<vmem>> -> memref<16x1024xf32, #tpu.memory_space<vmem>>
          %swap3A_1608 = arith.index_cast %add3A_548 : i32 to index
          %swap3A_1609 = arith.constant 640 : index
          %swap3A_1610 = tpu.vector_load %swap3A_1607[%swap3A_1608, %swap3A_1609] {strides = array<i32>} : memref<16x1024xf32, #tpu.memory_space<vmem>>, vector<1x16xf32>,
          %swap3A_1611 = vector.shape_cast %swap3A_1610 : vector<1x16xf32> to vector<1x16xf32>
          %swap3A_1612 = vector.shape_cast %add3A_1603 : vector<1x16xf32> to vector<1x16xf32>
          tpu.vector_store %swap3A_1607[%swap3A_1608, %swap3A_1609], %swap3A_1612 {strides = array<i32>} : memref<16x1024xf32, #tpu.memory_space<vmem>>, vector<1x16xf32>,
          %get3A_1613 = arith.constant 0 : i32
          %get3A_1614 = arith.constant 0 : i32
          %get3A_1615 = tpu.memref_slice %run_scoped3A[%rem3A_334, %get3A_1613, %get3A_1614] : memref<2x16x1024xf32, #tpu.memory_space<vmem>> -> memref<1x16x1024xf32, #tpu.memory_space<vmem>>
          %get3A_1616 = tpu.memref_squeeze %get3A_1615 : memref<1x16x1024xf32, #tpu.memory_space<vmem>> -> memref<16x1024xf32, #tpu.memory_space<vmem>>
          %get3A_1617 = arith.index_cast %add3A_548 : i32 to index
          %get3A_1618 = arith.constant 656 : index
          %get3A_1619 = tpu.vector_load %get3A_1616[%get3A_1617, %get3A_1618] {strides = array<i32>} : memref<16x1024xf32, #tpu.memory_space<vmem>>, vector<1x16xf32>,
          %get3A_1620 = vector.shape_cast %get3A_1619 : vector<1x16xf32> to vector<1x16xf32>
          %get3A_1621 = arith.constant 0 : i32
          %get3A_1622 = arith.constant 0 : i32
          %get3A_1623 = tpu.memref_slice %run_scoped3A_8[%rem3A_336, %get3A_1621, %get3A_1622] : memref<2x16x1024xf32, #tpu.memory_space<vmem>> -> memref<1x16x1024xf32, #tpu.memory_space<vmem>>
          %get3A_1624 = tpu.memref_squeeze %get3A_1623 : memref<1x16x1024xf32, #tpu.memory_space<vmem>> -> memref<16x1024xf32, #tpu.memory_space<vmem>>
          %get3A_1625 = arith.index_cast %add3A_548 : i32 to index
          %get3A_1626 = arith.constant 656 : index
          %get3A_1627 = tpu.vector_load %get3A_1624[%get3A_1625, %get3A_1626] {strides = array<i32>} : memref<16x1024xf32, #tpu.memory_space<vmem>>, vector<1x16xf32>,
          %get3A_1628 = vector.shape_cast %get3A_1627 : vector<1x16xf32> to vector<1x16xf32>
          %add3A_1629 = arith.addf %get3A_1620, %get3A_1628 : vector<1x16xf32>
          %swap3A_1630 = arith.constant 0 : i32
          %swap3A_1631 = arith.constant 0 : i32
          %swap3A_1632 = tpu.memref_slice %run_scoped3A_10[%rem3A_338, %swap3A_1630, %swap3A_1631] : memref<2x16x1024xf32, #tpu.memory_space<vmem>> -> memref<1x16x1024xf32, #tpu.memory_space<vmem>>
          %swap3A_1633 = tpu.memref_squeeze %swap3A_1632 : memref<1x16x1024xf32, #tpu.memory_space<vmem>> -> memref<16x1024xf32, #tpu.memory_space<vmem>>
          %swap3A_1634 = arith.index_cast %add3A_548 : i32 to index
          %swap3A_1635 = arith.constant 656 : index
          %swap3A_1636 = tpu.vector_load %swap3A_1633[%swap3A_1634, %swap3A_1635] {strides = array<i32>} : memref<16x1024xf32, #tpu.memory_space<vmem>>, vector<1x16xf32>,
          %swap3A_1637 = vector.shape_cast %swap3A_1636 : vector<1x16xf32> to vector<1x16xf32>
          %swap3A_1638 = vector.shape_cast %add3A_1629 : vector<1x16xf32> to vector<1x16xf32>
          tpu.vector_store %swap3A_1633[%swap3A_1634, %swap3A_1635], %swap3A_1638 {strides = array<i32>} : memref<16x1024xf32, #tpu.memory_space<vmem>>, vector<1x16xf32>,
          %get3A_1639 = arith.constant 0 : i32
          %get3A_1640 = arith.constant 0 : i32
          %get3A_1641 = tpu.memref_slice %run_scoped3A[%rem3A_334, %get3A_1639, %get3A_1640] : memref<2x16x1024xf32, #tpu.memory_space<vmem>> -> memref<1x16x1024xf32, #tpu.memory_space<vmem>>
          %get3A_1642 = tpu.memref_squeeze %get3A_1641 : memref<1x16x1024xf32, #tpu.memory_space<vmem>> -> memref<16x1024xf32, #tpu.memory_space<vmem>>
          %get3A_1643 = arith.index_cast %add3A_548 : i32 to index
          %get3A_1644 = arith.constant 672 : index
          %get3A_1645 = tpu.vector_load %get3A_1642[%get3A_1643, %get3A_1644] {strides = array<i32>} : memref<16x1024xf32, #tpu.memory_space<vmem>>, vector<1x16xf32>,
          %get3A_1646 = vector.shape_cast %get3A_1645 : vector<1x16xf32> to vector<1x16xf32>
          %get3A_1647 = arith.constant 0 : i32
          %get3A_1648 = arith.constant 0 : i32
          %get3A_1649 = tpu.memref_slice %run_scoped3A_8[%rem3A_336, %get3A_1647, %get3A_1648] : memref<2x16x1024xf32, #tpu.memory_space<vmem>> -> memref<1x16x1024xf32, #tpu.memory_space<vmem>>
          %get3A_1650 = tpu.memref_squeeze %get3A_1649 : memref<1x16x1024xf32, #tpu.memory_space<vmem>> -> memref<16x1024xf32, #tpu.memory_space<vmem>>
          %get3A_1651 = arith.index_cast %add3A_548 : i32 to index
          %get3A_1652 = arith.constant 672 : index
          %get3A_1653 = tpu.vector_load %get3A_1650[%get3A_1651, %get3A_1652] {strides = array<i32>} : memref<16x1024xf32, #tpu.memory_space<vmem>>, vector<1x16xf32>,
          %get3A_1654 = vector.shape_cast %get3A_1653 : vector<1x16xf32> to vector<1x16xf32>
          %add3A_1655 = arith.addf %get3A_1646, %get3A_1654 : vector<1x16xf32>
          %swap3A_1656 = arith.constant 0 : i32
          %swap3A_1657 = arith.constant 0 : i32
          %swap3A_1658 = tpu.memref_slice %run_scoped3A_10[%rem3A_338, %swap3A_1656, %swap3A_1657] : memref<2x16x1024xf32, #tpu.memory_space<vmem>> -> memref<1x16x1024xf32, #tpu.memory_space<vmem>>
          %swap3A_1659 = tpu.memref_squeeze %swap3A_1658 : memref<1x16x1024xf32, #tpu.memory_space<vmem>> -> memref<16x1024xf32, #tpu.memory_space<vmem>>
          %swap3A_1660 = arith.index_cast %add3A_548 : i32 to index
          %swap3A_1661 = arith.constant 672 : index
          %swap3A_1662 = tpu.vector_load %swap3A_1659[%swap3A_1660, %swap3A_1661] {strides = array<i32>} : memref<16x1024xf32, #tpu.memory_space<vmem>>, vector<1x16xf32>,
          %swap3A_1663 = vector.shape_cast %swap3A_1662 : vector<1x16xf32> to vector<1x16xf32>
          %swap3A_1664 = vector.shape_cast %add3A_1655 : vector<1x16xf32> to vector<1x16xf32>
          tpu.vector_store %swap3A_1659[%swap3A_1660, %swap3A_1661], %swap3A_1664 {strides = array<i32>} : memref<16x1024xf32, #tpu.memory_space<vmem>>, vector<1x16xf32>,
          %get3A_1665 = arith.constant 0 : i32
          %get3A_1666 = arith.constant 0 : i32
          %get3A_1667 = tpu.memref_slice %run_scoped3A[%rem3A_334, %get3A_1665, %get3A_1666] : memref<2x16x1024xf32, #tpu.memory_space<vmem>> -> memref<1x16x1024xf32, #tpu.memory_space<vmem>>
          %get3A_1668 = tpu.memref_squeeze %get3A_1667 : memref<1x16x1024xf32, #tpu.memory_space<vmem>> -> memref<16x1024xf32, #tpu.memory_space<vmem>>
          %get3A_1669 = arith.index_cast %add3A_548 : i32 to index
          %get3A_1670 = arith.constant 688 : index
          %get3A_1671 = tpu.vector_load %get3A_1668[%get3A_1669, %get3A_1670] {strides = array<i32>} : memref<16x1024xf32, #tpu.memory_space<vmem>>, vector<1x16xf32>,
          %get3A_1672 = vector.shape_cast %get3A_1671 : vector<1x16xf32> to vector<1x16xf32>
          %get3A_1673 = arith.constant 0 : i32
          %get3A_1674 = arith.constant 0 : i32
          %get3A_1675 = tpu.memref_slice %run_scoped3A_8[%rem3A_336, %get3A_1673, %get3A_1674] : memref<2x16x1024xf32, #tpu.memory_space<vmem>> -> memref<1x16x1024xf32, #tpu.memory_space<vmem>>
          %get3A_1676 = tpu.memref_squeeze %get3A_1675 : memref<1x16x1024xf32, #tpu.memory_space<vmem>> -> memref<16x1024xf32, #tpu.memory_space<vmem>>
          %get3A_1677 = arith.index_cast %add3A_548 : i32 to index
          %get3A_1678 = arith.constant 688 : index
          %get3A_1679 = tpu.vector_load %get3A_1676[%get3A_1677, %get3A_1678] {strides = array<i32>} : memref<16x1024xf32, #tpu.memory_space<vmem>>, vector<1x16xf32>,
          %get3A_1680 = vector.shape_cast %get3A_1679 : vector<1x16xf32> to vector<1x16xf32>
          %add3A_1681 = arith.addf %get3A_1672, %get3A_1680 : vector<1x16xf32>
          %swap3A_1682 = arith.constant 0 : i32
          %swap3A_1683 = arith.constant 0 : i32
          %swap3A_1684 = tpu.memref_slice %run_scoped3A_10[%rem3A_338, %swap3A_1682, %swap3A_1683] : memref<2x16x1024xf32, #tpu.memory_space<vmem>> -> memref<1x16x1024xf32, #tpu.memory_space<vmem>>
          %swap3A_1685 = tpu.memref_squeeze %swap3A_1684 : memref<1x16x1024xf32, #tpu.memory_space<vmem>> -> memref<16x1024xf32, #tpu.memory_space<vmem>>
          %swap3A_1686 = arith.index_cast %add3A_548 : i32 to index
          %swap3A_1687 = arith.constant 688 : index
          %swap3A_1688 = tpu.vector_load %swap3A_1685[%swap3A_1686, %swap3A_1687] {strides = array<i32>} : memref<16x1024xf32, #tpu.memory_space<vmem>>, vector<1x16xf32>,
          %swap3A_1689 = vector.shape_cast %swap3A_1688 : vector<1x16xf32> to vector<1x16xf32>
          %swap3A_1690 = vector.shape_cast %add3A_1681 : vector<1x16xf32> to vector<1x16xf32>
          tpu.vector_store %swap3A_1685[%swap3A_1686, %swap3A_1687], %swap3A_1690 {strides = array<i32>} : memref<16x1024xf32, #tpu.memory_space<vmem>>, vector<1x16xf32>,
          %get3A_1691 = arith.constant 0 : i32
          %get3A_1692 = arith.constant 0 : i32
          %get3A_1693 = tpu.memref_slice %run_scoped3A[%rem3A_334, %get3A_1691, %get3A_1692] : memref<2x16x1024xf32, #tpu.memory_space<vmem>> -> memref<1x16x1024xf32, #tpu.memory_space<vmem>>
          %get3A_1694 = tpu.memref_squeeze %get3A_1693 : memref<1x16x1024xf32, #tpu.memory_space<vmem>> -> memref<16x1024xf32, #tpu.memory_space<vmem>>
          %get3A_1695 = arith.index_cast %add3A_548 : i32 to index
          %get3A_1696 = arith.constant 704 : index
          %get3A_1697 = tpu.vector_load %get3A_1694[%get3A_1695, %get3A_1696] {strides = array<i32>} : memref<16x1024xf32, #tpu.memory_space<vmem>>, vector<1x16xf32>,
          %get3A_1698 = vector.shape_cast %get3A_1697 : vector<1x16xf32> to vector<1x16xf32>
          %get3A_1699 = arith.constant 0 : i32
          %get3A_1700 = arith.constant 0 : i32
          %get3A_1701 = tpu.memref_slice %run_scoped3A_8[%rem3A_336, %get3A_1699, %get3A_1700] : memref<2x16x1024xf32, #tpu.memory_space<vmem>> -> memref<1x16x1024xf32, #tpu.memory_space<vmem>>
          %get3A_1702 = tpu.memref_squeeze %get3A_1701 : memref<1x16x1024xf32, #tpu.memory_space<vmem>> -> memref<16x1024xf32, #tpu.memory_space<vmem>>
          %get3A_1703 = arith.index_cast %add3A_548 : i32 to index
          %get3A_1704 = arith.constant 704 : index
          %get3A_1705 = tpu.vector_load %get3A_1702[%get3A_1703, %get3A_1704] {strides = array<i32>} : memref<16x1024xf32, #tpu.memory_space<vmem>>, vector<1x16xf32>,
          %get3A_1706 = vector.shape_cast %get3A_1705 : vector<1x16xf32> to vector<1x16xf32>
          %add3A_1707 = arith.addf %get3A_1698, %get3A_1706 : vector<1x16xf32>
          %swap3A_1708 = arith.constant 0 : i32
          %swap3A_1709 = arith.constant 0 : i32
          %swap3A_1710 = tpu.memref_slice %run_scoped3A_10[%rem3A_338, %swap3A_1708, %swap3A_1709] : memref<2x16x1024xf32, #tpu.memory_space<vmem>> -> memref<1x16x1024xf32, #tpu.memory_space<vmem>>
          %swap3A_1711 = tpu.memref_squeeze %swap3A_1710 : memref<1x16x1024xf32, #tpu.memory_space<vmem>> -> memref<16x1024xf32, #tpu.memory_space<vmem>>
          %swap3A_1712 = arith.index_cast %add3A_548 : i32 to index
          %swap3A_1713 = arith.constant 704 : index
          %swap3A_1714 = tpu.vector_load %swap3A_1711[%swap3A_1712, %swap3A_1713] {strides = array<i32>} : memref<16x1024xf32, #tpu.memory_space<vmem>>, vector<1x16xf32>,
          %swap3A_1715 = vector.shape_cast %swap3A_1714 : vector<1x16xf32> to vector<1x16xf32>
          %swap3A_1716 = vector.shape_cast %add3A_1707 : vector<1x16xf32> to vector<1x16xf32>
          tpu.vector_store %swap3A_1711[%swap3A_1712, %swap3A_1713], %swap3A_1716 {strides = array<i32>} : memref<16x1024xf32, #tpu.memory_space<vmem>>, vector<1x16xf32>,
          %get3A_1717 = arith.constant 0 : i32
          %get3A_1718 = arith.constant 0 : i32
          %get3A_1719 = tpu.memref_slice %run_scoped3A[%rem3A_334, %get3A_1717, %get3A_1718] : memref<2x16x1024xf32, #tpu.memory_space<vmem>> -> memref<1x16x1024xf32, #tpu.memory_space<vmem>>
          %get3A_1720 = tpu.memref_squeeze %get3A_1719 : memref<1x16x1024xf32, #tpu.memory_space<vmem>> -> memref<16x1024xf32, #tpu.memory_space<vmem>>
          %get3A_1721 = arith.index_cast %add3A_548 : i32 to index
          %get3A_1722 = arith.constant 720 : index
          %get3A_1723 = tpu.vector_load %get3A_1720[%get3A_1721, %get3A_1722] {strides = array<i32>} : memref<16x1024xf32, #tpu.memory_space<vmem>>, vector<1x16xf32>,
          %get3A_1724 = vector.shape_cast %get3A_1723 : vector<1x16xf32> to vector<1x16xf32>
          %get3A_1725 = arith.constant 0 : i32
          %get3A_1726 = arith.constant 0 : i32
          %get3A_1727 = tpu.memref_slice %run_scoped3A_8[%rem3A_336, %get3A_1725, %get3A_1726] : memref<2x16x1024xf32, #tpu.memory_space<vmem>> -> memref<1x16x1024xf32, #tpu.memory_space<vmem>>
          %get3A_1728 = tpu.memref_squeeze %get3A_1727 : memref<1x16x1024xf32, #tpu.memory_space<vmem>> -> memref<16x1024xf32, #tpu.memory_space<vmem>>
          %get3A_1729 = arith.index_cast %add3A_548 : i32 to index
          %get3A_1730 = arith.constant 720 : index
          %get3A_1731 = tpu.vector_load %get3A_1728[%get3A_1729, %get3A_1730] {strides = array<i32>} : memref<16x1024xf32, #tpu.memory_space<vmem>>, vector<1x16xf32>,
          %get3A_1732 = vector.shape_cast %get3A_1731 : vector<1x16xf32> to vector<1x16xf32>
          %add3A_1733 = arith.addf %get3A_1724, %get3A_1732 : vector<1x16xf32>
          %swap3A_1734 = arith.constant 0 : i32
          %swap3A_1735 = arith.constant 0 : i32
          %swap3A_1736 = tpu.memref_slice %run_scoped3A_10[%rem3A_338, %swap3A_1734, %swap3A_1735] : memref<2x16x1024xf32, #tpu.memory_space<vmem>> -> memref<1x16x1024xf32, #tpu.memory_space<vmem>>
          %swap3A_1737 = tpu.memref_squeeze %swap3A_1736 : memref<1x16x1024xf32, #tpu.memory_space<vmem>> -> memref<16x1024xf32, #tpu.memory_space<vmem>>
          %swap3A_1738 = arith.index_cast %add3A_548 : i32 to index
          %swap3A_1739 = arith.constant 720 : index
          %swap3A_1740 = tpu.vector_load %swap3A_1737[%swap3A_1738, %swap3A_1739] {strides = array<i32>} : memref<16x1024xf32, #tpu.memory_space<vmem>>, vector<1x16xf32>,
          %swap3A_1741 = vector.shape_cast %swap3A_1740 : vector<1x16xf32> to vector<1x16xf32>
          %swap3A_1742 = vector.shape_cast %add3A_1733 : vector<1x16xf32> to vector<1x16xf32>
          tpu.vector_store %swap3A_1737[%swap3A_1738, %swap3A_1739], %swap3A_1742 {strides = array<i32>} : memref<16x1024xf32, #tpu.memory_space<vmem>>, vector<1x16xf32>,
          %get3A_1743 = arith.constant 0 : i32
          %get3A_1744 = arith.constant 0 : i32
          %get3A_1745 = tpu.memref_slice %run_scoped3A[%rem3A_334, %get3A_1743, %get3A_1744] : memref<2x16x1024xf32, #tpu.memory_space<vmem>> -> memref<1x16x1024xf32, #tpu.memory_space<vmem>>
          %get3A_1746 = tpu.memref_squeeze %get3A_1745 : memref<1x16x1024xf32, #tpu.memory_space<vmem>> -> memref<16x1024xf32, #tpu.memory_space<vmem>>
          %get3A_1747 = arith.index_cast %add3A_548 : i32 to index
          %get3A_1748 = arith.constant 736 : index
          %get3A_1749 = tpu.vector_load %get3A_1746[%get3A_1747, %get3A_1748] {strides = array<i32>} : memref<16x1024xf32, #tpu.memory_space<vmem>>, vector<1x16xf32>,
          %get3A_1750 = vector.shape_cast %get3A_1749 : vector<1x16xf32> to vector<1x16xf32>
          %get3A_1751 = arith.constant 0 : i32
          %get3A_1752 = arith.constant 0 : i32
          %get3A_1753 = tpu.memref_slice %run_scoped3A_8[%rem3A_336, %get3A_1751, %get3A_1752] : memref<2x16x1024xf32, #tpu.memory_space<vmem>> -> memref<1x16x1024xf32, #tpu.memory_space<vmem>>
          %get3A_1754 = tpu.memref_squeeze %get3A_1753 : memref<1x16x1024xf32, #tpu.memory_space<vmem>> -> memref<16x1024xf32, #tpu.memory_space<vmem>>
          %get3A_1755 = arith.index_cast %add3A_548 : i32 to index
          %get3A_1756 = arith.constant 736 : index
          %get3A_1757 = tpu.vector_load %get3A_1754[%get3A_1755, %get3A_1756] {strides = array<i32>} : memref<16x1024xf32, #tpu.memory_space<vmem>>, vector<1x16xf32>,
          %get3A_1758 = vector.shape_cast %get3A_1757 : vector<1x16xf32> to vector<1x16xf32>
          %add3A_1759 = arith.addf %get3A_1750, %get3A_1758 : vector<1x16xf32>
          %swap3A_1760 = arith.constant 0 : i32
          %swap3A_1761 = arith.constant 0 : i32
          %swap3A_1762 = tpu.memref_slice %run_scoped3A_10[%rem3A_338, %swap3A_1760, %swap3A_1761] : memref<2x16x1024xf32, #tpu.memory_space<vmem>> -> memref<1x16x1024xf32, #tpu.memory_space<vmem>>
          %swap3A_1763 = tpu.memref_squeeze %swap3A_1762 : memref<1x16x1024xf32, #tpu.memory_space<vmem>> -> memref<16x1024xf32, #tpu.memory_space<vmem>>
          %swap3A_1764 = arith.index_cast %add3A_548 : i32 to index
          %swap3A_1765 = arith.constant 736 : index
          %swap3A_1766 = tpu.vector_load %swap3A_1763[%swap3A_1764, %swap3A_1765] {strides = array<i32>} : memref<16x1024xf32, #tpu.memory_space<vmem>>, vector<1x16xf32>,
          %swap3A_1767 = vector.shape_cast %swap3A_1766 : vector<1x16xf32> to vector<1x16xf32>
          %swap3A_1768 = vector.shape_cast %add3A_1759 : vector<1x16xf32> to vector<1x16xf32>
          tpu.vector_store %swap3A_1763[%swap3A_1764, %swap3A_1765], %swap3A_1768 {strides = array<i32>} : memref<16x1024xf32, #tpu.memory_space<vmem>>, vector<1x16xf32>,
          %get3A_1769 = arith.constant 0 : i32
          %get3A_1770 = arith.constant 0 : i32
          %get3A_1771 = tpu.memref_slice %run_scoped3A[%rem3A_334, %get3A_1769, %get3A_1770] : memref<2x16x1024xf32, #tpu.memory_space<vmem>> -> memref<1x16x1024xf32, #tpu.memory_space<vmem>>
          %get3A_1772 = tpu.memref_squeeze %get3A_1771 : memref<1x16x1024xf32, #tpu.memory_space<vmem>> -> memref<16x1024xf32, #tpu.memory_space<vmem>>
          %get3A_1773 = arith.index_cast %add3A_548 : i32 to index
          %get3A_1774 = arith.constant 752 : index
          %get3A_1775 = tpu.vector_load %get3A_1772[%get3A_1773, %get3A_1774] {strides = array<i32>} : memref<16x1024xf32, #tpu.memory_space<vmem>>, vector<1x16xf32>,
          %get3A_1776 = vector.shape_cast %get3A_1775 : vector<1x16xf32> to vector<1x16xf32>
          %get3A_1777 = arith.constant 0 : i32
          %get3A_1778 = arith.constant 0 : i32
          %get3A_1779 = tpu.memref_slice %run_scoped3A_8[%rem3A_336, %get3A_1777, %get3A_1778] : memref<2x16x1024xf32, #tpu.memory_space<vmem>> -> memref<1x16x1024xf32, #tpu.memory_space<vmem>>
          %get3A_1780 = tpu.memref_squeeze %get3A_1779 : memref<1x16x1024xf32, #tpu.memory_space<vmem>> -> memref<16x1024xf32, #tpu.memory_space<vmem>>
          %get3A_1781 = arith.index_cast %add3A_548 : i32 to index
          %get3A_1782 = arith.constant 752 : index
          %get3A_1783 = tpu.vector_load %get3A_1780[%get3A_1781, %get3A_1782] {strides = array<i32>} : memref<16x1024xf32, #tpu.memory_space<vmem>>, vector<1x16xf32>,
          %get3A_1784 = vector.shape_cast %get3A_1783 : vector<1x16xf32> to vector<1x16xf32>
          %add3A_1785 = arith.addf %get3A_1776, %get3A_1784 : vector<1x16xf32>
          %swap3A_1786 = arith.constant 0 : i32
          %swap3A_1787 = arith.constant 0 : i32
          %swap3A_1788 = tpu.memref_slice %run_scoped3A_10[%rem3A_338, %swap3A_1786, %swap3A_1787] : memref<2x16x1024xf32, #tpu.memory_space<vmem>> -> memref<1x16x1024xf32, #tpu.memory_space<vmem>>
          %swap3A_1789 = tpu.memref_squeeze %swap3A_1788 : memref<1x16x1024xf32, #tpu.memory_space<vmem>> -> memref<16x1024xf32, #tpu.memory_space<vmem>>
          %swap3A_1790 = arith.index_cast %add3A_548 : i32 to index
          %swap3A_1791 = arith.constant 752 : index
          %swap3A_1792 = tpu.vector_load %swap3A_1789[%swap3A_1790, %swap3A_1791] {strides = array<i32>} : memref<16x1024xf32, #tpu.memory_space<vmem>>, vector<1x16xf32>,
          %swap3A_1793 = vector.shape_cast %swap3A_1792 : vector<1x16xf32> to vector<1x16xf32>
          %swap3A_1794 = vector.shape_cast %add3A_1785 : vector<1x16xf32> to vector<1x16xf32>
          tpu.vector_store %swap3A_1789[%swap3A_1790, %swap3A_1791], %swap3A_1794 {strides = array<i32>} : memref<16x1024xf32, #tpu.memory_space<vmem>>, vector<1x16xf32>,
          %get3A_1795 = arith.constant 0 : i32
          %get3A_1796 = arith.constant 0 : i32
          %get3A_1797 = tpu.memref_slice %run_scoped3A[%rem3A_334, %get3A_1795, %get3A_1796] : memref<2x16x1024xf32, #tpu.memory_space<vmem>> -> memref<1x16x1024xf32, #tpu.memory_space<vmem>>
          %get3A_1798 = tpu.memref_squeeze %get3A_1797 : memref<1x16x1024xf32, #tpu.memory_space<vmem>> -> memref<16x1024xf32, #tpu.memory_space<vmem>>
          %get3A_1799 = arith.index_cast %add3A_548 : i32 to index
          %get3A_1800 = arith.constant 768 : index
          %get3A_1801 = tpu.vector_load %get3A_1798[%get3A_1799, %get3A_1800] {strides = array<i32>} : memref<16x1024xf32, #tpu.memory_space<vmem>>, vector<1x16xf32>,
          %get3A_1802 = vector.shape_cast %get3A_1801 : vector<1x16xf32> to vector<1x16xf32>
          %get3A_1803 = arith.constant 0 : i32
          %get3A_1804 = arith.constant 0 : i32
          %get3A_1805 = tpu.memref_slice %run_scoped3A_8[%rem3A_336, %get3A_1803, %get3A_1804] : memref<2x16x1024xf32, #tpu.memory_space<vmem>> -> memref<1x16x1024xf32, #tpu.memory_space<vmem>>
          %get3A_1806 = tpu.memref_squeeze %get3A_1805 : memref<1x16x1024xf32, #tpu.memory_space<vmem>> -> memref<16x1024xf32, #tpu.memory_space<vmem>>
          %get3A_1807 = arith.index_cast %add3A_548 : i32 to index
          %get3A_1808 = arith.constant 768 : index
          %get3A_1809 = tpu.vector_load %get3A_1806[%get3A_1807, %get3A_1808] {strides = array<i32>} : memref<16x1024xf32, #tpu.memory_space<vmem>>, vector<1x16xf32>,
          %get3A_1810 = vector.shape_cast %get3A_1809 : vector<1x16xf32> to vector<1x16xf32>
          %add3A_1811 = arith.addf %get3A_1802, %get3A_1810 : vector<1x16xf32>
          %swap3A_1812 = arith.constant 0 : i32
          %swap3A_1813 = arith.constant 0 : i32
          %swap3A_1814 = tpu.memref_slice %run_scoped3A_10[%rem3A_338, %swap3A_1812, %swap3A_1813] : memref<2x16x1024xf32, #tpu.memory_space<vmem>> -> memref<1x16x1024xf32, #tpu.memory_space<vmem>>
          %swap3A_1815 = tpu.memref_squeeze %swap3A_1814 : memref<1x16x1024xf32, #tpu.memory_space<vmem>> -> memref<16x1024xf32, #tpu.memory_space<vmem>>
          %swap3A_1816 = arith.index_cast %add3A_548 : i32 to index
          %swap3A_1817 = arith.constant 768 : index
          %swap3A_1818 = tpu.vector_load %swap3A_1815[%swap3A_1816, %swap3A_1817] {strides = array<i32>} : memref<16x1024xf32, #tpu.memory_space<vmem>>, vector<1x16xf32>,
          %swap3A_1819 = vector.shape_cast %swap3A_1818 : vector<1x16xf32> to vector<1x16xf32>
          %swap3A_1820 = vector.shape_cast %add3A_1811 : vector<1x16xf32> to vector<1x16xf32>
          tpu.vector_store %swap3A_1815[%swap3A_1816, %swap3A_1817], %swap3A_1820 {strides = array<i32>} : memref<16x1024xf32, #tpu.memory_space<vmem>>, vector<1x16xf32>,
          %get3A_1821 = arith.constant 0 : i32
          %get3A_1822 = arith.constant 0 : i32
          %get3A_1823 = tpu.memref_slice %run_scoped3A[%rem3A_334, %get3A_1821, %get3A_1822] : memref<2x16x1024xf32, #tpu.memory_space<vmem>> -> memref<1x16x1024xf32, #tpu.memory_space<vmem>>
          %get3A_1824 = tpu.memref_squeeze %get3A_1823 : memref<1x16x1024xf32, #tpu.memory_space<vmem>> -> memref<16x1024xf32, #tpu.memory_space<vmem>>
          %get3A_1825 = arith.index_cast %add3A_548 : i32 to index
          %get3A_1826 = arith.constant 784 : index
          %get3A_1827 = tpu.vector_load %get3A_1824[%get3A_1825, %get3A_1826] {strides = array<i32>} : memref<16x1024xf32, #tpu.memory_space<vmem>>, vector<1x16xf32>,
          %get3A_1828 = vector.shape_cast %get3A_1827 : vector<1x16xf32> to vector<1x16xf32>
          %get3A_1829 = arith.constant 0 : i32
          %get3A_1830 = arith.constant 0 : i32
          %get3A_1831 = tpu.memref_slice %run_scoped3A_8[%rem3A_336, %get3A_1829, %get3A_1830] : memref<2x16x1024xf32, #tpu.memory_space<vmem>> -> memref<1x16x1024xf32, #tpu.memory_space<vmem>>
          %get3A_1832 = tpu.memref_squeeze %get3A_1831 : memref<1x16x1024xf32, #tpu.memory_space<vmem>> -> memref<16x1024xf32, #tpu.memory_space<vmem>>
          %get3A_1833 = arith.index_cast %add3A_548 : i32 to index
          %get3A_1834 = arith.constant 784 : index
          %get3A_1835 = tpu.vector_load %get3A_1832[%get3A_1833, %get3A_1834] {strides = array<i32>} : memref<16x1024xf32, #tpu.memory_space<vmem>>, vector<1x16xf32>,
          %get3A_1836 = vector.shape_cast %get3A_1835 : vector<1x16xf32> to vector<1x16xf32>
          %add3A_1837 = arith.addf %get3A_1828, %get3A_1836 : vector<1x16xf32>
          %swap3A_1838 = arith.constant 0 : i32
          %swap3A_1839 = arith.constant 0 : i32
          %swap3A_1840 = tpu.memref_slice %run_scoped3A_10[%rem3A_338, %swap3A_1838, %swap3A_1839] : memref<2x16x1024xf32, #tpu.memory_space<vmem>> -> memref<1x16x1024xf32, #tpu.memory_space<vmem>>
          %swap3A_1841 = tpu.memref_squeeze %swap3A_1840 : memref<1x16x1024xf32, #tpu.memory_space<vmem>> -> memref<16x1024xf32, #tpu.memory_space<vmem>>
          %swap3A_1842 = arith.index_cast %add3A_548 : i32 to index
          %swap3A_1843 = arith.constant 784 : index
          %swap3A_1844 = tpu.vector_load %swap3A_1841[%swap3A_1842, %swap3A_1843] {strides = array<i32>} : memref<16x1024xf32, #tpu.memory_space<vmem>>, vector<1x16xf32>,
          %swap3A_1845 = vector.shape_cast %swap3A_1844 : vector<1x16xf32> to vector<1x16xf32>
          %swap3A_1846 = vector.shape_cast %add3A_1837 : vector<1x16xf32> to vector<1x16xf32>
          tpu.vector_store %swap3A_1841[%swap3A_1842, %swap3A_1843], %swap3A_1846 {strides = array<i32>} : memref<16x1024xf32, #tpu.memory_space<vmem>>, vector<1x16xf32>,
          %get3A_1847 = arith.constant 0 : i32
          %get3A_1848 = arith.constant 0 : i32
          %get3A_1849 = tpu.memref_slice %run_scoped3A[%rem3A_334, %get3A_1847, %get3A_1848] : memref<2x16x1024xf32, #tpu.memory_space<vmem>> -> memref<1x16x1024xf32, #tpu.memory_space<vmem>>
          %get3A_1850 = tpu.memref_squeeze %get3A_1849 : memref<1x16x1024xf32, #tpu.memory_space<vmem>> -> memref<16x1024xf32, #tpu.memory_space<vmem>>
          %get3A_1851 = arith.index_cast %add3A_548 : i32 to index
          %get3A_1852 = arith.constant 800 : index
          %get3A_1853 = tpu.vector_load %get3A_1850[%get3A_1851, %get3A_1852] {strides = array<i32>} : memref<16x1024xf32, #tpu.memory_space<vmem>>, vector<1x16xf32>,
          %get3A_1854 = vector.shape_cast %get3A_1853 : vector<1x16xf32> to vector<1x16xf32>
          %get3A_1855 = arith.constant 0 : i32
          %get3A_1856 = arith.constant 0 : i32
          %get3A_1857 = tpu.memref_slice %run_scoped3A_8[%rem3A_336, %get3A_1855, %get3A_1856] : memref<2x16x1024xf32, #tpu.memory_space<vmem>> -> memref<1x16x1024xf32, #tpu.memory_space<vmem>>
          %get3A_1858 = tpu.memref_squeeze %get3A_1857 : memref<1x16x1024xf32, #tpu.memory_space<vmem>> -> memref<16x1024xf32, #tpu.memory_space<vmem>>
          %get3A_1859 = arith.index_cast %add3A_548 : i32 to index
          %get3A_1860 = arith.constant 800 : index
          %get3A_1861 = tpu.vector_load %get3A_1858[%get3A_1859, %get3A_1860] {strides = array<i32>} : memref<16x1024xf32, #tpu.memory_space<vmem>>, vector<1x16xf32>,
          %get3A_1862 = vector.shape_cast %get3A_1861 : vector<1x16xf32> to vector<1x16xf32>
          %add3A_1863 = arith.addf %get3A_1854, %get3A_1862 : vector<1x16xf32>
          %swap3A_1864 = arith.constant 0 : i32
          %swap3A_1865 = arith.constant 0 : i32
          %swap3A_1866 = tpu.memref_slice %run_scoped3A_10[%rem3A_338, %swap3A_1864, %swap3A_1865] : memref<2x16x1024xf32, #tpu.memory_space<vmem>> -> memref<1x16x1024xf32, #tpu.memory_space<vmem>>
          %swap3A_1867 = tpu.memref_squeeze %swap3A_1866 : memref<1x16x1024xf32, #tpu.memory_space<vmem>> -> memref<16x1024xf32, #tpu.memory_space<vmem>>
          %swap3A_1868 = arith.index_cast %add3A_548 : i32 to index
          %swap3A_1869 = arith.constant 800 : index
          %swap3A_1870 = tpu.vector_load %swap3A_1867[%swap3A_1868, %swap3A_1869] {strides = array<i32>} : memref<16x1024xf32, #tpu.memory_space<vmem>>, vector<1x16xf32>,
          %swap3A_1871 = vector.shape_cast %swap3A_1870 : vector<1x16xf32> to vector<1x16xf32>
          %swap3A_1872 = vector.shape_cast %add3A_1863 : vector<1x16xf32> to vector<1x16xf32>
          tpu.vector_store %swap3A_1867[%swap3A_1868, %swap3A_1869], %swap3A_1872 {strides = array<i32>} : memref<16x1024xf32, #tpu.memory_space<vmem>>, vector<1x16xf32>,
          %get3A_1873 = arith.constant 0 : i32
          %get3A_1874 = arith.constant 0 : i32
          %get3A_1875 = tpu.memref_slice %run_scoped3A[%rem3A_334, %get3A_1873, %get3A_1874] : memref<2x16x1024xf32, #tpu.memory_space<vmem>> -> memref<1x16x1024xf32, #tpu.memory_space<vmem>>
          %get3A_1876 = tpu.memref_squeeze %get3A_1875 : memref<1x16x1024xf32, #tpu.memory_space<vmem>> -> memref<16x1024xf32, #tpu.memory_space<vmem>>
          %get3A_1877 = arith.index_cast %add3A_548 : i32 to index
          %get3A_1878 = arith.constant 816 : index
          %get3A_1879 = tpu.vector_load %get3A_1876[%get3A_1877, %get3A_1878] {strides = array<i32>} : memref<16x1024xf32, #tpu.memory_space<vmem>>, vector<1x16xf32>,
          %get3A_1880 = vector.shape_cast %get3A_1879 : vector<1x16xf32> to vector<1x16xf32>
          %get3A_1881 = arith.constant 0 : i32
          %get3A_1882 = arith.constant 0 : i32
          %get3A_1883 = tpu.memref_slice %run_scoped3A_8[%rem3A_336, %get3A_1881, %get3A_1882] : memref<2x16x1024xf32, #tpu.memory_space<vmem>> -> memref<1x16x1024xf32, #tpu.memory_space<vmem>>
          %get3A_1884 = tpu.memref_squeeze %get3A_1883 : memref<1x16x1024xf32, #tpu.memory_space<vmem>> -> memref<16x1024xf32, #tpu.memory_space<vmem>>
          %get3A_1885 = arith.index_cast %add3A_548 : i32 to index
          %get3A_1886 = arith.constant 816 : index
          %get3A_1887 = tpu.vector_load %get3A_1884[%get3A_1885, %get3A_1886] {strides = array<i32>} : memref<16x1024xf32, #tpu.memory_space<vmem>>, vector<1x16xf32>,
          %get3A_1888 = vector.shape_cast %get3A_1887 : vector<1x16xf32> to vector<1x16xf32>
          %add3A_1889 = arith.addf %get3A_1880, %get3A_1888 : vector<1x16xf32>
          %swap3A_1890 = arith.constant 0 : i32
          %swap3A_1891 = arith.constant 0 : i32
          %swap3A_1892 = tpu.memref_slice %run_scoped3A_10[%rem3A_338, %swap3A_1890, %swap3A_1891] : memref<2x16x1024xf32, #tpu.memory_space<vmem>> -> memref<1x16x1024xf32, #tpu.memory_space<vmem>>
          %swap3A_1893 = tpu.memref_squeeze %swap3A_1892 : memref<1x16x1024xf32, #tpu.memory_space<vmem>> -> memref<16x1024xf32, #tpu.memory_space<vmem>>
          %swap3A_1894 = arith.index_cast %add3A_548 : i32 to index
          %swap3A_1895 = arith.constant 816 : index
          %swap3A_1896 = tpu.vector_load %swap3A_1893[%swap3A_1894, %swap3A_1895] {strides = array<i32>} : memref<16x1024xf32, #tpu.memory_space<vmem>>, vector<1x16xf32>,
          %swap3A_1897 = vector.shape_cast %swap3A_1896 : vector<1x16xf32> to vector<1x16xf32>
          %swap3A_1898 = vector.shape_cast %add3A_1889 : vector<1x16xf32> to vector<1x16xf32>
          tpu.vector_store %swap3A_1893[%swap3A_1894, %swap3A_1895], %swap3A_1898 {strides = array<i32>} : memref<16x1024xf32, #tpu.memory_space<vmem>>, vector<1x16xf32>,
          %get3A_1899 = arith.constant 0 : i32
          %get3A_1900 = arith.constant 0 : i32
          %get3A_1901 = tpu.memref_slice %run_scoped3A[%rem3A_334, %get3A_1899, %get3A_1900] : memref<2x16x1024xf32, #tpu.memory_space<vmem>> -> memref<1x16x1024xf32, #tpu.memory_space<vmem>>
          %get3A_1902 = tpu.memref_squeeze %get3A_1901 : memref<1x16x1024xf32, #tpu.memory_space<vmem>> -> memref<16x1024xf32, #tpu.memory_space<vmem>>
          %get3A_1903 = arith.index_cast %add3A_548 : i32 to index
          %get3A_1904 = arith.constant 832 : index
          %get3A_1905 = tpu.vector_load %get3A_1902[%get3A_1903, %get3A_1904] {strides = array<i32>} : memref<16x1024xf32, #tpu.memory_space<vmem>>, vector<1x16xf32>,
          %get3A_1906 = vector.shape_cast %get3A_1905 : vector<1x16xf32> to vector<1x16xf32>
          %get3A_1907 = arith.constant 0 : i32
          %get3A_1908 = arith.constant 0 : i32
          %get3A_1909 = tpu.memref_slice %run_scoped3A_8[%rem3A_336, %get3A_1907, %get3A_1908] : memref<2x16x1024xf32, #tpu.memory_space<vmem>> -> memref<1x16x1024xf32, #tpu.memory_space<vmem>>
          %get3A_1910 = tpu.memref_squeeze %get3A_1909 : memref<1x16x1024xf32, #tpu.memory_space<vmem>> -> memref<16x1024xf32, #tpu.memory_space<vmem>>
          %get3A_1911 = arith.index_cast %add3A_548 : i32 to index
          %get3A_1912 = arith.constant 832 : index
          %get3A_1913 = tpu.vector_load %get3A_1910[%get3A_1911, %get3A_1912] {strides = array<i32>} : memref<16x1024xf32, #tpu.memory_space<vmem>>, vector<1x16xf32>,
          %get3A_1914 = vector.shape_cast %get3A_1913 : vector<1x16xf32> to vector<1x16xf32>
          %add3A_1915 = arith.addf %get3A_1906, %get3A_1914 : vector<1x16xf32>
          %swap3A_1916 = arith.constant 0 : i32
          %swap3A_1917 = arith.constant 0 : i32
          %swap3A_1918 = tpu.memref_slice %run_scoped3A_10[%rem3A_338, %swap3A_1916, %swap3A_1917] : memref<2x16x1024xf32, #tpu.memory_space<vmem>> -> memref<1x16x1024xf32, #tpu.memory_space<vmem>>
          %swap3A_1919 = tpu.memref_squeeze %swap3A_1918 : memref<1x16x1024xf32, #tpu.memory_space<vmem>> -> memref<16x1024xf32, #tpu.memory_space<vmem>>
          %swap3A_1920 = arith.index_cast %add3A_548 : i32 to index
          %swap3A_1921 = arith.constant 832 : index
          %swap3A_1922 = tpu.vector_load %swap3A_1919[%swap3A_1920, %swap3A_1921] {strides = array<i32>} : memref<16x1024xf32, #tpu.memory_space<vmem>>, vector<1x16xf32>,
          %swap3A_1923 = vector.shape_cast %swap3A_1922 : vector<1x16xf32> to vector<1x16xf32>
          %swap3A_1924 = vector.shape_cast %add3A_1915 : vector<1x16xf32> to vector<1x16xf32>
          tpu.vector_store %swap3A_1919[%swap3A_1920, %swap3A_1921], %swap3A_1924 {strides = array<i32>} : memref<16x1024xf32, #tpu.memory_space<vmem>>, vector<1x16xf32>,
          %get3A_1925 = arith.constant 0 : i32
          %get3A_1926 = arith.constant 0 : i32
          %get3A_1927 = tpu.memref_slice %run_scoped3A[%rem3A_334, %get3A_1925, %get3A_1926] : memref<2x16x1024xf32, #tpu.memory_space<vmem>> -> memref<1x16x1024xf32, #tpu.memory_space<vmem>>
          %get3A_1928 = tpu.memref_squeeze %get3A_1927 : memref<1x16x1024xf32, #tpu.memory_space<vmem>> -> memref<16x1024xf32, #tpu.memory_space<vmem>>
          %get3A_1929 = arith.index_cast %add3A_548 : i32 to index
          %get3A_1930 = arith.constant 848 : index
          %get3A_1931 = tpu.vector_load %get3A_1928[%get3A_1929, %get3A_1930] {strides = array<i32>} : memref<16x1024xf32, #tpu.memory_space<vmem>>, vector<1x16xf32>,
          %get3A_1932 = vector.shape_cast %get3A_1931 : vector<1x16xf32> to vector<1x16xf32>
          %get3A_1933 = arith.constant 0 : i32
          %get3A_1934 = arith.constant 0 : i32
          %get3A_1935 = tpu.memref_slice %run_scoped3A_8[%rem3A_336, %get3A_1933, %get3A_1934] : memref<2x16x1024xf32, #tpu.memory_space<vmem>> -> memref<1x16x1024xf32, #tpu.memory_space<vmem>>
          %get3A_1936 = tpu.memref_squeeze %get3A_1935 : memref<1x16x1024xf32, #tpu.memory_space<vmem>> -> memref<16x1024xf32, #tpu.memory_space<vmem>>
          %get3A_1937 = arith.index_cast %add3A_548 : i32 to index
          %get3A_1938 = arith.constant 848 : index
          %get3A_1939 = tpu.vector_load %get3A_1936[%get3A_1937, %get3A_1938] {strides = array<i32>} : memref<16x1024xf32, #tpu.memory_space<vmem>>, vector<1x16xf32>,
          %get3A_1940 = vector.shape_cast %get3A_1939 : vector<1x16xf32> to vector<1x16xf32>
          %add3A_1941 = arith.addf %get3A_1932, %get3A_1940 : vector<1x16xf32>
          %swap3A_1942 = arith.constant 0 : i32
          %swap3A_1943 = arith.constant 0 : i32
          %swap3A_1944 = tpu.memref_slice %run_scoped3A_10[%rem3A_338, %swap3A_1942, %swap3A_1943] : memref<2x16x1024xf32, #tpu.memory_space<vmem>> -> memref<1x16x1024xf32, #tpu.memory_space<vmem>>
          %swap3A_1945 = tpu.memref_squeeze %swap3A_1944 : memref<1x16x1024xf32, #tpu.memory_space<vmem>> -> memref<16x1024xf32, #tpu.memory_space<vmem>>
          %swap3A_1946 = arith.index_cast %add3A_548 : i32 to index
          %swap3A_1947 = arith.constant 848 : index
          %swap3A_1948 = tpu.vector_load %swap3A_1945[%swap3A_1946, %swap3A_1947] {strides = array<i32>} : memref<16x1024xf32, #tpu.memory_space<vmem>>, vector<1x16xf32>,
          %swap3A_1949 = vector.shape_cast %swap3A_1948 : vector<1x16xf32> to vector<1x16xf32>
          %swap3A_1950 = vector.shape_cast %add3A_1941 : vector<1x16xf32> to vector<1x16xf32>
          tpu.vector_store %swap3A_1945[%swap3A_1946, %swap3A_1947], %swap3A_1950 {strides = array<i32>} : memref<16x1024xf32, #tpu.memory_space<vmem>>, vector<1x16xf32>,
          %get3A_1951 = arith.constant 0 : i32
          %get3A_1952 = arith.constant 0 : i32
          %get3A_1953 = tpu.memref_slice %run_scoped3A[%rem3A_334, %get3A_1951, %get3A_1952] : memref<2x16x1024xf32, #tpu.memory_space<vmem>> -> memref<1x16x1024xf32, #tpu.memory_space<vmem>>
          %get3A_1954 = tpu.memref_squeeze %get3A_1953 : memref<1x16x1024xf32, #tpu.memory_space<vmem>> -> memref<16x1024xf32, #tpu.memory_space<vmem>>
          %get3A_1955 = arith.index_cast %add3A_548 : i32 to index
          %get3A_1956 = arith.constant 864 : index
          %get3A_1957 = tpu.vector_load %get3A_1954[%get3A_1955, %get3A_1956] {strides = array<i32>} : memref<16x1024xf32, #tpu.memory_space<vmem>>, vector<1x16xf32>,
          %get3A_1958 = vector.shape_cast %get3A_1957 : vector<1x16xf32> to vector<1x16xf32>
          %get3A_1959 = arith.constant 0 : i32
          %get3A_1960 = arith.constant 0 : i32
          %get3A_1961 = tpu.memref_slice %run_scoped3A_8[%rem3A_336, %get3A_1959, %get3A_1960] : memref<2x16x1024xf32, #tpu.memory_space<vmem>> -> memref<1x16x1024xf32, #tpu.memory_space<vmem>>
          %get3A_1962 = tpu.memref_squeeze %get3A_1961 : memref<1x16x1024xf32, #tpu.memory_space<vmem>> -> memref<16x1024xf32, #tpu.memory_space<vmem>>
          %get3A_1963 = arith.index_cast %add3A_548 : i32 to index
          %get3A_1964 = arith.constant 864 : index
          %get3A_1965 = tpu.vector_load %get3A_1962[%get3A_1963, %get3A_1964] {strides = array<i32>} : memref<16x1024xf32, #tpu.memory_space<vmem>>, vector<1x16xf32>,
          %get3A_1966 = vector.shape_cast %get3A_1965 : vector<1x16xf32> to vector<1x16xf32>
          %add3A_1967 = arith.addf %get3A_1958, %get3A_1966 : vector<1x16xf32>
          %swap3A_1968 = arith.constant 0 : i32
          %swap3A_1969 = arith.constant 0 : i32
          %swap3A_1970 = tpu.memref_slice %run_scoped3A_10[%rem3A_338, %swap3A_1968, %swap3A_1969] : memref<2x16x1024xf32, #tpu.memory_space<vmem>> -> memref<1x16x1024xf32, #tpu.memory_space<vmem>>
          %swap3A_1971 = tpu.memref_squeeze %swap3A_1970 : memref<1x16x1024xf32, #tpu.memory_space<vmem>> -> memref<16x1024xf32, #tpu.memory_space<vmem>>
          %swap3A_1972 = arith.index_cast %add3A_548 : i32 to index
          %swap3A_1973 = arith.constant 864 : index
          %swap3A_1974 = tpu.vector_load %swap3A_1971[%swap3A_1972, %swap3A_1973] {strides = array<i32>} : memref<16x1024xf32, #tpu.memory_space<vmem>>, vector<1x16xf32>,
          %swap3A_1975 = vector.shape_cast %swap3A_1974 : vector<1x16xf32> to vector<1x16xf32>
          %swap3A_1976 = vector.shape_cast %add3A_1967 : vector<1x16xf32> to vector<1x16xf32>
          tpu.vector_store %swap3A_1971[%swap3A_1972, %swap3A_1973], %swap3A_1976 {strides = array<i32>} : memref<16x1024xf32, #tpu.memory_space<vmem>>, vector<1x16xf32>,
          %get3A_1977 = arith.constant 0 : i32
          %get3A_1978 = arith.constant 0 : i32
          %get3A_1979 = tpu.memref_slice %run_scoped3A[%rem3A_334, %get3A_1977, %get3A_1978] : memref<2x16x1024xf32, #tpu.memory_space<vmem>> -> memref<1x16x1024xf32, #tpu.memory_space<vmem>>
          %get3A_1980 = tpu.memref_squeeze %get3A_1979 : memref<1x16x1024xf32, #tpu.memory_space<vmem>> -> memref<16x1024xf32, #tpu.memory_space<vmem>>
          %get3A_1981 = arith.index_cast %add3A_548 : i32 to index
          %get3A_1982 = arith.constant 880 : index
          %get3A_1983 = tpu.vector_load %get3A_1980[%get3A_1981, %get3A_1982] {strides = array<i32>} : memref<16x1024xf32, #tpu.memory_space<vmem>>, vector<1x16xf32>,
          %get3A_1984 = vector.shape_cast %get3A_1983 : vector<1x16xf32> to vector<1x16xf32>
          %get3A_1985 = arith.constant 0 : i32
          %get3A_1986 = arith.constant 0 : i32
          %get3A_1987 = tpu.memref_slice %run_scoped3A_8[%rem3A_336, %get3A_1985, %get3A_1986] : memref<2x16x1024xf32, #tpu.memory_space<vmem>> -> memref<1x16x1024xf32, #tpu.memory_space<vmem>>
          %get3A_1988 = tpu.memref_squeeze %get3A_1987 : memref<1x16x1024xf32, #tpu.memory_space<vmem>> -> memref<16x1024xf32, #tpu.memory_space<vmem>>
          %get3A_1989 = arith.index_cast %add3A_548 : i32 to index
          %get3A_1990 = arith.constant 880 : index
          %get3A_1991 = tpu.vector_load %get3A_1988[%get3A_1989, %get3A_1990] {strides = array<i32>} : memref<16x1024xf32, #tpu.memory_space<vmem>>, vector<1x16xf32>,
          %get3A_1992 = vector.shape_cast %get3A_1991 : vector<1x16xf32> to vector<1x16xf32>
          %add3A_1993 = arith.addf %get3A_1984, %get3A_1992 : vector<1x16xf32>
          %swap3A_1994 = arith.constant 0 : i32
          %swap3A_1995 = arith.constant 0 : i32
          %swap3A_1996 = tpu.memref_slice %run_scoped3A_10[%rem3A_338, %swap3A_1994, %swap3A_1995] : memref<2x16x1024xf32, #tpu.memory_space<vmem>> -> memref<1x16x1024xf32, #tpu.memory_space<vmem>>
          %swap3A_1997 = tpu.memref_squeeze %swap3A_1996 : memref<1x16x1024xf32, #tpu.memory_space<vmem>> -> memref<16x1024xf32, #tpu.memory_space<vmem>>
          %swap3A_1998 = arith.index_cast %add3A_548 : i32 to index
          %swap3A_1999 = arith.constant 880 : index
          %swap3A_2000 = tpu.vector_load %swap3A_1997[%swap3A_1998, %swap3A_1999] {strides = array<i32>} : memref<16x1024xf32, #tpu.memory_space<vmem>>, vector<1x16xf32>,
          %swap3A_2001 = vector.shape_cast %swap3A_2000 : vector<1x16xf32> to vector<1x16xf32>
          %swap3A_2002 = vector.shape_cast %add3A_1993 : vector<1x16xf32> to vector<1x16xf32>
          tpu.vector_store %swap3A_1997[%swap3A_1998, %swap3A_1999], %swap3A_2002 {strides = array<i32>} : memref<16x1024xf32, #tpu.memory_space<vmem>>, vector<1x16xf32>,
          %get3A_2003 = arith.constant 0 : i32
          %get3A_2004 = arith.constant 0 : i32
          %get3A_2005 = tpu.memref_slice %run_scoped3A[%rem3A_334, %get3A_2003, %get3A_2004] : memref<2x16x1024xf32, #tpu.memory_space<vmem>> -> memref<1x16x1024xf32, #tpu.memory_space<vmem>>
          %get3A_2006 = tpu.memref_squeeze %get3A_2005 : memref<1x16x1024xf32, #tpu.memory_space<vmem>> -> memref<16x1024xf32, #tpu.memory_space<vmem>>
          %get3A_2007 = arith.index_cast %add3A_548 : i32 to index
          %get3A_2008 = arith.constant 896 : index
          %get3A_2009 = tpu.vector_load %get3A_2006[%get3A_2007, %get3A_2008] {strides = array<i32>} : memref<16x1024xf32, #tpu.memory_space<vmem>>, vector<1x16xf32>,
          %get3A_2010 = vector.shape_cast %get3A_2009 : vector<1x16xf32> to vector<1x16xf32>
          %get3A_2011 = arith.constant 0 : i32
          %get3A_2012 = arith.constant 0 : i32
          %get3A_2013 = tpu.memref_slice %run_scoped3A_8[%rem3A_336, %get3A_2011, %get3A_2012] : memref<2x16x1024xf32, #tpu.memory_space<vmem>> -> memref<1x16x1024xf32, #tpu.memory_space<vmem>>
          %get3A_2014 = tpu.memref_squeeze %get3A_2013 : memref<1x16x1024xf32, #tpu.memory_space<vmem>> -> memref<16x1024xf32, #tpu.memory_space<vmem>>
          %get3A_2015 = arith.index_cast %add3A_548 : i32 to index
          %get3A_2016 = arith.constant 896 : index
          %get3A_2017 = tpu.vector_load %get3A_2014[%get3A_2015, %get3A_2016] {strides = array<i32>} : memref<16x1024xf32, #tpu.memory_space<vmem>>, vector<1x16xf32>,
          %get3A_2018 = vector.shape_cast %get3A_2017 : vector<1x16xf32> to vector<1x16xf32>
          %add3A_2019 = arith.addf %get3A_2010, %get3A_2018 : vector<1x16xf32>
          %swap3A_2020 = arith.constant 0 : i32
          %swap3A_2021 = arith.constant 0 : i32
          %swap3A_2022 = tpu.memref_slice %run_scoped3A_10[%rem3A_338, %swap3A_2020, %swap3A_2021] : memref<2x16x1024xf32, #tpu.memory_space<vmem>> -> memref<1x16x1024xf32, #tpu.memory_space<vmem>>
          %swap3A_2023 = tpu.memref_squeeze %swap3A_2022 : memref<1x16x1024xf32, #tpu.memory_space<vmem>> -> memref<16x1024xf32, #tpu.memory_space<vmem>>
          %swap3A_2024 = arith.index_cast %add3A_548 : i32 to index
          %swap3A_2025 = arith.constant 896 : index
          %swap3A_2026 = tpu.vector_load %swap3A_2023[%swap3A_2024, %swap3A_2025] {strides = array<i32>} : memref<16x1024xf32, #tpu.memory_space<vmem>>, vector<1x16xf32>,
          %swap3A_2027 = vector.shape_cast %swap3A_2026 : vector<1x16xf32> to vector<1x16xf32>
          %swap3A_2028 = vector.shape_cast %add3A_2019 : vector<1x16xf32> to vector<1x16xf32>
          tpu.vector_store %swap3A_2023[%swap3A_2024, %swap3A_2025], %swap3A_2028 {strides = array<i32>} : memref<16x1024xf32, #tpu.memory_space<vmem>>, vector<1x16xf32>,
          %get3A_2029 = arith.constant 0 : i32
          %get3A_2030 = arith.constant 0 : i32
          %get3A_2031 = tpu.memref_slice %run_scoped3A[%rem3A_334, %get3A_2029, %get3A_2030] : memref<2x16x1024xf32, #tpu.memory_space<vmem>> -> memref<1x16x1024xf32, #tpu.memory_space<vmem>>
          %get3A_2032 = tpu.memref_squeeze %get3A_2031 : memref<1x16x1024xf32, #tpu.memory_space<vmem>> -> memref<16x1024xf32, #tpu.memory_space<vmem>>
          %get3A_2033 = arith.index_cast %add3A_548 : i32 to index
          %get3A_2034 = arith.constant 912 : index
          %get3A_2035 = tpu.vector_load %get3A_2032[%get3A_2033, %get3A_2034] {strides = array<i32>} : memref<16x1024xf32, #tpu.memory_space<vmem>>, vector<1x16xf32>,
          %get3A_2036 = vector.shape_cast %get3A_2035 : vector<1x16xf32> to vector<1x16xf32>
          %get3A_2037 = arith.constant 0 : i32
          %get3A_2038 = arith.constant 0 : i32
          %get3A_2039 = tpu.memref_slice %run_scoped3A_8[%rem3A_336, %get3A_2037, %get3A_2038] : memref<2x16x1024xf32, #tpu.memory_space<vmem>> -> memref<1x16x1024xf32, #tpu.memory_space<vmem>>
          %get3A_2040 = tpu.memref_squeeze %get3A_2039 : memref<1x16x1024xf32, #tpu.memory_space<vmem>> -> memref<16x1024xf32, #tpu.memory_space<vmem>>
          %get3A_2041 = arith.index_cast %add3A_548 : i32 to index
          %get3A_2042 = arith.constant 912 : index
          %get3A_2043 = tpu.vector_load %get3A_2040[%get3A_2041, %get3A_2042] {strides = array<i32>} : memref<16x1024xf32, #tpu.memory_space<vmem>>, vector<1x16xf32>,
          %get3A_2044 = vector.shape_cast %get3A_2043 : vector<1x16xf32> to vector<1x16xf32>
          %add3A_2045 = arith.addf %get3A_2036, %get3A_2044 : vector<1x16xf32>
          %swap3A_2046 = arith.constant 0 : i32
          %swap3A_2047 = arith.constant 0 : i32
          %swap3A_2048 = tpu.memref_slice %run_scoped3A_10[%rem3A_338, %swap3A_2046, %swap3A_2047] : memref<2x16x1024xf32, #tpu.memory_space<vmem>> -> memref<1x16x1024xf32, #tpu.memory_space<vmem>>
          %swap3A_2049 = tpu.memref_squeeze %swap3A_2048 : memref<1x16x1024xf32, #tpu.memory_space<vmem>> -> memref<16x1024xf32, #tpu.memory_space<vmem>>
          %swap3A_2050 = arith.index_cast %add3A_548 : i32 to index
          %swap3A_2051 = arith.constant 912 : index
          %swap3A_2052 = tpu.vector_load %swap3A_2049[%swap3A_2050, %swap3A_2051] {strides = array<i32>} : memref<16x1024xf32, #tpu.memory_space<vmem>>, vector<1x16xf32>,
          %swap3A_2053 = vector.shape_cast %swap3A_2052 : vector<1x16xf32> to vector<1x16xf32>
          %swap3A_2054 = vector.shape_cast %add3A_2045 : vector<1x16xf32> to vector<1x16xf32>
          tpu.vector_store %swap3A_2049[%swap3A_2050, %swap3A_2051], %swap3A_2054 {strides = array<i32>} : memref<16x1024xf32, #tpu.memory_space<vmem>>, vector<1x16xf32>,
          %get3A_2055 = arith.constant 0 : i32
          %get3A_2056 = arith.constant 0 : i32
          %get3A_2057 = tpu.memref_slice %run_scoped3A[%rem3A_334, %get3A_2055, %get3A_2056] : memref<2x16x1024xf32, #tpu.memory_space<vmem>> -> memref<1x16x1024xf32, #tpu.memory_space<vmem>>
          %get3A_2058 = tpu.memref_squeeze %get3A_2057 : memref<1x16x1024xf32, #tpu.memory_space<vmem>> -> memref<16x1024xf32, #tpu.memory_space<vmem>>
          %get3A_2059 = arith.index_cast %add3A_548 : i32 to index
          %get3A_2060 = arith.constant 928 : index
          %get3A_2061 = tpu.vector_load %get3A_2058[%get3A_2059, %get3A_2060] {strides = array<i32>} : memref<16x1024xf32, #tpu.memory_space<vmem>>, vector<1x16xf32>,
          %get3A_2062 = vector.shape_cast %get3A_2061 : vector<1x16xf32> to vector<1x16xf32>
          %get3A_2063 = arith.constant 0 : i32
          %get3A_2064 = arith.constant 0 : i32
          %get3A_2065 = tpu.memref_slice %run_scoped3A_8[%rem3A_336, %get3A_2063, %get3A_2064] : memref<2x16x1024xf32, #tpu.memory_space<vmem>> -> memref<1x16x1024xf32, #tpu.memory_space<vmem>>
          %get3A_2066 = tpu.memref_squeeze %get3A_2065 : memref<1x16x1024xf32, #tpu.memory_space<vmem>> -> memref<16x1024xf32, #tpu.memory_space<vmem>>
          %get3A_2067 = arith.index_cast %add3A_548 : i32 to index
          %get3A_2068 = arith.constant 928 : index
          %get3A_2069 = tpu.vector_load %get3A_2066[%get3A_2067, %get3A_2068] {strides = array<i32>} : memref<16x1024xf32, #tpu.memory_space<vmem>>, vector<1x16xf32>,
          %get3A_2070 = vector.shape_cast %get3A_2069 : vector<1x16xf32> to vector<1x16xf32>
          %add3A_2071 = arith.addf %get3A_2062, %get3A_2070 : vector<1x16xf32>
          %swap3A_2072 = arith.constant 0 : i32
          %swap3A_2073 = arith.constant 0 : i32
          %swap3A_2074 = tpu.memref_slice %run_scoped3A_10[%rem3A_338, %swap3A_2072, %swap3A_2073] : memref<2x16x1024xf32, #tpu.memory_space<vmem>> -> memref<1x16x1024xf32, #tpu.memory_space<vmem>>
          %swap3A_2075 = tpu.memref_squeeze %swap3A_2074 : memref<1x16x1024xf32, #tpu.memory_space<vmem>> -> memref<16x1024xf32, #tpu.memory_space<vmem>>
          %swap3A_2076 = arith.index_cast %add3A_548 : i32 to index
          %swap3A_2077 = arith.constant 928 : index
          %swap3A_2078 = tpu.vector_load %swap3A_2075[%swap3A_2076, %swap3A_2077] {strides = array<i32>} : memref<16x1024xf32, #tpu.memory_space<vmem>>, vector<1x16xf32>,
          %swap3A_2079 = vector.shape_cast %swap3A_2078 : vector<1x16xf32> to vector<1x16xf32>
          %swap3A_2080 = vector.shape_cast %add3A_2071 : vector<1x16xf32> to vector<1x16xf32>
          tpu.vector_store %swap3A_2075[%swap3A_2076, %swap3A_2077], %swap3A_2080 {strides = array<i32>} : memref<16x1024xf32, #tpu.memory_space<vmem>>, vector<1x16xf32>,
          %get3A_2081 = arith.constant 0 : i32
          %get3A_2082 = arith.constant 0 : i32
          %get3A_2083 = tpu.memref_slice %run_scoped3A[%rem3A_334, %get3A_2081, %get3A_2082] : memref<2x16x1024xf32, #tpu.memory_space<vmem>> -> memref<1x16x1024xf32, #tpu.memory_space<vmem>>
          %get3A_2084 = tpu.memref_squeeze %get3A_2083 : memref<1x16x1024xf32, #tpu.memory_space<vmem>> -> memref<16x1024xf32, #tpu.memory_space<vmem>>
          %get3A_2085 = arith.index_cast %add3A_548 : i32 to index
          %get3A_2086 = arith.constant 944 : index
          %get3A_2087 = tpu.vector_load %get3A_2084[%get3A_2085, %get3A_2086] {strides = array<i32>} : memref<16x1024xf32, #tpu.memory_space<vmem>>, vector<1x16xf32>,
          %get3A_2088 = vector.shape_cast %get3A_2087 : vector<1x16xf32> to vector<1x16xf32>
          %get3A_2089 = arith.constant 0 : i32
          %get3A_2090 = arith.constant 0 : i32
          %get3A_2091 = tpu.memref_slice %run_scoped3A_8[%rem3A_336, %get3A_2089, %get3A_2090] : memref<2x16x1024xf32, #tpu.memory_space<vmem>> -> memref<1x16x1024xf32, #tpu.memory_space<vmem>>
          %get3A_2092 = tpu.memref_squeeze %get3A_2091 : memref<1x16x1024xf32, #tpu.memory_space<vmem>> -> memref<16x1024xf32, #tpu.memory_space<vmem>>
          %get3A_2093 = arith.index_cast %add3A_548 : i32 to index
          %get3A_2094 = arith.constant 944 : index
          %get3A_2095 = tpu.vector_load %get3A_2092[%get3A_2093, %get3A_2094] {strides = array<i32>} : memref<16x1024xf32, #tpu.memory_space<vmem>>, vector<1x16xf32>,
          %get3A_2096 = vector.shape_cast %get3A_2095 : vector<1x16xf32> to vector<1x16xf32>
          %add3A_2097 = arith.addf %get3A_2088, %get3A_2096 : vector<1x16xf32>
          %swap3A_2098 = arith.constant 0 : i32
          %swap3A_2099 = arith.constant 0 : i32
          %swap3A_2100 = tpu.memref_slice %run_scoped3A_10[%rem3A_338, %swap3A_2098, %swap3A_2099] : memref<2x16x1024xf32, #tpu.memory_space<vmem>> -> memref<1x16x1024xf32, #tpu.memory_space<vmem>>
          %swap3A_2101 = tpu.memref_squeeze %swap3A_2100 : memref<1x16x1024xf32, #tpu.memory_space<vmem>> -> memref<16x1024xf32, #tpu.memory_space<vmem>>
          %swap3A_2102 = arith.index_cast %add3A_548 : i32 to index
          %swap3A_2103 = arith.constant 944 : index
          %swap3A_2104 = tpu.vector_load %swap3A_2101[%swap3A_2102, %swap3A_2103] {strides = array<i32>} : memref<16x1024xf32, #tpu.memory_space<vmem>>, vector<1x16xf32>,
          %swap3A_2105 = vector.shape_cast %swap3A_2104 : vector<1x16xf32> to vector<1x16xf32>
          %swap3A_2106 = vector.shape_cast %add3A_2097 : vector<1x16xf32> to vector<1x16xf32>
          tpu.vector_store %swap3A_2101[%swap3A_2102, %swap3A_2103], %swap3A_2106 {strides = array<i32>} : memref<16x1024xf32, #tpu.memory_space<vmem>>, vector<1x16xf32>,
          %get3A_2107 = arith.constant 0 : i32
          %get3A_2108 = arith.constant 0 : i32
          %get3A_2109 = tpu.memref_slice %run_scoped3A[%rem3A_334, %get3A_2107, %get3A_2108] : memref<2x16x1024xf32, #tpu.memory_space<vmem>> -> memref<1x16x1024xf32, #tpu.memory_space<vmem>>
          %get3A_2110 = tpu.memref_squeeze %get3A_2109 : memref<1x16x1024xf32, #tpu.memory_space<vmem>> -> memref<16x1024xf32, #tpu.memory_space<vmem>>
          %get3A_2111 = arith.index_cast %add3A_548 : i32 to index
          %get3A_2112 = arith.constant 960 : index
          %get3A_2113 = tpu.vector_load %get3A_2110[%get3A_2111, %get3A_2112] {strides = array<i32>} : memref<16x1024xf32, #tpu.memory_space<vmem>>, vector<1x16xf32>,
          %get3A_2114 = vector.shape_cast %get3A_2113 : vector<1x16xf32> to vector<1x16xf32>
          %get3A_2115 = arith.constant 0 : i32
          %get3A_2116 = arith.constant 0 : i32
          %get3A_2117 = tpu.memref_slice %run_scoped3A_8[%rem3A_336, %get3A_2115, %get3A_2116] : memref<2x16x1024xf32, #tpu.memory_space<vmem>> -> memref<1x16x1024xf32, #tpu.memory_space<vmem>>
          %get3A_2118 = tpu.memref_squeeze %get3A_2117 : memref<1x16x1024xf32, #tpu.memory_space<vmem>> -> memref<16x1024xf32, #tpu.memory_space<vmem>>
          %get3A_2119 = arith.index_cast %add3A_548 : i32 to index
          %get3A_2120 = arith.constant 960 : index
          %get3A_2121 = tpu.vector_load %get3A_2118[%get3A_2119, %get3A_2120] {strides = array<i32>} : memref<16x1024xf32, #tpu.memory_space<vmem>>, vector<1x16xf32>,
          %get3A_2122 = vector.shape_cast %get3A_2121 : vector<1x16xf32> to vector<1x16xf32>
          %add3A_2123 = arith.addf %get3A_2114, %get3A_2122 : vector<1x16xf32>
          %swap3A_2124 = arith.constant 0 : i32
          %swap3A_2125 = arith.constant 0 : i32
          %swap3A_2126 = tpu.memref_slice %run_scoped3A_10[%rem3A_338, %swap3A_2124, %swap3A_2125] : memref<2x16x1024xf32, #tpu.memory_space<vmem>> -> memref<1x16x1024xf32, #tpu.memory_space<vmem>>
          %swap3A_2127 = tpu.memref_squeeze %swap3A_2126 : memref<1x16x1024xf32, #tpu.memory_space<vmem>> -> memref<16x1024xf32, #tpu.memory_space<vmem>>
          %swap3A_2128 = arith.index_cast %add3A_548 : i32 to index
          %swap3A_2129 = arith.constant 960 : index
          %swap3A_2130 = tpu.vector_load %swap3A_2127[%swap3A_2128, %swap3A_2129] {strides = array<i32>} : memref<16x1024xf32, #tpu.memory_space<vmem>>, vector<1x16xf32>,
          %swap3A_2131 = vector.shape_cast %swap3A_2130 : vector<1x16xf32> to vector<1x16xf32>
          %swap3A_2132 = vector.shape_cast %add3A_2123 : vector<1x16xf32> to vector<1x16xf32>
          tpu.vector_store %swap3A_2127[%swap3A_2128, %swap3A_2129], %swap3A_2132 {strides = array<i32>} : memref<16x1024xf32, #tpu.memory_space<vmem>>, vector<1x16xf32>,
          %get3A_2133 = arith.constant 0 : i32
          %get3A_2134 = arith.constant 0 : i32
          %get3A_2135 = tpu.memref_slice %run_scoped3A[%rem3A_334, %get3A_2133, %get3A_2134] : memref<2x16x1024xf32, #tpu.memory_space<vmem>> -> memref<1x16x1024xf32, #tpu.memory_space<vmem>>
          %get3A_2136 = tpu.memref_squeeze %get3A_2135 : memref<1x16x1024xf32, #tpu.memory_space<vmem>> -> memref<16x1024xf32, #tpu.memory_space<vmem>>
          %get3A_2137 = arith.index_cast %add3A_548 : i32 to index
          %get3A_2138 = arith.constant 976 : index
          %get3A_2139 = tpu.vector_load %get3A_2136[%get3A_2137, %get3A_2138] {strides = array<i32>} : memref<16x1024xf32, #tpu.memory_space<vmem>>, vector<1x16xf32>,
          %get3A_2140 = vector.shape_cast %get3A_2139 : vector<1x16xf32> to vector<1x16xf32>
          %get3A_2141 = arith.constant 0 : i32
          %get3A_2142 = arith.constant 0 : i32
          %get3A_2143 = tpu.memref_slice %run_scoped3A_8[%rem3A_336, %get3A_2141, %get3A_2142] : memref<2x16x1024xf32, #tpu.memory_space<vmem>> -> memref<1x16x1024xf32, #tpu.memory_space<vmem>>
          %get3A_2144 = tpu.memref_squeeze %get3A_2143 : memref<1x16x1024xf32, #tpu.memory_space<vmem>> -> memref<16x1024xf32, #tpu.memory_space<vmem>>
          %get3A_2145 = arith.index_cast %add3A_548 : i32 to index
          %get3A_2146 = arith.constant 976 : index
          %get3A_2147 = tpu.vector_load %get3A_2144[%get3A_2145, %get3A_2146] {strides = array<i32>} : memref<16x1024xf32, #tpu.memory_space<vmem>>, vector<1x16xf32>,
          %get3A_2148 = vector.shape_cast %get3A_2147 : vector<1x16xf32> to vector<1x16xf32>
          %add3A_2149 = arith.addf %get3A_2140, %get3A_2148 : vector<1x16xf32>
          %swap3A_2150 = arith.constant 0 : i32
          %swap3A_2151 = arith.constant 0 : i32
          %swap3A_2152 = tpu.memref_slice %run_scoped3A_10[%rem3A_338, %swap3A_2150, %swap3A_2151] : memref<2x16x1024xf32, #tpu.memory_space<vmem>> -> memref<1x16x1024xf32, #tpu.memory_space<vmem>>
          %swap3A_2153 = tpu.memref_squeeze %swap3A_2152 : memref<1x16x1024xf32, #tpu.memory_space<vmem>> -> memref<16x1024xf32, #tpu.memory_space<vmem>>
          %swap3A_2154 = arith.index_cast %add3A_548 : i32 to index
          %swap3A_2155 = arith.constant 976 : index
          %swap3A_2156 = tpu.vector_load %swap3A_2153[%swap3A_2154, %swap3A_2155] {strides = array<i32>} : memref<16x1024xf32, #tpu.memory_space<vmem>>, vector<1x16xf32>,
          %swap3A_2157 = vector.shape_cast %swap3A_2156 : vector<1x16xf32> to vector<1x16xf32>
          %swap3A_2158 = vector.shape_cast %add3A_2149 : vector<1x16xf32> to vector<1x16xf32>
          tpu.vector_store %swap3A_2153[%swap3A_2154, %swap3A_2155], %swap3A_2158 {strides = array<i32>} : memref<16x1024xf32, #tpu.memory_space<vmem>>, vector<1x16xf32>,
          %get3A_2159 = arith.constant 0 : i32
          %get3A_2160 = arith.constant 0 : i32
          %get3A_2161 = tpu.memref_slice %run_scoped3A[%rem3A_334, %get3A_2159, %get3A_2160] : memref<2x16x1024xf32, #tpu.memory_space<vmem>> -> memref<1x16x1024xf32, #tpu.memory_space<vmem>>
          %get3A_2162 = tpu.memref_squeeze %get3A_2161 : memref<1x16x1024xf32, #tpu.memory_space<vmem>> -> memref<16x1024xf32, #tpu.memory_space<vmem>>
          %get3A_2163 = arith.index_cast %add3A_548 : i32 to index
          %get3A_2164 = arith.constant 992 : index
          %get3A_2165 = tpu.vector_load %get3A_2162[%get3A_2163, %get3A_2164] {strides = array<i32>} : memref<16x1024xf32, #tpu.memory_space<vmem>>, vector<1x16xf32>,
          %get3A_2166 = vector.shape_cast %get3A_2165 : vector<1x16xf32> to vector<1x16xf32>
          %get3A_2167 = arith.constant 0 : i32
          %get3A_2168 = arith.constant 0 : i32
          %get3A_2169 = tpu.memref_slice %run_scoped3A_8[%rem3A_336, %get3A_2167, %get3A_2168] : memref<2x16x1024xf32, #tpu.memory_space<vmem>> -> memref<1x16x1024xf32, #tpu.memory_space<vmem>>
          %get3A_2170 = tpu.memref_squeeze %get3A_2169 : memref<1x16x1024xf32, #tpu.memory_space<vmem>> -> memref<16x1024xf32, #tpu.memory_space<vmem>>
          %get3A_2171 = arith.index_cast %add3A_548 : i32 to index
          %get3A_2172 = arith.constant 992 : index
          %get3A_2173 = tpu.vector_load %get3A_2170[%get3A_2171, %get3A_2172] {strides = array<i32>} : memref<16x1024xf32, #tpu.memory_space<vmem>>, vector<1x16xf32>,
          %get3A_2174 = vector.shape_cast %get3A_2173 : vector<1x16xf32> to vector<1x16xf32>
          %add3A_2175 = arith.addf %get3A_2166, %get3A_2174 : vector<1x16xf32>
          %swap3A_2176 = arith.constant 0 : i32
          %swap3A_2177 = arith.constant 0 : i32
          %swap3A_2178 = tpu.memref_slice %run_scoped3A_10[%rem3A_338, %swap3A_2176, %swap3A_2177] : memref<2x16x1024xf32, #tpu.memory_space<vmem>> -> memref<1x16x1024xf32, #tpu.memory_space<vmem>>
          %swap3A_2179 = tpu.memref_squeeze %swap3A_2178 : memref<1x16x1024xf32, #tpu.memory_space<vmem>> -> memref<16x1024xf32, #tpu.memory_space<vmem>>
          %swap3A_2180 = arith.index_cast %add3A_548 : i32 to index
          %swap3A_2181 = arith.constant 992 : index
          %swap3A_2182 = tpu.vector_load %swap3A_2179[%swap3A_2180, %swap3A_2181] {strides = array<i32>} : memref<16x1024xf32, #tpu.memory_space<vmem>>, vector<1x16xf32>,
          %swap3A_2183 = vector.shape_cast %swap3A_2182 : vector<1x16xf32> to vector<1x16xf32>
          %swap3A_2184 = vector.shape_cast %add3A_2175 : vector<1x16xf32> to vector<1x16xf32>
          tpu.vector_store %swap3A_2179[%swap3A_2180, %swap3A_2181], %swap3A_2184 {strides = array<i32>} : memref<16x1024xf32, #tpu.memory_space<vmem>>, vector<1x16xf32>,
          %get3A_2185 = arith.constant 0 : i32
          %get3A_2186 = arith.constant 0 : i32
          %get3A_2187 = tpu.memref_slice %run_scoped3A[%rem3A_334, %get3A_2185, %get3A_2186] : memref<2x16x1024xf32, #tpu.memory_space<vmem>> -> memref<1x16x1024xf32, #tpu.memory_space<vmem>>
          %get3A_2188 = tpu.memref_squeeze %get3A_2187 : memref<1x16x1024xf32, #tpu.memory_space<vmem>> -> memref<16x1024xf32, #tpu.memory_space<vmem>>
          %get3A_2189 = arith.index_cast %add3A_548 : i32 to index
          %get3A_2190 = arith.constant 1008 : index
          %get3A_2191 = tpu.vector_load %get3A_2188[%get3A_2189, %get3A_2190] {strides = array<i32>} : memref<16x1024xf32, #tpu.memory_space<vmem>>, vector<1x16xf32>,
          %get3A_2192 = vector.shape_cast %get3A_2191 : vector<1x16xf32> to vector<1x16xf32>
          %get3A_2193 = arith.constant 0 : i32
          %get3A_2194 = arith.constant 0 : i32
          %get3A_2195 = tpu.memref_slice %run_scoped3A_8[%rem3A_336, %get3A_2193, %get3A_2194] : memref<2x16x1024xf32, #tpu.memory_space<vmem>> -> memref<1x16x1024xf32, #tpu.memory_space<vmem>>
          %get3A_2196 = tpu.memref_squeeze %get3A_2195 : memref<1x16x1024xf32, #tpu.memory_space<vmem>> -> memref<16x1024xf32, #tpu.memory_space<vmem>>
          %get3A_2197 = arith.index_cast %add3A_548 : i32 to index
          %get3A_2198 = arith.constant 1008 : index
          %get3A_2199 = tpu.vector_load %get3A_2196[%get3A_2197, %get3A_2198] {strides = array<i32>} : memref<16x1024xf32, #tpu.memory_space<vmem>>, vector<1x16xf32>,
          %get3A_2200 = vector.shape_cast %get3A_2199 : vector<1x16xf32> to vector<1x16xf32>
          %add3A_2201 = arith.addf %get3A_2192, %get3A_2200 : vector<1x16xf32>
          %swap3A_2202 = arith.constant 0 : i32
          %swap3A_2203 = arith.constant 0 : i32
          %swap3A_2204 = tpu.memref_slice %run_scoped3A_10[%rem3A_338, %swap3A_2202, %swap3A_2203] : memref<2x16x1024xf32, #tpu.memory_space<vmem>> -> memref<1x16x1024xf32, #tpu.memory_space<vmem>>
          %swap3A_2205 = tpu.memref_squeeze %swap3A_2204 : memref<1x16x1024xf32, #tpu.memory_space<vmem>> -> memref<16x1024xf32, #tpu.memory_space<vmem>>
          %swap3A_2206 = arith.index_cast %add3A_548 : i32 to index
          %swap3A_2207 = arith.constant 1008 : index
          %swap3A_2208 = tpu.vector_load %swap3A_2205[%swap3A_2206, %swap3A_2207] {strides = array<i32>} : memref<16x1024xf32, #tpu.memory_space<vmem>>, vector<1x16xf32>,
          %swap3A_2209 = vector.shape_cast %swap3A_2208 : vector<1x16xf32> to vector<1x16xf32>
          %swap3A_2210 = vector.shape_cast %add3A_2201 : vector<1x16xf32> to vector<1x16xf32>
          tpu.vector_store %swap3A_2205[%swap3A_2206, %swap3A_2207], %swap3A_2210 {strides = array<i32>} : memref<16x1024xf32, #tpu.memory_space<vmem>>, vector<1x16xf32>,
        }
        %scan3A_343 = arith.constant 16 : i32
        "tpu.trace_stop"() : () -> ()
        %ne3A_344 = arith.cmpi ne, %add3A_173, %add3A_191 : i32
        %or3A_345 = arith.constant false
        %or3A_346 = arith.ori %or3A_345, %ne3A_344 : i1
        %or3A_347 = arith.constant false
        %or3A_348 = arith.ori %or3A_346, %or3A_347 : i1
        %or3A_349 = arith.ori %or3A_348, %eq3A_172 : i1
        %convert_element_type3A_350 = arith.extui %or3A_349 : i1 to i32
        %cond3A_351 = arith.constant 0 : i32
        %cond3A_352 = arith.cmpi ne, %convert_element_type3A_350, %cond3A_351 : i32
        scf.if %cond3A_352 {
        } else {
        }
        %and3A_353 = arith.constant false
        %and3A_354 = arith.andi %or3A_349, %and3A_353 : i1
        %jit3A_355 = arith.constant 128 : i32
        %eq3A_356 = arith.constant 0 : i32
        %eq3A_357 = arith.cmpi eq, %jit3A_355, %eq3A_356 : i32
        %jit3A_358 = arith.constant 1 : i32
        %select_n3A_359 = arith.select %eq3A_357, %jit3A_358, %jit3A_355 : i32
        %rem3A_360 = arith.remsi %add3A_173, %select_n3A_359 : i32
        %ne3A_361 = arith.constant 0 : i32
        %ne3A_362 = arith.cmpi ne, %rem3A_360, %ne3A_361 : i32
        %lt3A_363 = arith.constant 0 : i32
        %lt3A_364 = arith.cmpi slt, %rem3A_360, %lt3A_363 : i32
        %lt3A_365 = arith.constant 0 : i32
        %lt3A_366 = arith.cmpi slt, %select_n3A_359, %lt3A_365 : i32
        %ne3A_367 = arith.xori %lt3A_364, %lt3A_366 : i1
        %and3A_368 = arith.andi %ne3A_367, %ne3A_362 : i1
        %add3A_369 = arith.addi %rem3A_360, %select_n3A_359 : i32
        %select_n3A_370 = arith.select %and3A_368, %add3A_369, %rem3A_360 : i32
        %jit3A_371 = arith.constant 128 : i32
        %eq3A_372 = arith.constant 0 : i32
        %eq3A_373 = arith.cmpi eq, %jit3A_371, %eq3A_372 : i32
        %jit3A_374 = arith.constant 1 : i32
        %select_n3A_375 = arith.select %eq3A_373, %jit3A_374, %jit3A_371 : i32
        %rem3A_376 = arith.remsi %add3A_191, %select_n3A_375 : i32
        %ne3A_377 = arith.constant 0 : i32
        %ne3A_378 = arith.cmpi ne, %rem3A_376, %ne3A_377 : i32
        %lt3A_379 = arith.constant 0 : i32
        %lt3A_380 = arith.cmpi slt, %rem3A_376, %lt3A_379 : i32
        %lt3A_381 = arith.constant 0 : i32
        %lt3A_382 = arith.cmpi slt, %select_n3A_375, %lt3A_381 : i32
        %ne3A_383 = arith.xori %lt3A_380, %lt3A_382 : i1
        %and3A_384 = arith.andi %ne3A_383, %ne3A_378 : i1
        %add3A_385 = arith.addi %rem3A_376, %select_n3A_375 : i32
        %select_n3A_386 = arith.select %and3A_384, %add3A_385, %rem3A_376 : i32
        %ne3A_387 = arith.cmpi ne, %select_n3A_370, %select_n3A_386 : i32
        %or3A_388 = arith.constant false
        %or3A_389 = arith.ori %or3A_388, %ne3A_387 : i1
        %or3A_390 = arith.constant false
        %or3A_391 = arith.ori %or3A_389, %or3A_390 : i1
        %or3A_392 = arith.ori %or3A_391, %eq3A_172 : i1
        %convert_element_type3A_393 = arith.extui %or3A_392 : i1 to i32
        %cond3A_394 = arith.constant 0 : i32
        %cond3A_395 = arith.cmpi ne, %convert_element_type3A_393, %cond3A_394 : i32
        scf.if %cond3A_395 {
        } else {
        }
        %and3A_396 = arith.constant false
        %and3A_397 = arith.andi %or3A_392, %and3A_396 : i1
        %ne3A_398 = arith.cmpi ne, %add3A_173, %add3A_191 : i32
        %or3A_399 = arith.constant false
        %or3A_400 = arith.ori %or3A_399, %ne3A_398 : i1
        %or3A_401 = arith.constant false
        %or3A_402 = arith.ori %or3A_400, %or3A_401 : i1
        %or3A_403 = arith.ori %or3A_402, %eq3A_172 : i1
        %convert_element_type3A_404 = arith.extui %or3A_403 : i1 to i32
        %cond3A_405 = arith.constant 0 : i32
        %cond3A_406 = arith.cmpi ne, %convert_element_type3A_404, %cond3A_405 : i32
        scf.if %cond3A_406 {
          "tpu.trace_start"() <{level = 10 : i32, message = "ep_copy_out"}> : () -> ()
          %rem3A_544 = arith.constant 2 : i32
          %rem3A_545 = arith.remui %scan3A_166, %rem3A_544 : i32
          %mul3A_546 = arith.constant 16 : i32
          %mul3A_547 = arith.muli %mul3A_546, %add3A_173 : i32
          %dma_start3A_548 = arith.constant 0 : i32
          %dma_start3A_549 = arith.constant 0 : i32
          %dma_start3A_550 = tpu.memref_slice %run_scoped3A_10[%rem3A_545, %dma_start3A_548, %dma_start3A_549] : memref<2x16x1024xf32, #tpu.memory_space<vmem>> -> memref<1x16x1024xf32, #tpu.memory_space<vmem>>
          %dma_start3A_551 = tpu.memref_squeeze %dma_start3A_550 : memref<1x16x1024xf32, #tpu.memory_space<vmem>> -> memref<16x1024xf32, #tpu.memory_space<vmem>>
          %dma_start3A_552 = arith.constant 0 : i32
          %dma_start3A_553 = tpu.memref_slice %arg4[%mul3A_547, %dma_start3A_552] : memref<8192x1024xf32, #tpu.memory_space<hbm>> -> memref<16x1024xf32, #tpu.memory_space<hbm>>
          %dma_start3A_554 = tpu.memref_slice %run_scoped3A_11[%rem3A_545] : memref<2x!tpu.dma_semaphore, #tpu.memory_space<semaphore_mem>> -> memref<1x!tpu.dma_semaphore, #tpu.memory_space<semaphore_mem>>
          %dma_start3A_555 = tpu.memref_squeeze %dma_start3A_554 : memref<1x!tpu.dma_semaphore, #tpu.memory_space<semaphore_mem>> -> memref<!tpu.dma_semaphore, #tpu.memory_space<semaphore_mem>>
          %dma_start3A_556 = arith.constant 0 : i32
          %dma_start3A_557 = tpu.memref_slice %arg4[%mul3A_547, %dma_start3A_556] : memref<8192x1024xf32, #tpu.memory_space<hbm>> -> memref<16x1024xf32, #tpu.memory_space<hbm>>
          %dma_start3A_558 = arith.constant 0 : i32
          %dma_start3A_559 = arith.constant 0 : i32
          %dma_start3A_560 = tpu.memref_slice %run_scoped3A_10[%rem3A_545, %dma_start3A_558, %dma_start3A_559] : memref<2x16x1024xf32, #tpu.memory_space<vmem>> -> memref<1x16x1024xf32, #tpu.memory_space<vmem>>
          %dma_start3A_561 = tpu.memref_squeeze %dma_start3A_560 : memref<1x16x1024xf32, #tpu.memory_space<vmem>> -> memref<16x1024xf32, #tpu.memory_space<vmem>>
          tpu.enqueue_dma source(%dma_start3A_561 : memref<16x1024xf32, #tpu.memory_space<vmem>>) target(%dma_start3A_557 : memref<16x1024xf32, #tpu.memory_space<hbm>>) target_semaphore(%dma_start3A_555 : memref<!tpu.dma_semaphore, #tpu.memory_space<semaphore_mem>>)
          "tpu.trace_stop"() : () -> ()
        } else {
        }
        %and3A_407 = arith.constant true
        %and3A_408 = arith.andi %or3A_403, %and3A_407 : i1
        %add3A_409 = arith.constant 1 : i32
        %add3A_410 = arith.addi %scan3A_166, %add3A_409 : i32
        %select_n3A_411 = arith.select %and3A_408, %add3A_410, %scan3A_166 : i32
        %ne3A_412 = arith.cmpi ne, %add3A_173, %add3A_182 : i32
        %or3A_413 = arith.constant false
        %or3A_414 = arith.ori %or3A_413, %ne3A_412 : i1
        %or3A_415 = arith.constant false
        %or3A_416 = arith.ori %or3A_414, %or3A_415 : i1
        %not3A_417 = arith.constant true
        %not3A_418 = arith.xori %eq3A_170, %not3A_417 : i1
        %and3A_419 = arith.andi %or3A_416, %not3A_418 : i1
        %convert_element_type3A_420 = arith.extui %and3A_419 : i1 to i32
        %cond3A_421 = arith.constant 0 : i32
        %cond3A_422 = arith.cmpi ne, %convert_element_type3A_420, %cond3A_421 : i32
        scf.if %cond3A_422 {
        } else {
        }
        %and3A_423 = arith.constant false
        %and3A_424 = arith.andi %and3A_419, %and3A_423 : i1
        %jit3A_425 = arith.constant 128 : i32
        %eq3A_426 = arith.constant 0 : i32
        %eq3A_427 = arith.cmpi eq, %jit3A_425, %eq3A_426 : i32
        %jit3A_428 = arith.constant 1 : i32
        %select_n3A_429 = arith.select %eq3A_427, %jit3A_428, %jit3A_425 : i32
        %rem3A_430 = arith.remsi %add3A_173, %select_n3A_429 : i32
        %ne3A_431 = arith.constant 0 : i32
        %ne3A_432 = arith.cmpi ne, %rem3A_430, %ne3A_431 : i32
        %lt3A_433 = arith.constant 0 : i32
        %lt3A_434 = arith.cmpi slt, %rem3A_430, %lt3A_433 : i32
        %lt3A_435 = arith.constant 0 : i32
        %lt3A_436 = arith.cmpi slt, %select_n3A_429, %lt3A_435 : i32
        %ne3A_437 = arith.xori %lt3A_434, %lt3A_436 : i1
        %and3A_438 = arith.andi %ne3A_437, %ne3A_432 : i1
        %add3A_439 = arith.addi %rem3A_430, %select_n3A_429 : i32
        %select_n3A_440 = arith.select %and3A_438, %add3A_439, %rem3A_430 : i32
        %jit3A_441 = arith.constant 128 : i32
        %eq3A_442 = arith.constant 0 : i32
        %eq3A_443 = arith.cmpi eq, %jit3A_441, %eq3A_442 : i32
        %jit3A_444 = arith.constant 1 : i32
        %select_n3A_445 = arith.select %eq3A_443, %jit3A_444, %jit3A_441 : i32
        %rem3A_446 = arith.remsi %add3A_182, %select_n3A_445 : i32
        %ne3A_447 = arith.constant 0 : i32
        %ne3A_448 = arith.cmpi ne, %rem3A_446, %ne3A_447 : i32
        %lt3A_449 = arith.constant 0 : i32
        %lt3A_450 = arith.cmpi slt, %rem3A_446, %lt3A_449 : i32
        %lt3A_451 = arith.constant 0 : i32
        %lt3A_452 = arith.cmpi slt, %select_n3A_445, %lt3A_451 : i32
        %ne3A_453 = arith.xori %lt3A_450, %lt3A_452 : i1
        %and3A_454 = arith.andi %ne3A_453, %ne3A_448 : i1
        %add3A_455 = arith.addi %rem3A_446, %select_n3A_445 : i32
        %select_n3A_456 = arith.select %and3A_454, %add3A_455, %rem3A_446 : i32
        %ne3A_457 = arith.cmpi ne, %select_n3A_440, %select_n3A_456 : i32
        %or3A_458 = arith.constant false
        %or3A_459 = arith.ori %or3A_458, %ne3A_457 : i1
        %or3A_460 = arith.constant false
        %or3A_461 = arith.ori %or3A_459, %or3A_460 : i1
        %not3A_462 = arith.constant true
        %not3A_463 = arith.xori %eq3A_170, %not3A_462 : i1
        %and3A_464 = arith.andi %or3A_461, %not3A_463 : i1
        %convert_element_type3A_465 = arith.extui %and3A_464 : i1 to i32
        %cond3A_466 = arith.constant 0 : i32
        %cond3A_467 = arith.cmpi ne, %convert_element_type3A_465, %cond3A_466 : i32
        scf.if %cond3A_467 {
        } else {
        }
        %and3A_468 = arith.constant false
        %and3A_469 = arith.andi %and3A_464, %and3A_468 : i1
        %ne3A_470 = arith.cmpi ne, %add3A_173, %add3A_182 : i32
        %or3A_471 = arith.constant false
        %or3A_472 = arith.ori %or3A_471, %ne3A_470 : i1
        %or3A_473 = arith.constant false
        %or3A_474 = arith.ori %or3A_472, %or3A_473 : i1
        %not3A_475 = arith.constant true
        %not3A_476 = arith.xori %eq3A_170, %not3A_475 : i1
        %and3A_477 = arith.andi %or3A_474, %not3A_476 : i1
        %convert_element_type3A_478 = arith.extui %and3A_477 : i1 to i32
        %cond3A_479 = arith.constant 0 : i32
        %cond3A_480 = arith.cmpi ne, %convert_element_type3A_478, %cond3A_479 : i32
        scf.if %cond3A_480 {
          "tpu.trace_start"() <{level = 10 : i32, message = "ep_wait_out"}> : () -> ()
          %rem3A_544 = arith.constant 2 : i32
          %rem3A_545 = arith.remui %scan3A_167, %rem3A_544 : i32
          %mul3A_546 = arith.constant 16 : i32
          %mul3A_547 = arith.muli %mul3A_546, %add3A_182 : i32
          %dma_wait3A_548 = arith.constant 0 : i32
          %dma_wait3A_549 = arith.constant 0 : i32
          %dma_wait3A_550 = tpu.memref_slice %run_scoped3A_10[%rem3A_545, %dma_wait3A_548, %dma_wait3A_549] : memref<2x16x1024xf32, #tpu.memory_space<vmem>> -> memref<1x16x1024xf32, #tpu.memory_space<vmem>>
          %dma_wait3A_551 = tpu.memref_squeeze %dma_wait3A_550 : memref<1x16x1024xf32, #tpu.memory_space<vmem>> -> memref<16x1024xf32, #tpu.memory_space<vmem>>
          %dma_wait3A_552 = arith.constant 0 : i32
          %dma_wait3A_553 = tpu.memref_slice %arg4[%mul3A_547, %dma_wait3A_552] : memref<8192x1024xf32, #tpu.memory_space<hbm>> -> memref<16x1024xf32, #tpu.memory_space<hbm>>
          %dma_wait3A_554 = tpu.memref_slice %run_scoped3A_11[%rem3A_545] : memref<2x!tpu.dma_semaphore, #tpu.memory_space<semaphore_mem>> -> memref<1x!tpu.dma_semaphore, #tpu.memory_space<semaphore_mem>>
          %dma_wait3A_555 = tpu.memref_squeeze %dma_wait3A_554 : memref<1x!tpu.dma_semaphore, #tpu.memory_space<semaphore_mem>> -> memref<!tpu.dma_semaphore, #tpu.memory_space<semaphore_mem>>
          %dma_wait3A_556 = arith.constant 0 : i32
          %dma_wait3A_557 = tpu.memref_slice %arg4[%mul3A_547, %dma_wait3A_556] : memref<8192x1024xf32, #tpu.memory_space<hbm>> -> memref<16x1024xf32, #tpu.memory_space<hbm>>
          %dma_wait3A_558 = arith.constant 0 : i32
          %dma_wait3A_559 = arith.constant 0 : i32
          %dma_wait3A_560 = tpu.memref_slice %run_scoped3A_10[%rem3A_545, %dma_wait3A_558, %dma_wait3A_559] : memref<2x16x1024xf32, #tpu.memory_space<vmem>> -> memref<1x16x1024xf32, #tpu.memory_space<vmem>>
          %dma_wait3A_561 = tpu.memref_squeeze %dma_wait3A_560 : memref<1x16x1024xf32, #tpu.memory_space<vmem>> -> memref<16x1024xf32, #tpu.memory_space<vmem>>
          tpu.wait_dma2 semaphore(%dma_wait3A_555 : memref<!tpu.dma_semaphore, #tpu.memory_space<semaphore_mem>>) src(%dma_wait3A_561 : memref<16x1024xf32, #tpu.memory_space<vmem>>) dst(%dma_wait3A_557 : memref<16x1024xf32, #tpu.memory_space<hbm>>)
          "tpu.trace_stop"() : () -> ()
        } else {
        }
        %and3A_481 = arith.constant true
        %and3A_482 = arith.andi %and3A_477, %and3A_481 : i1
        %add3A_483 = arith.constant 1 : i32
        %add3A_484 = arith.addi %scan3A_167, %add3A_483 : i32
        %select_n3A_485 = arith.select %and3A_482, %add3A_484, %scan3A_167 : i32
        %ne3A_486 = arith.cmpi ne, %add3A_173, %add3A_191 : i32
        %or3A_487 = arith.constant false
        %or3A_488 = arith.ori %or3A_487, %ne3A_486 : i1
        %or3A_489 = arith.constant false
        %or3A_490 = arith.ori %or3A_488, %or3A_489 : i1
        %or3A_491 = arith.ori %or3A_490, %eq3A_172 : i1
        %add3A_492 = arith.constant 1 : i32
        %add3A_493 = arith.addi %scan3A_163, %add3A_492 : i32
        %select_n3A_494 = arith.select %or3A_491, %add3A_493, %scan3A_163 : i32
        %jit3A_495 = arith.constant 128 : i32
        %eq3A_496 = arith.constant 0 : i32
        %eq3A_497 = arith.cmpi eq, %jit3A_495, %eq3A_496 : i32
        %jit3A_498 = arith.constant 1 : i32
        %select_n3A_499 = arith.select %eq3A_497, %jit3A_498, %jit3A_495 : i32
        %rem3A_500 = arith.remsi %add3A_173, %select_n3A_499 : i32
        %ne3A_501 = arith.constant 0 : i32
        %ne3A_502 = arith.cmpi ne, %rem3A_500, %ne3A_501 : i32
        %lt3A_503 = arith.constant 0 : i32
        %lt3A_504 = arith.cmpi slt, %rem3A_500, %lt3A_503 : i32
        %lt3A_505 = arith.constant 0 : i32
        %lt3A_506 = arith.cmpi slt, %select_n3A_499, %lt3A_505 : i32
        %ne3A_507 = arith.xori %lt3A_504, %lt3A_506 : i1
        %and3A_508 = arith.andi %ne3A_507, %ne3A_502 : i1
        %add3A_509 = arith.addi %rem3A_500, %select_n3A_499 : i32
        %select_n3A_510 = arith.select %and3A_508, %add3A_509, %rem3A_500 : i32
        %jit3A_511 = arith.constant 128 : i32
        %eq3A_512 = arith.constant 0 : i32
        %eq3A_513 = arith.cmpi eq, %jit3A_511, %eq3A_512 : i32
        %jit3A_514 = arith.constant 1 : i32
        %select_n3A_515 = arith.select %eq3A_513, %jit3A_514, %jit3A_511 : i32
        %rem3A_516 = arith.remsi %add3A_191, %select_n3A_515 : i32
        %ne3A_517 = arith.constant 0 : i32
        %ne3A_518 = arith.cmpi ne, %rem3A_516, %ne3A_517 : i32
        %lt3A_519 = arith.constant 0 : i32
        %lt3A_520 = arith.cmpi slt, %rem3A_516, %lt3A_519 : i32
        %lt3A_521 = arith.constant 0 : i32
        %lt3A_522 = arith.cmpi slt, %select_n3A_515, %lt3A_521 : i32
        %ne3A_523 = arith.xori %lt3A_520, %lt3A_522 : i1
        %and3A_524 = arith.andi %ne3A_523, %ne3A_518 : i1
        %add3A_525 = arith.addi %rem3A_516, %select_n3A_515 : i32
        %select_n3A_526 = arith.select %and3A_524, %add3A_525, %rem3A_516 : i32
        %ne3A_527 = arith.cmpi ne, %select_n3A_510, %select_n3A_526 : i32
        %or3A_528 = arith.constant false
        %or3A_529 = arith.ori %or3A_528, %ne3A_527 : i1
        %or3A_530 = arith.constant false
        %or3A_531 = arith.ori %or3A_529, %or3A_530 : i1
        %or3A_532 = arith.ori %or3A_531, %eq3A_172 : i1
        %add3A_533 = arith.constant 1 : i32
        %add3A_534 = arith.addi %scan3A_165, %add3A_533 : i32
        %select_n3A_535 = arith.select %or3A_532, %add3A_534, %scan3A_165 : i32
        %add3A_536 = arith.constant 1 : i32
        %add3A_537 = arith.addi %scan3A_168, %add3A_536 : i32
        %select_n3A_538 = arith.constant true
        %select_n3A_539 = arith.select %select_n3A_538, %add3A_537, %scan3A_168 : i32
        %eq3A_540 = arith.constant 16 : i32
        %eq3A_541 = arith.cmpi eq, %select_n3A_539, %eq3A_540 : i32
        %select_n3A_542 = arith.constant 0 : i32
        %select_n3A_543 = arith.select %eq3A_541, %select_n3A_542, %select_n3A_539 : i32
        scf.yield %select_n3A_213, %select_n3A_494, %select_n3A_263, %select_n3A_535, %select_n3A_411, %select_n3A_485, %select_n3A_543 : i32, i32, i32, i32, i32, i32, i32
      }
      %scan3A_108 = arith.constant 16 : i32
      %sub3A = arith.constant 1 : i32
      %sub3A_109 = arith.subi %scan3A_107#6, %sub3A : i32
      %select_n3A_110 = arith.constant true
      %select_n3A_111 = arith.select %select_n3A_110, %sub3A_109, %scan3A_107#6 : i32
      %eq3A_112 = arith.constant -1 : i32
      %eq3A_113 = arith.cmpi eq, %select_n3A_111, %eq3A_112 : i32
      %select_n3A_114 = arith.constant 15 : i32
      %select_n3A_115 = arith.select %eq3A_113, %select_n3A_114, %select_n3A_111 : i32
      %add3A_116 = arith.addi %select_n3A_115, %mul3A_6 : i32
      %sub3A_117 = arith.constant 1 : i32
      %sub3A_118 = arith.subi %select_n3A_115, %sub3A_117 : i32
      %select_n3A_119 = arith.constant true
      %select_n3A_120 = arith.select %select_n3A_119, %sub3A_118, %select_n3A_115 : i32
      %eq3A_121 = arith.constant -1 : i32
      %eq3A_122 = arith.cmpi eq, %select_n3A_120, %eq3A_121 : i32
      %select_n3A_123 = arith.constant 15 : i32
      %select_n3A_124 = arith.select %eq3A_122, %select_n3A_123, %select_n3A_120 : i32
      %add3A_125 = arith.addi %select_n3A_124, %mul3A_6 : i32
      %add3A_126 = arith.constant 1 : i32
      %add3A_127 = arith.addi %select_n3A_115, %add3A_126 : i32
      %select_n3A_128 = arith.constant true
      %select_n3A_129 = arith.select %select_n3A_128, %add3A_127, %select_n3A_115 : i32
      %eq3A_130 = arith.constant 16 : i32
      %eq3A_131 = arith.cmpi eq, %select_n3A_129, %eq3A_130 : i32
      %select_n3A_132 = arith.constant 0 : i32
      %select_n3A_133 = arith.select %eq3A_131, %select_n3A_132, %select_n3A_129 : i32
      %add3A_134 = arith.addi %select_n3A_133, %mul3A_6 : i32
      %add3A_135 = arith.constant 1 : i32
      %add3A_136 = arith.addi %select_n3A_133, %add3A_135 : i32
      %select_n3A_137 = arith.constant true
      %select_n3A_138 = arith.select %select_n3A_137, %add3A_136, %select_n3A_133 : i32
      %eq3A_139 = arith.constant 16 : i32
      %eq3A_140 = arith.cmpi eq, %select_n3A_138, %eq3A_139 : i32
      %select_n3A_141 = arith.constant 0 : i32
      %select_n3A_142 = arith.select %eq3A_140, %select_n3A_141, %select_n3A_138 : i32
      %add3A_143 = arith.addi %select_n3A_142, %mul3A_6 : i32
      "tpu.trace_start"() <{level = 10 : i32, message = "ep_finalize"}> : () -> ()
      %rem3A_144 = arith.constant 2 : i32
      %rem3A_145 = arith.remui %scan3A_107#5, %rem3A_144 : i32
      %mul3A_146 = arith.constant 16 : i32
      %mul3A_147 = arith.muli %mul3A_146, %add3A_116 : i32
      %dma_wait3A = arith.constant 0 : i32
      %dma_wait3A_148 = arith.constant 0 : i32
      %dma_wait3A_149 = tpu.memref_slice %run_scoped3A_10[%rem3A_145, %dma_wait3A, %dma_wait3A_148] : memref<2x16x1024xf32, #tpu.memory_space<vmem>> -> memref<1x16x1024xf32, #tpu.memory_space<vmem>>
      %dma_wait3A_150 = tpu.memref_squeeze %dma_wait3A_149 : memref<1x16x1024xf32, #tpu.memory_space<vmem>> -> memref<16x1024xf32, #tpu.memory_space<vmem>>
      %dma_wait3A_151 = arith.constant 0 : i32
      %dma_wait3A_152 = tpu.memref_slice %arg4[%mul3A_147, %dma_wait3A_151] : memref<8192x1024xf32, #tpu.memory_space<hbm>> -> memref<16x1024xf32, #tpu.memory_space<hbm>>
      %dma_wait3A_153 = tpu.memref_slice %run_scoped3A_11[%rem3A_145] : memref<2x!tpu.dma_semaphore, #tpu.memory_space<semaphore_mem>> -> memref<1x!tpu.dma_semaphore, #tpu.memory_space<semaphore_mem>>
      %dma_wait3A_154 = tpu.memref_squeeze %dma_wait3A_153 : memref<1x!tpu.dma_semaphore, #tpu.memory_space<semaphore_mem>> -> memref<!tpu.dma_semaphore, #tpu.memory_space<semaphore_mem>>
      %dma_wait3A_155 = arith.constant 0 : i32
      %dma_wait3A_156 = tpu.memref_slice %arg4[%mul3A_147, %dma_wait3A_155] : memref<8192x1024xf32, #tpu.memory_space<hbm>> -> memref<16x1024xf32, #tpu.memory_space<hbm>>
      %dma_wait3A_157 = arith.constant 0 : i32
      %dma_wait3A_158 = arith.constant 0 : i32
      %dma_wait3A_159 = tpu.memref_slice %run_scoped3A_10[%rem3A_145, %dma_wait3A_157, %dma_wait3A_158] : memref<2x16x1024xf32, #tpu.memory_space<vmem>> -> memref<1x16x1024xf32, #tpu.memory_space<vmem>>
      %dma_wait3A_160 = tpu.memref_squeeze %dma_wait3A_159 : memref<1x16x1024xf32, #tpu.memory_space<vmem>> -> memref<16x1024xf32, #tpu.memory_space<vmem>>
      tpu.wait_dma2 semaphore(%dma_wait3A_154 : memref<!tpu.dma_semaphore, #tpu.memory_space<semaphore_mem>>) src(%dma_wait3A_160 : memref<16x1024xf32, #tpu.memory_space<vmem>>) dst(%dma_wait3A_156 : memref<16x1024xf32, #tpu.memory_space<hbm>>)
      "tpu.trace_stop"() : () -> ()
      tpu.yield
    }) : () -> ()
    return
  }
}

</mosaic_0001>

<sc_bundles>
// kernel: kernel.3.cloned.1.call-start
scs
__scs_entry_jumppad:
0x0: {  	(pc) =	sbr.rel $0x88, $3  }
0x1: {  	(tag) =	ssettag $0x0;
	lr =	simm.s32 $0x1  }
0x2: {  	[smem:$0x3F9F] =	sst lr;
	_ =	strace $0xD0000000  }
0x3: {  	_ = 	snop  }
0x4: {  	_ = 	snop  }
0x5: {  	_ = 	snop  }
0x6: {  	_ = 	snop  }
0x7: {  	_ = 	snop  }
__scs_overlays_trampoline_lowered:
0x8: {  	[smem:$0x3FAE] =	sst s0  }
0x9: {  	[smem:$0x3FAF] =	sst s1  }
0xa: {  	[smem:$0x3FB0] =	sst s2  }
0xb: {  	[smem:$0x3FB1] =	sst s3  }
0xc: {  	[smem:$0x3FB2] =	sst s4  }
0xd: {  	[smem:$0x3FB3] =	sst s5  }
0xe: {  	[smem:$0x3FB4] =	sst s6  }
0xf: {  	[smem:$0x3FB5] =	sst s7  }
0x10: {  	[smem:$0x3FB6] =	sst s8  }
0x11: {  	[smem:$0x3FB7] =	sst s9;
	s0 =	simm.s32 @!p0 $0x0  }
0x12: {  	s1 =	sld [smem:$0x3F9D];
	s0 =	simm.s32 @p0 $0x1  }
0x13: {  	[smem:$0x3FB8] =	sst s0;
	s0 =	simm.s32 @!p1 $0x0  }
0x14: {  	s2 =	sld [smem:$0x3F9C];
	s0 =	simm.s32 @p1 $0x1  }
0x15: {  	[smem:$0x3FB9] =	sst s0;
	s0 =	simm.s32 @!p2 $0x0  }
0x16: {  	s3 =	sld [smem:$0x3FDB];
	s0 =	simm.s32 @p2 $0x1  }
0x17: {  	s4 =	simm.s32 $0x1BF5;
	[smem:$0x3FBB] =	sst s0  }
0x18: {  	s0 =	sld [smem:$0x3F9E];
	_ =	swait.ge [sflag:s4], $0x0  }
0x19: {  	s7 =	sld [smem:$0x3F9F]  }
0x1a: {  	s8 =	sadd.s32 $0xFFFFE003, lr  }
0x1b: {  	s9 =	sadd.s32 $0xFFFFFEF7, lr;
	s5 =	simm.s32 $0xFFFFFFFF;
	p2 =	slt.u32 s8, $0xFFFFF086  }
0x1c: {  	p1 =	slt.u32 s9, $0xF7A;
	s5 =	simm.s32 @!p2 $0x0  }
0x1d: {  	s5 =	simm.s32 @p1 $0x1;
	p0 =	seq.s32 s7, s2  }
0x1e: {  	s7 =	smul.u32 @!p0 $0xF7A, s2;
	p2 =	seq.s32 @!p0 s5, $0x0  }
0x1f: {  	s9 =	smul.u32 $0xF7A, s1;
	s8 =	simm.s32 @!p0 $0x1BF5;
	p2 =	por !p2, p0  }
0x20: {  	[sflag:s8] =	ssyncset.s32 @!p0 $0xFFFFF086;
	s6 =	sadd.s32 @!p0 s3, s7;
	s7 =	simm.s32 @!p0 $0x108  }
0x21: {  	s3 =	sadd.s32 s3, s9;
	s6 =	sadd.s32 @!p0 $0x88, s6;
	s7 =	simm.s32 @p2 $0x1082  }
0x22: {  	[simem:s7], [sflag:s8] =	dma.local @!p0 [hbm:s6], $0xF7A  }
0x23: {  	s9 =	sor.u32 $0xD0000000, s2;
	s6 =	simm.s32 $0x108;
	_ =	swait.ge @!p0 [sflag:s8], $0x0  }
0x24: {  	s3 =	sadd.s32 $0x88, s3;
	s6 =	simm.s32 @!p1 $0x1082;
	[sflag:s4] =	ssyncset.s32 $0xFFFFF086  }
0x25: {  	[simem:s6], [sflag:s4] =	dma.local [hbm:s3], $0xF7A  }
0x26: {  	[smem:$0x3F9F] =	sst s1;
	(tag) =	ssettag s2;
	_ =	strace s9  }
0x27: {  	s1 =	sld [smem:$0x3FAF]  }
0x28: {  	s2 =	sld [smem:$0x3FB0]  }
0x29: {  	s4 =	sld [smem:$0x3FB2]  }
0x2a: {  	p0 =	seq.s32 s5, $0x0;
	s5 =	sld [smem:$0x3FB3]  }
0x2b: {  	s6 =	sld [smem:$0x3FB4]  }
0x2c: {  	s7 =	sld [smem:$0x3FB5]  }
0x2d: {  	s3 =	simm.s32 $0x108;
	s8 =	sld [smem:$0x3FB6]  }
0x2e: {  	s3 =	simm.s32 @!p0 $0x1082;
	s9 =	sld [smem:$0x3FB7]  }
0x2f: {  	lr =	sadd.s32 s0, s3;
	s0 =	sld [smem:$0x3FAE]  }
0x30: {  	s3 =	sld [smem:$0x3FB1]  }
0x31: {  	[smem:$0x3FBA] =	sst s10  }
0x32: {  	s10 =	sld [smem:$0x3FB8];
	_ =	sdelay $0x3  }
0x33: {  	p0 =	seq.s32 s10, $0x1;
	s10 =	sld [smem:$0x3FBA];
	_ =	sdelay $0x3  }
0x34: {  	[smem:$0x3FBA] =	sst s10  }
0x35: {  	s10 =	sld [smem:$0x3FB9];
	_ =	sdelay $0x3  }
0x36: {  	p1 =	seq.s32 s10, $0x1;
	s10 =	sld [smem:$0x3FBA];
	_ =	sdelay $0x3  }
0x37: {  	[smem:$0x3FBA] =	sst s10  }
0x38: {  	s10 =	sld [smem:$0x3FBB]  }
0x39: {  	_ = 	snop;
	(pc) =	sbr.ind lr, $3  }
0x3a: {  	_ = 	snop  }
0x3b: {  	_ = 	snop  }
0x3c: {  	p2 =	seq.s32 s10, $0x1;
	s10 =	sld [smem:$0x3FBA]  }
0x3d: {  	_ =	shalt  }
0x3e: {  	_ =	shalt  }
0x3f: {  	_ =	shalt  }
0x40: {  	_ =	shalt  }
0x41: {  	_ =	shalt  }
0x42: {  	_ =	shalt  }
0x43: {  	_ =	shalt  }
0x44: {  	_ =	shalt  }
0x45: {  	_ =	shalt  }
0x46: {  	_ =	shalt  }
0x47: {  	_ =	shalt  }
0x48: {  	_ =	shalt  }
0x49: {  	_ =	shalt  }
0x4a: {  	_ =	shalt  }
0x4b: {  	_ =	shalt  }
0x4c: {  	_ =	shalt  }
0x4d: {  	_ =	shalt  }
0x4e: {  	_ =	shalt  }
0x4f: {  	_ =	shalt  }
0x50: {  	_ =	shalt  }
0x51: {  	_ =	shalt  }
0x52: {  	_ =	shalt  }
0x53: {  	_ =	shalt  }
0x54: {  	_ =	shalt  }
0x55: {  	_ =	shalt  }
0x56: {  	_ =	shalt  }
0x57: {  	_ =	shalt  }
0x58: {  	_ =	shalt  }
0x59: {  	_ =	shalt  }
0x5a: {  	_ =	shalt  }
0x5b: {  	_ =	shalt  }
0x5c: {  	_ =	shalt  }
0x5d: {  	_ =	shalt  }
0x5e: {  	_ =	shalt  }
0x5f: {  	_ =	shalt  }
0x60: {  	_ =	shalt  }
0x61: {  	_ =	shalt  }
0x62: {  	_ =	shalt  }
0x63: {  	_ =	shalt  }
0x64: {  	_ =	shalt  }
0x65: {  	_ =	shalt  }
0x66: {  	_ =	shalt  }
0x67: {  	_ =	shalt  }
0x68: {  	_ =	shalt  }
0x69: {  	_ =	shalt  }
0x6a: {  	_ =	shalt  }
0x6b: {  	_ =	shalt  }
0x6c: {  	_ =	shalt  }
0x6d: {  	_ =	shalt  }
0x6e: {  	_ =	shalt  }
0x6f: {  	_ =	shalt  }
0x70: {  	_ =	shalt  }
0x71: {  	_ =	shalt  }
0x72: {  	_ =	shalt  }
0x73: {  	_ =	shalt  }
0x74: {  	_ =	shalt  }
0x75: {  	_ =	shalt  }
0x76: {  	_ =	shalt  }
0x77: {  	_ =	shalt  }
0x78: {  	_ =	shalt  }
0x79: {  	_ =	shalt  }
0x7a: {  	_ =	shalt  }
0x7b: {  	_ =	shalt  }
0x7c: {  	_ =	shalt  }
0x7d: {  	_ =	shalt  }
0x7e: {  	_ =	shalt  }
0x7f: {  	_ =	shalt  }
0x80: {  	_ =	shalt  }
0x81: {  	_ =	shalt  }
0x82: {  	_ =	shalt  }
0x83: {  	_ =	shalt  }
0x84: {  	_ =	shalt  }
0x85: {  	_ =	shalt  }
0x86: {  	_ =	shalt  }
0x87: {  	_ =	shalt  }
.Lfunc_end0:
.L_simem_size_0:
called_computation_lowered:
.L_overlay_start_0:
0x88: {  	s2 =	sld [smem:$0x3FD9]  }
0x89: {  	s3 =	sld [smem:$0x3FFE];
	_ =	sdelay $0x1  }
0x8a: {  	s1 =	srdreg.scid  }
0x8b: {  	s0 =	sand.u32 $0x1, s1  }
0x8c: {  	s18 =	sshll.u32 s0, $0xA;
	s2 =	sadd.s32 s3, s2  }
0x8d: {  	s2 =	sadd.s32 s2, s18  }
0x8e: {  	[smem:$0x3FC6] =	sst s2  }
0x8f: {  	_ = 	snop  }
0x90: {  	s2 =	sld [smem:$0x3FC9]  }
0x91: {  	s19 =	sld [smem:$0x3FC8]  }
0x92: {  	s4 =	sld [smem:$0x3FD0];
	(tm) =	ssettm $0x1  }
0x93: {  	s5 =	sld [smem:$0x3FFB];
	_ =	sdelay $0x3  }
0x94: {  	_ =	strace s5  }
0x95: {  	s5 =	sld [smem:$0x3FFC];
	_ =	sdelay $0x3  }
0x96: {  	_ =	strace s5  }
0x97: {  	s5 =	sld [smem:$0x3FFD];
	_ =	sdelay $0x3  }
0x98: {  	_ =	strace s5  }
0x99: {  	_ =	strace $0x8FFFFFFF  }
0x9a: {  	s20 =	sld [smem:$0x3FDB];
	_ =	sdelay $0x1  }
0x9b: {  	s6 =	simm.s32 $_scs_section_size  }
0x9c: {  	s7 =	simm.s32 $_size__tile_overlayer_lowered;
	s8 =	simm.s32 $_tile_overlayer_lowered  }
0x9d: {  	s23 =	simm.s32 $0x1BFF;
	s22 =	sshll.u32 s8, $0x1;
	s5 =	sadd.s32 s6, s20  }
0x9e: {  	s9 =	simm.s32 $0x0;
	s21 =	sshll.u32 s7, $0x1;
	s7 =	sadd.s32 s22, s5  }
0x9f: {  	[timem:s9], [sflag:s23] =	dma.local [hbm:s7], s21  }
0xa0: {  	_ =	swait.ge [sflag:s23], s21  }
0xa1: {  	s6 =	ssub.s32 $0x0, s21;
	[sflag:s23] =	ssyncset.done $0x0  }
0xa2: {  	[sflag:s23] =	ssyncadd.s32 s6;
	_ =	sdelay $0x1  }
0xa3: {  	s24 =	simm.s32 $0x1B8B  }
0xa4: {  	_ =	swait.ge [sflag:s24], $0x1  }
0xa5: {  	[sflag:s24] =	ssyncset.done $0x0  }
0xa6: {  	s25 =	simm.s32 $0x1B8E;
	[sflag:s24] =	ssyncadd.s32 $0xFFFFFFFF  }
0xa7: {  	s26 =	simm.s32 $execute0_lowered;
	[smem:$0x3FD2] =	sst s25  }
0xa8: {  	s6 =	sshll.u32 s26, $0x1;
	_ =	strace $0x80000046;
	[dreg:$0x1] =	wrdreg $0xFFFFFFFF  }
0xa9: {  	s28 =	simm.s32 $_size_execute0_lowered;
	s5 =	sadd.s32 s5, s6;
	[dreg:$0x0] =	wrdreg $0x0  }
0xaa: {  	s6 =	sshll.u32 s28, $0x1;
	[dreg:$0x2] =	wrdreg s5  }
0xab: {  	[dreg:$0x3] =	wrdreg s6  }
0xac: {  	[dreg:$0x4] =	wrdreg $0xC0  }
0xad: {  	_ =	task [dreg:s9], $0x5FFFF  }
0xae: {  	[dreg:$0x1] =	wrdreg $0xFFFFFFFF  }
0xaf: {  	[dreg:$0x0] =	wrdreg $0x60  }
0xb0: {  	[dreg:$0x2] =	wrdreg s2  }
0xb1: {  	[dreg:$0x3] =	wrdreg s19  }
0xb2: {  	[dreg:$0x4] =	wrdreg s4  }
0xb3: {  	[dreg:$0x5] =	wrdreg $0x9  }
0xb4: {  	_ =	task.clear_ibuf [dreg:s9], $0x6FFFF;
	_ =	strace $0x90000046  }
0xb5: {  	s29 =	simm.s32 $0x9;
	_ =	strace $0x80000051  }
0xb6: {  	_ =	swait.ge [sflag:s29], $0x1  }
0xb7: {  	[sflag:s29] =	ssyncadd.s32 $0xFFFFFFFF  }
0xb8: {  	_ =	strace $0x90000051  }
0xb9: {  	_ =	sfence  }
0xba: {  	s30 =	sld [smem:$0x0];
	_ =	sdelay $0x2  }
0xbb: {  	s31 =	sshll.u32 s1, $0xD;
	s1 =	sshrl.u32 s1, $0x2  }
0xbc: {  	s3 =	sand.u32 $0x4000, s31;
	s1 =	sadd.s32 s1, s30  }
0xbd: {  	s0 =	sor.u32 s3, s0;
	s1 =	sshll.u32 s1, $0x11  }
0xbe: {  	s0 =	sor.u32 s1, s0  }
0xbf: {  	s0 =	sadd.s32 $0x8F2B, s0  }
0xc0: {  	[sflag:s0] =	ssyncadd.remote.s32 $0x1  }
0xc1: {  	_ =	sfence.sel $0xFFFF  }
0xc2: {  	[dreg:$0x0] =	wrdreg $0xFFFFFFFF;
	(pc) =	sbr.abs _section_cstart, $3  }
0xc3: {  	[dreg:$0x1] =	wrdreg $0xFFFFFFFF  }
0xc4: {  	_ =	task.clear_ibuf [dreg:s9], $0x2FFFF;
	_ =	strace $0x9FFFFFFF  }
0xc5: {  	(tm) =	ssettm $0x7FFFFFFF  }
tec
execute0_lowered:
.L_overlay_start_1:
0x0: {  	(tag) =	ssettag $0x1  }
0x1: {  	s1 =	rddreg [dreg:$0x0]  }
0x2: {  	s2 =	rddreg [dreg:$0x1]  }
0x3: {  	s3 =	rddreg [dreg:$0x2]  }
0x4: {  	s0 =	rddreg [dreg:$0x3]  }
0x5: {  	s4 =	simm.s32 $0x0;
	s5 =	srdreg.scid;
	s10 =	simm.s32 $0x8000  }
0x6: {  	s11 =	simm.s32 $0x6;
	s12 =	simm.s32 $0x0;
	s6 =	sand.u32 $0x1, s5  }
0x7: {  	[smem:$0x7FF] =	sst s4;
	s5 =	stileid.u32;
	s7 =	ssub.s32 $0x2, s6  }
0x8: {  	_ =	strace $0x80000047;
	s6 =	sshll.u32 s6, $0x4;
	s8 =	sshrl.u32 s7, $0x1  }
0x9: {  	s31 =	sshll.u32 s5, $0xF;
	s30 =	sor.u32 s5, s6;
	s9 =	ssub.s32 s7, s8  }
0xa: {  	s6 =	sshll.u32 s30, $0x4;
	s7 =	sshll.u32 s30, $0xF;
	s8 =	sand.u32 $0x38000, s31  }
0xb: {  	s7 =	sadd.s32 s1, s7;
	s8 =	sadd.s32 s2, s8;
	s9 =	smax.u32 s9, $0x1  }
.LBB2_1:
0xc: {  	_ =	strace $0x80000048  }
0xd: {  	s13 =	simm.s32 $0x0;
	s14 =	simm.s32 $0x0;
	s15 =	simm.s32 $0x0  }
0xe: {  	[tilespmem:s4], [sflag:$0x1] =	stream.linear.gather [hbm4b:s7+s4], $0x4000, $0x200038;
	[tilespmem:$0x18000] =	vst v63  }
0xf: {  	s16 =	simm.s32 $0x0;
	s17 =	simm.s32 $0x1;
	s18 =	simm.s32 $0x0  }
0x10: {  	[tilespmem:s10], [sflag:$0x3] =	stream.linear.gather [hbm4b:s8+s4], $0x4000, $0x200038;
	[tilespmem:$0x18000] =	vst v63  }
0x11: {  	s19 =	simm.s32 $0x1;
	s20 =	simm.s32 $0x0;
	_ =	strace $0x90000048  }
.LBB2_2:
0x12: {  	s22 =	smov.u32 s13;
	s13 =	sadd.s32 $0x1, s13  }
0x13: {  	p0 =	seq.s32 s13, $0x10  }
0x14: {  	s13 =	simm.s32 @p0 $0x0  }
0x15: {  	p2 =	sne.s32 s20, $0xF;
	p1 =	sne.s32 s22, s13  }
0x16: {  	p6 =	por !p2, !p1  }
0x17: {  	s23 =	sadd.s32 s6, s13;
	p3 =	por !p6, !p6  }
0x18: {  	s21 =	sadd.s32 s6, s22;
	_ =	strace @p3 $0x80000049;
	s25 =	sshll.u32 @p3 s23, $0xB  }
0x19: {  	s24 =	sand.u32 @p3 $0x1, s19;
	s28 =	simm.s32 @p3 $0x0;
	s25 =	sand.u32 @p3 $0x1FFFF800, s25  }
0x1a: {  	s26 =	sshll.u32 @p3 s24, $0xE;
	s24 =	sadd.s32 @p3 $0x1, s24;
	s25 =	sadd.s32 @p3 s1, s25  }
0x1b: {  	[tilespmem:s26], [sflag:s24] =	stream.linear.gather @p3 [hbm4b:s25+s28], $0x4000, $0x200038;
	[tilespmem:$0x18000] =	vst v63  }
0x1c: {  	s23 =	sand.u32 $0x7F, s23;
	s24 =	sand.u32 $0x7F, s21  }
0x1d: {  	p0 =	sne.s32 s24, s23  }
0x1e: {  	p2 =	por !p2, !p0  }
0x1f: {  	s25 =	sadd.s32 $0x7F, s22;
	_ =	strace @p3 $0x90000049;
	p4 =	por !p2, !p2  }
0x20: {  	p2 =	seq.s32 s22, $0x0;
	s26 =	sand.u32 @p4 $0x1, s17;
	_ =	strace @p4 $0x8000004A  }
0x21: {  	s23 =	sshll.u32 @p4 s23, $0xB;
	s28 =	simm.s32 @p4 $0x0;
	s22 =	sshll.u32 @p4 s26, $0xE  }
0x22: {  	s26 =	sadd.s32 @p4 $0x3, s26;
	s23 =	sadd.s32 @p4 s2, s23;
	s22 =	sor.u32 @p4 $0x8000, s22  }
0x23: {  	[tilespmem:s22], [sflag:s26] =	stream.linear.gather @p4 [hbm4b:s23+s28], $0x4000, $0x200038;
	[tilespmem:$0x18000] =	vst v63  }
0x24: {  	s30 =	sand.u32 $0x1, s18;
	s25 =	simm.s32 @p2 $0xF;
	_ =	strace @p4 $0x9000004A  }
0x25: {  	s31 =	sadd.s32 s6, s25;
	s22 =	sadd.s32 $0x1, s30;
	_ =	strace $0x8000004B  }
0x26: {  	p2 =	seq.s32 s20, $0x0;
	s23 =	sand.u32 $0x7F, s31;
	_ =	swait.ge [sflag:s22], $0x4000  }
0x27: {  	p5 =	seq.s32 @!p2 s24, s23;
	[sflag:s22] =	ssyncset.done $0x0  }
0x28: {  	p5 =	por p2, !p5;
	[sflag:s22] =	ssyncadd.s32 $0xFFFFC000  }
0x29: {  	s22 =	sand.u32 @p5 $0x1, s16;
	_ =	strace $0x9000004B  }
0x2a: {  	s22 =	sadd.s32 @p5 $0x3, s22;
	_ =	strace @p5 $0x8000004C  }
0x2b: {  	s25 =	sshll.u32 s18, $0xE;
	_ =	swait.ge @p5 [sflag:s22], $0x4000  }
0x2c: {  	s29 =	sand.u32 $0x4000, s25;
	s25 =	simm.s32 $0xFFFFC000;
	[sflag:s22] =	ssyncset.done @p5 $0x0  }
0x2d: {  	s26 =	sshll.u32 s16, $0xE;
	[sflag:s22] =	ssyncadd.s32 @p5 $0xFFFFC000;
	s22 =	simm.s32 $0x1  }
0x2e: {  	s23 =	simm.s32 $0x1;
	s30 =	sand.u32 $0x4000, s26;
	s22 =	simm.s32 @!p3 $0x0  }
0x2f: {  	s24 =	simm.s32 $0x0;
	s19 =	sadd.s32 s22, s19;
	s22 =	sand.u32 $0x1, s15  }
0x30: {  	s23 =	simm.s32 @!p4 $0x0;
	s28 =	sor.u32 $0x8000, s30;
	s31 =	sshll.u32 s22, $0xE  }
0x31: {  	v0 =	vmov s29;
	s17 =	sadd.s32 s23, s17;
	_ =	strace @p5 $0x9000004C;
	s23 =	sor.u32 $0x10000, s31  }
0x32: {  	s26 =	simm.s32 $0x0;
	v1 =	vmov s28;
	s28 =	simm.s32 $0x0;
	_ =	strace $0x8000004D;
	v2 =	vmov s23  }
.LBB2_3:
0x33: {  	s29 =	sadd.s32 $0x4000, s25  }
0x34: {  	s30 =	sand.u32 $0x380, s28;
	s29 =	sand.u32 $0x2000, s29  }
0x35: {  	s29 =	sor.u32 s30, s29  }
0x36: {  	v3 =	vld.idx.msk [tilespmem:v0+s29+$0x0 ss:$0x1], $0xffff  }
0x37: {  	v4 =	vld.idx.msk [tilespmem:v1+s29+$0x0 ss:$0x1], $0xffff;
	_ =	sdelay $0x4  }
0x38: {  	v3 =	vadd.f32 v4, v3;
	_ =	sdelay $0x1  }
0x39: {  	s30 =	sor.u32 $0x10, s29;
	[tilespmem:v2+s29+$0x0 ss:$0x1] =	vst.idx.msk $0xffff, v3  }
0x3a: {  	v3 =	vld.idx.msk [tilespmem:v0+s30+$0x0 ss:$0x1], $0xffff  }
0x3b: {  	v57 =	vld.idx.msk [tilespmem:v1+s30+$0x0 ss:$0x1], $0xffff;
	_ =	sdelay $0x4  }
0x3c: {  	v3 =	vadd.f32 v57, v3;
	_ =	sdelay $0x1  }
0x3d: {  	s31 =	sor.u32 $0x20, s29;
	[tilespmem:v2+s30+$0x0 ss:$0x1] =	vst.idx.msk $0xffff, v3  }
0x3e: {  	v3 =	vld.idx.msk [tilespmem:v0+s31+$0x0 ss:$0x1], $0xffff  }
0x3f: {  	v58 =	vld.idx.msk [tilespmem:v1+s31+$0x0 ss:$0x1], $0xffff;
	_ =	sdelay $0x4  }
0x40: {  	v3 =	vadd.f32 v58, v3;
	_ =	sdelay $0x1  }
0x41: {  	[tilespmem:v2+s31+$0x0 ss:$0x1] =	vst.idx.msk $0xffff, v3;
	s31 =	sor.u32 $0x30, s29  }
0x42: {  	v3 =	vld.idx.msk [tilespmem:v0+s31+$0x0 ss:$0x1], $0xffff  }
0x43: {  	v59 =	vld.idx.msk [tilespmem:v1+s31+$0x0 ss:$0x1], $0xffff;
	_ =	sdelay $0x4  }
0x44: {  	v3 =	vadd.f32 v59, v3;
	_ =	sdelay $0x1  }
0x45: {  	[tilespmem:v2+s31+$0x0 ss:$0x1] =	vst.idx.msk $0xffff, v3;
	s31 =	sor.u32 $0x40, s29  }
0x46: {  	v3 =	vld.idx.msk [tilespmem:v0+s31+$0x0 ss:$0x1], $0xffff  }
0x47: {  	v60 =	vld.idx.msk [tilespmem:v1+s31+$0x0 ss:$0x1], $0xffff;
	_ =	sdelay $0x4  }
0x48: {  	v3 =	vadd.f32 v60, v3;
	_ =	sdelay $0x1  }
0x49: {  	[tilespmem:v2+s31+$0x0 ss:$0x1] =	vst.idx.msk $0xffff, v3;
	s31 =	sor.u32 $0x50, s29  }
0x4a: {  	v3 =	vld.idx.msk [tilespmem:v0+s31+$0x0 ss:$0x1], $0xffff  }
0x4b: {  	v61 =	vld.idx.msk [tilespmem:v1+s31+$0x0 ss:$0x1], $0xffff;
	_ =	sdelay $0x4  }
0x4c: {  	v3 =	vadd.f32 v61, v3;
	_ =	sdelay $0x1  }
0x4d: {  	[tilespmem:v2+s31+$0x0 ss:$0x1] =	vst.idx.msk $0xffff, v3;
	s31 =	sor.u32 $0x60, s29  }
0x4e: {  	v3 =	vld.idx.msk [tilespmem:v0+s31+$0x0 ss:$0x1], $0xffff  }
0x4f: {  	v62 =	vld.idx.msk [tilespmem:v1+s31+$0x0 ss:$0x1], $0xffff;
	_ =	sdelay $0x4  }
0x50: {  	v3 =	vadd.f32 v62, v3;
	_ =	sdelay $0x1  }
0x51: {  	[tilespmem:v2+s31+$0x0 ss:$0x1] =	vst.idx.msk $0xffff, v3;
	s31 =	sor.u32 $0x70, s29  }
0x52: {  	v3 =	vld.idx.msk [tilespmem:v0+s31+$0x0 ss:$0x1], $0xffff  }
0x53: {  	v63 =	vld.idx.msk [tilespmem:v1+s31+$0x0 ss:$0x1], $0xffff;
	_ =	sdelay $0x4  }
0x54: {  	v3 =	vadd.f32 v63, v3;
	_ =	sdelay $0x1  }
0x55: {  	[tilespmem:v2+s31+$0x0 ss:$0x1] =	vst.idx.msk $0xffff, v3;
	s31 =	sor.u32 $0x400, s29  }
0x56: {  	v3 =	vld.idx.msk [tilespmem:v0+s31+$0x0 ss:$0x1], $0xffff  }
0x57: {  	v8 =	vld.idx.msk [tilespmem:v1+s31+$0x0 ss:$0x1], $0xffff;
	_ =	sdelay $0x4  }
0x58: {  	v3 =	vadd.f32 v8, v3;
	_ =	sdelay $0x1  }
0x59: {  	[tilespmem:v2+s31+$0x0 ss:$0x1] =	vst.idx.msk $0xffff, v3;
	s31 =	sor.u32 $0x410, s29  }
0x5a: {  	v3 =	vld.idx.msk [tilespmem:v0+s31+$0x0 ss:$0x1], $0xffff  }
0x5b: {  	v9 =	vld.idx.msk [tilespmem:v1+s31+$0x0 ss:$0x1], $0xffff;
	_ =	sdelay $0x4  }
0x5c: {  	v3 =	vadd.f32 v9, v3;
	_ =	sdelay $0x1  }
0x5d: {  	[tilespmem:v2+s31+$0x0 ss:$0x1] =	vst.idx.msk $0xffff, v3;
	s31 =	sor.u32 $0x420, s29  }
0x5e: {  	v3 =	vld.idx.msk [tilespmem:v0+s31+$0x0 ss:$0x1], $0xffff  }
0x5f: {  	v10 =	vld.idx.msk [tilespmem:v1+s31+$0x0 ss:$0x1], $0xffff;
	_ =	sdelay $0x4  }
0x60: {  	v3 =	vadd.f32 v10, v3;
	_ =	sdelay $0x1  }
0x61: {  	[tilespmem:v2+s31+$0x0 ss:$0x1] =	vst.idx.msk $0xffff, v3;
	s31 =	sor.u32 $0x430, s29  }
0x62: {  	v3 =	vld.idx.msk [tilespmem:v0+s31+$0x0 ss:$0x1], $0xffff  }
0x63: {  	v11 =	vld.idx.msk [tilespmem:v1+s31+$0x0 ss:$0x1], $0xffff;
	_ =	sdelay $0x4  }
0x64: {  	v3 =	vadd.f32 v11, v3;
	_ =	sdelay $0x1  }
0x65: {  	[tilespmem:v2+s31+$0x0 ss:$0x1] =	vst.idx.msk $0xffff, v3;
	s31 =	sor.u32 $0x440, s29  }
0x66: {  	v3 =	vld.idx.msk [tilespmem:v0+s31+$0x0 ss:$0x1], $0xffff  }
0x67: {  	v12 =	vld.idx.msk [tilespmem:v1+s31+$0x0 ss:$0x1], $0xffff;
	_ =	sdelay $0x4  }
0x68: {  	v3 =	vadd.f32 v12, v3;
	_ =	sdelay $0x1  }
0x69: {  	[tilespmem:v2+s31+$0x0 ss:$0x1] =	vst.idx.msk $0xffff, v3;
	s31 =	sor.u32 $0x450, s29  }
0x6a: {  	v3 =	vld.idx.msk [tilespmem:v0+s31+$0x0 ss:$0x1], $0xffff  }
0x6b: {  	v13 =	vld.idx.msk [tilespmem:v1+s31+$0x0 ss:$0x1], $0xffff;
	_ =	sdelay $0x4  }
0x6c: {  	v3 =	vadd.f32 v13, v3;
	_ =	sdelay $0x1  }
0x6d: {  	[tilespmem:v2+s31+$0x0 ss:$0x1] =	vst.idx.msk $0xffff, v3;
	s31 =	sor.u32 $0x460, s29  }
0x6e: {  	v3 =	vld.idx.msk [tilespmem:v0+s31+$0x0 ss:$0x1], $0xffff  }
0x6f: {  	v14 =	vld.idx.msk [tilespmem:v1+s31+$0x0 ss:$0x1], $0xffff;
	_ =	sdelay $0x4  }
0x70: {  	v3 =	vadd.f32 v14, v3;
	_ =	sdelay $0x1  }
0x71: {  	[tilespmem:v2+s31+$0x0 ss:$0x1] =	vst.idx.msk $0xffff, v3;
	s31 =	sor.u32 $0x470, s29  }
0x72: {  	v3 =	vld.idx.msk [tilespmem:v0+s31+$0x0 ss:$0x1], $0xffff  }
0x73: {  	v15 =	vld.idx.msk [tilespmem:v1+s31+$0x0 ss:$0x1], $0xffff;
	_ =	sdelay $0x4  }
0x74: {  	v3 =	vadd.f32 v15, v3;
	_ =	sdelay $0x1  }
0x75: {  	[tilespmem:v2+s31+$0x0 ss:$0x1] =	vst.idx.msk $0xffff, v3;
	s31 =	sor.u32 $0x800, s29  }
0x76: {  	v3 =	vld.idx.msk [tilespmem:v0+s31+$0x0 ss:$0x1], $0xffff  }
0x77: {  	v16 =	vld.idx.msk [tilespmem:v1+s31+$0x0 ss:$0x1], $0xffff;
	_ =	sdelay $0x4  }
0x78: {  	v3 =	vadd.f32 v16, v3;
	_ =	sdelay $0x1  }
0x79: {  	[tilespmem:v2+s31+$0x0 ss:$0x1] =	vst.idx.msk $0xffff, v3;
	s31 =	sor.u32 $0x810, s29  }
0x7a: {  	v3 =	vld.idx.msk [tilespmem:v0+s31+$0x0 ss:$0x1], $0xffff  }
0x7b: {  	v17 =	vld.idx.msk [tilespmem:v1+s31+$0x0 ss:$0x1], $0xffff;
	_ =	sdelay $0x4  }
0x7c: {  	v3 =	vadd.f32 v17, v3;
	_ =	sdelay $0x1  }
0x7d: {  	[tilespmem:v2+s31+$0x0 ss:$0x1] =	vst.idx.msk $0xffff, v3;
	s31 =	sor.u32 $0x820, s29  }
0x7e: {  	v3 =	vld.idx.msk [tilespmem:v0+s31+$0x0 ss:$0x1], $0xffff  }
0x7f: {  	v18 =	vld.idx.msk [tilespmem:v1+s31+$0x0 ss:$0x1], $0xffff;
	_ =	sdelay $0x4  }
0x80: {  	v3 =	vadd.f32 v18, v3;
	_ =	sdelay $0x1  }
0x81: {  	[tilespmem:v2+s31+$0x0 ss:$0x1] =	vst.idx.msk $0xffff, v3;
	s31 =	sor.u32 $0x830, s29  }
0x82: {  	v3 =	vld.idx.msk [tilespmem:v0+s31+$0x0 ss:$0x1], $0xffff  }
0x83: {  	v19 =	vld.idx.msk [tilespmem:v1+s31+$0x0 ss:$0x1], $0xffff;
	_ =	sdelay $0x4  }
0x84: {  	v3 =	vadd.f32 v19, v3;
	_ =	sdelay $0x1  }
0x85: {  	[tilespmem:v2+s31+$0x0 ss:$0x1] =	vst.idx.msk $0xffff, v3;
	s31 =	sor.u32 $0x840, s29  }
0x86: {  	v3 =	vld.idx.msk [tilespmem:v0+s31+$0x0 ss:$0x1], $0xffff  }
0x87: {  	v20 =	vld.idx.msk [tilespmem:v1+s31+$0x0 ss:$0x1], $0xffff;
	_ =	sdelay $0x4  }
0x88: {  	v3 =	vadd.f32 v20, v3;
	_ =	sdelay $0x1  }
0x89: {  	[tilespmem:v2+s31+$0x0 ss:$0x1] =	vst.idx.msk $0xffff, v3;
	s31 =	sor.u32 $0x850, s29  }
0x8a: {  	v3 =	vld.idx.msk [tilespmem:v0+s31+$0x0 ss:$0x1], $0xffff  }
0x8b: {  	v21 =	vld.idx.msk [tilespmem:v1+s31+$0x0 ss:$0x1], $0xffff;
	_ =	sdelay $0x4  }
0x8c: {  	v3 =	vadd.f32 v21, v3;
	_ =	sdelay $0x1  }
0x8d: {  	[tilespmem:v2+s31+$0x0 ss:$0x1] =	vst.idx.msk $0xffff, v3;
	s31 =	sor.u32 $0x860, s29  }
0x8e: {  	v3 =	vld.idx.msk [tilespmem:v0+s31+$0x0 ss:$0x1], $0xffff  }
0x8f: {  	v22 =	vld.idx.msk [tilespmem:v1+s31+$0x0 ss:$0x1], $0xffff;
	_ =	sdelay $0x4  }
0x90: {  	v3 =	vadd.f32 v22, v3;
	_ =	sdelay $0x1  }
0x91: {  	[tilespmem:v2+s31+$0x0 ss:$0x1] =	vst.idx.msk $0xffff, v3;
	s31 =	sor.u32 $0x870, s29  }
0x92: {  	v3 =	vld.idx.msk [tilespmem:v0+s31+$0x0 ss:$0x1], $0xffff  }
0x93: {  	v23 =	vld.idx.msk [tilespmem:v1+s31+$0x0 ss:$0x1], $0xffff;
	_ =	sdelay $0x4  }
0x94: {  	v3 =	vadd.f32 v23, v3;
	_ =	sdelay $0x1  }
0x95: {  	[tilespmem:v2+s31+$0x0 ss:$0x1] =	vst.idx.msk $0xffff, v3;
	s31 =	sor.u32 $0xC00, s29  }
0x96: {  	v3 =	vld.idx.msk [tilespmem:v0+s31+$0x0 ss:$0x1], $0xffff  }
0x97: {  	v24 =	vld.idx.msk [tilespmem:v1+s31+$0x0 ss:$0x1], $0xffff;
	_ =	sdelay $0x4  }
0x98: {  	v3 =	vadd.f32 v24, v3;
	_ =	sdelay $0x1  }
0x99: {  	[tilespmem:v2+s31+$0x0 ss:$0x1] =	vst.idx.msk $0xffff, v3;
	s31 =	sor.u32 $0xC10, s29  }
0x9a: {  	v3 =	vld.idx.msk [tilespmem:v0+s31+$0x0 ss:$0x1], $0xffff  }
0x9b: {  	v25 =	vld.idx.msk [tilespmem:v1+s31+$0x0 ss:$0x1], $0xffff;
	_ =	sdelay $0x4  }
0x9c: {  	v3 =	vadd.f32 v25, v3;
	_ =	sdelay $0x1  }
0x9d: {  	[tilespmem:v2+s31+$0x0 ss:$0x1] =	vst.idx.msk $0xffff, v3;
	s31 =	sor.u32 $0xC20, s29  }
0x9e: {  	v3 =	vld.idx.msk [tilespmem:v0+s31+$0x0 ss:$0x1], $0xffff  }
0x9f: {  	v26 =	vld.idx.msk [tilespmem:v1+s31+$0x0 ss:$0x1], $0xffff;
	_ =	sdelay $0x4  }
0xa0: {  	v3 =	vadd.f32 v26, v3;
	_ =	sdelay $0x1  }
0xa1: {  	[tilespmem:v2+s31+$0x0 ss:$0x1] =	vst.idx.msk $0xffff, v3;
	s31 =	sor.u32 $0xC30, s29  }
0xa2: {  	v3 =	vld.idx.msk [tilespmem:v0+s31+$0x0 ss:$0x1], $0xffff  }
0xa3: {  	v27 =	vld.idx.msk [tilespmem:v1+s31+$0x0 ss:$0x1], $0xffff;
	_ =	sdelay $0x4  }
0xa4: {  	v3 =	vadd.f32 v27, v3;
	_ =	sdelay $0x1  }
0xa5: {  	[tilespmem:v2+s31+$0x0 ss:$0x1] =	vst.idx.msk $0xffff, v3;
	s31 =	sor.u32 $0xC40, s29  }
0xa6: {  	v3 =	vld.idx.msk [tilespmem:v0+s31+$0x0 ss:$0x1], $0xffff  }
0xa7: {  	v28 =	vld.idx.msk [tilespmem:v1+s31+$0x0 ss:$0x1], $0xffff;
	_ =	sdelay $0x4  }
0xa8: {  	v3 =	vadd.f32 v28, v3;
	_ =	sdelay $0x1  }
0xa9: {  	[tilespmem:v2+s31+$0x0 ss:$0x1] =	vst.idx.msk $0xffff, v3;
	s31 =	sor.u32 $0xC50, s29  }
0xaa: {  	v3 =	vld.idx.msk [tilespmem:v0+s31+$0x0 ss:$0x1], $0xffff  }
0xab: {  	v29 =	vld.idx.msk [tilespmem:v1+s31+$0x0 ss:$0x1], $0xffff;
	_ =	sdelay $0x4  }
0xac: {  	v3 =	vadd.f32 v29, v3;
	_ =	sdelay $0x1  }
0xad: {  	[tilespmem:v2+s31+$0x0 ss:$0x1] =	vst.idx.msk $0xffff, v3;
	s31 =	sor.u32 $0xC60, s29  }
0xae: {  	v3 =	vld.idx.msk [tilespmem:v0+s31+$0x0 ss:$0x1], $0xffff  }
0xaf: {  	v30 =	vld.idx.msk [tilespmem:v1+s31+$0x0 ss:$0x1], $0xffff;
	_ =	sdelay $0x4  }
0xb0: {  	v3 =	vadd.f32 v30, v3;
	_ =	sdelay $0x1  }
0xb1: {  	[tilespmem:v2+s31+$0x0 ss:$0x1] =	vst.idx.msk $0xffff, v3;
	s31 =	sor.u32 $0xC70, s29  }
0xb2: {  	v3 =	vld.idx.msk [tilespmem:v0+s31+$0x0 ss:$0x1], $0xffff  }
0xb3: {  	v31 =	vld.idx.msk [tilespmem:v1+s31+$0x0 ss:$0x1], $0xffff;
	_ =	sdelay $0x4  }
0xb4: {  	v3 =	vadd.f32 v31, v3;
	_ =	sdelay $0x1  }
0xb5: {  	[tilespmem:v2+s31+$0x0 ss:$0x1] =	vst.idx.msk $0xffff, v3;
	s31 =	sor.u32 $0x1000, s29  }
0xb6: {  	v3 =	vld.idx.msk [tilespmem:v0+s31+$0x0 ss:$0x1], $0xffff  }
0xb7: {  	v32 =	vld.idx.msk [tilespmem:v1+s31+$0x0 ss:$0x1], $0xffff;
	_ =	sdelay $0x4  }
0xb8: {  	v3 =	vadd.f32 v32, v3;
	_ =	sdelay $0x1  }
0xb9: {  	[tilespmem:v2+s31+$0x0 ss:$0x1] =	vst.idx.msk $0xffff, v3;
	s31 =	sor.u32 $0x1010, s29  }
0xba: {  	v3 =	vld.idx.msk [tilespmem:v0+s31+$0x0 ss:$0x1], $0xffff  }
0xbb: {  	v33 =	vld.idx.msk [tilespmem:v1+s31+$0x0 ss:$0x1], $0xffff;
	_ =	sdelay $0x4  }
0xbc: {  	v3 =	vadd.f32 v33, v3;
	_ =	sdelay $0x1  }
0xbd: {  	[tilespmem:v2+s31+$0x0 ss:$0x1] =	vst.idx.msk $0xffff, v3;
	s31 =	sor.u32 $0x1020, s29  }
0xbe: {  	v3 =	vld.idx.msk [tilespmem:v0+s31+$0x0 ss:$0x1], $0xffff  }
0xbf: {  	v34 =	vld.idx.msk [tilespmem:v1+s31+$0x0 ss:$0x1], $0xffff;
	_ =	sdelay $0x4  }
0xc0: {  	v3 =	vadd.f32 v34, v3;
	_ =	sdelay $0x1  }
0xc1: {  	[tilespmem:v2+s31+$0x0 ss:$0x1] =	vst.idx.msk $0xffff, v3;
	s31 =	sor.u32 $0x1030, s29  }
0xc2: {  	v3 =	vld.idx.msk [tilespmem:v0+s31+$0x0 ss:$0x1], $0xffff  }
0xc3: {  	v35 =	vld.idx.msk [tilespmem:v1+s31+$0x0 ss:$0x1], $0xffff;
	_ =	sdelay $0x4  }
0xc4: {  	v3 =	vadd.f32 v35, v3;
	_ =	sdelay $0x1  }
0xc5: {  	[tilespmem:v2+s31+$0x0 ss:$0x1] =	vst.idx.msk $0xffff, v3;
	s31 =	sor.u32 $0x1040, s29  }
0xc6: {  	v3 =	vld.idx.msk [tilespmem:v0+s31+$0x0 ss:$0x1], $0xffff  }
0xc7: {  	v36 =	vld.idx.msk [tilespmem:v1+s31+$0x0 ss:$0x1], $0xffff;
	_ =	sdelay $0x4  }
0xc8: {  	v3 =	vadd.f32 v36, v3;
	_ =	sdelay $0x1  }
0xc9: {  	[tilespmem:v2+s31+$0x0 ss:$0x1] =	vst.idx.msk $0xffff, v3;
	s31 =	sor.u32 $0x1050, s29  }
0xca: {  	v3 =	vld.idx.msk [tilespmem:v0+s31+$0x0 ss:$0x1], $0xffff  }
0xcb: {  	v37 =	vld.idx.msk [tilespmem:v1+s31+$0x0 ss:$0x1], $0xffff;
	_ =	sdelay $0x4  }
0xcc: {  	v3 =	vadd.f32 v37, v3;
	_ =	sdelay $0x1  }
0xcd: {  	[tilespmem:v2+s31+$0x0 ss:$0x1] =	vst.idx.msk $0xffff, v3;
	s31 =	sor.u32 $0x1060, s29  }
0xce: {  	v3 =	vld.idx.msk [tilespmem:v0+s31+$0x0 ss:$0x1], $0xffff  }
0xcf: {  	v38 =	vld.idx.msk [tilespmem:v1+s31+$0x0 ss:$0x1], $0xffff;
	_ =	sdelay $0x4  }
0xd0: {  	v3 =	vadd.f32 v38, v3;
	_ =	sdelay $0x1  }
0xd1: {  	[tilespmem:v2+s31+$0x0 ss:$0x1] =	vst.idx.msk $0xffff, v3;
	s31 =	sor.u32 $0x1070, s29  }
0xd2: {  	v3 =	vld.idx.msk [tilespmem:v0+s31+$0x0 ss:$0x1], $0xffff  }
0xd3: {  	v39 =	vld.idx.msk [tilespmem:v1+s31+$0x0 ss:$0x1], $0xffff;
	_ =	sdelay $0x4  }
0xd4: {  	v3 =	vadd.f32 v39, v3;
	_ =	sdelay $0x1  }
0xd5: {  	[tilespmem:v2+s31+$0x0 ss:$0x1] =	vst.idx.msk $0xffff, v3;
	s31 =	sor.u32 $0x1400, s29  }
0xd6: {  	v3 =	vld.idx.msk [tilespmem:v0+s31+$0x0 ss:$0x1], $0xffff  }
0xd7: {  	v40 =	vld.idx.msk [tilespmem:v1+s31+$0x0 ss:$0x1], $0xffff;
	_ =	sdelay $0x4  }
0xd8: {  	v3 =	vadd.f32 v40, v3;
	_ =	sdelay $0x1  }
0xd9: {  	[tilespmem:v2+s31+$0x0 ss:$0x1] =	vst.idx.msk $0xffff, v3;
	s31 =	sor.u32 $0x1410, s29  }
0xda: {  	v3 =	vld.idx.msk [tilespmem:v0+s31+$0x0 ss:$0x1], $0xffff  }
0xdb: {  	v41 =	vld.idx.msk [tilespmem:v1+s31+$0x0 ss:$0x1], $0xffff;
	_ =	sdelay $0x4  }
0xdc: {  	v3 =	vadd.f32 v41, v3;
	_ =	sdelay $0x1  }
0xdd: {  	[tilespmem:v2+s31+$0x0 ss:$0x1] =	vst.idx.msk $0xffff, v3;
	s31 =	sor.u32 $0x1420, s29  }
0xde: {  	v3 =	vld.idx.msk [tilespmem:v0+s31+$0x0 ss:$0x1], $0xffff  }
0xdf: {  	v42 =	vld.idx.msk [tilespmem:v1+s31+$0x0 ss:$0x1], $0xffff;
	_ =	sdelay $0x4  }
0xe0: {  	v3 =	vadd.f32 v42, v3;
	_ =	sdelay $0x1  }
0xe1: {  	[tilespmem:v2+s31+$0x0 ss:$0x1] =	vst.idx.msk $0xffff, v3;
	s31 =	sor.u32 $0x1430, s29  }
0xe2: {  	v3 =	vld.idx.msk [tilespmem:v0+s31+$0x0 ss:$0x1], $0xffff  }
0xe3: {  	v43 =	vld.idx.msk [tilespmem:v1+s31+$0x0 ss:$0x1], $0xffff;
	_ =	sdelay $0x4  }
0xe4: {  	v3 =	vadd.f32 v43, v3;
	_ =	sdelay $0x1  }
0xe5: {  	[tilespmem:v2+s31+$0x0 ss:$0x1] =	vst.idx.msk $0xffff, v3;
	s31 =	sor.u32 $0x1440, s29  }
0xe6: {  	v3 =	vld.idx.msk [tilespmem:v0+s31+$0x0 ss:$0x1], $0xffff  }
0xe7: {  	v44 =	vld.idx.msk [tilespmem:v1+s31+$0x0 ss:$0x1], $0xffff;
	_ =	sdelay $0x4  }
0xe8: {  	v3 =	vadd.f32 v44, v3;
	_ =	sdelay $0x1  }
0xe9: {  	[tilespmem:v2+s31+$0x0 ss:$0x1] =	vst.idx.msk $0xffff, v3;
	s31 =	sor.u32 $0x1450, s29  }
0xea: {  	v3 =	vld.idx.msk [tilespmem:v0+s31+$0x0 ss:$0x1], $0xffff  }
0xeb: {  	v45 =	vld.idx.msk [tilespmem:v1+s31+$0x0 ss:$0x1], $0xffff;
	_ =	sdelay $0x4  }
0xec: {  	v3 =	vadd.f32 v45, v3;
	_ =	sdelay $0x1  }
0xed: {  	[tilespmem:v2+s31+$0x0 ss:$0x1] =	vst.idx.msk $0xffff, v3;
	s31 =	sor.u32 $0x1460, s29  }
0xee: {  	v3 =	vld.idx.msk [tilespmem:v0+s31+$0x0 ss:$0x1], $0xffff  }
0xef: {  	v46 =	vld.idx.msk [tilespmem:v1+s31+$0x0 ss:$0x1], $0xffff;
	_ =	sdelay $0x4  }
0xf0: {  	v3 =	vadd.f32 v46, v3;
	_ =	sdelay $0x1  }
0xf1: {  	[tilespmem:v2+s31+$0x0 ss:$0x1] =	vst.idx.msk $0xffff, v3;
	s31 =	sor.u32 $0x1470, s29  }
0xf2: {  	v3 =	vld.idx.msk [tilespmem:v0+s31+$0x0 ss:$0x1], $0xffff  }
0xf3: {  	v47 =	vld.idx.msk [tilespmem:v1+s31+$0x0 ss:$0x1], $0xffff;
	_ =	sdelay $0x4  }
0xf4: {  	v3 =	vadd.f32 v47, v3;
	_ =	sdelay $0x1  }
0xf5: {  	[tilespmem:v2+s31+$0x0 ss:$0x1] =	vst.idx.msk $0xffff, v3;
	s31 =	sor.u32 $0x1800, s29  }
0xf6: {  	v3 =	vld.idx.msk [tilespmem:v0+s31+$0x0 ss:$0x1], $0xffff  }
0xf7: {  	v48 =	vld.idx.msk [tilespmem:v1+s31+$0x0 ss:$0x1], $0xffff;
	_ =	sdelay $0x4  }
0xf8: {  	v3 =	vadd.f32 v48, v3;
	_ =	sdelay $0x1  }
0xf9: {  	[tilespmem:v2+s31+$0x0 ss:$0x1] =	vst.idx.msk $0xffff, v3;
	s31 =	sor.u32 $0x1810, s29  }
0xfa: {  	v3 =	vld.idx.msk [tilespmem:v0+s31+$0x0 ss:$0x1], $0xffff  }
0xfb: {  	v49 =	vld.idx.msk [tilespmem:v1+s31+$0x0 ss:$0x1], $0xffff;
	_ =	sdelay $0x4  }
0xfc: {  	v3 =	vadd.f32 v49, v3;
	_ =	sdelay $0x1  }
0xfd: {  	[tilespmem:v2+s31+$0x0 ss:$0x1] =	vst.idx.msk $0xffff, v3;
	s31 =	sor.u32 $0x1820, s29  }
0xfe: {  	v3 =	vld.idx.msk [tilespmem:v0+s31+$0x0 ss:$0x1], $0xffff  }
0xff: {  	v50 =	vld.idx.msk [tilespmem:v1+s31+$0x0 ss:$0x1], $0xffff;
	_ =	sdelay $0x4  }
0x100: {  	v3 =	vadd.f32 v50, v3;
	_ =	sdelay $0x1  }
0x101: {  	[tilespmem:v2+s31+$0x0 ss:$0x1] =	vst.idx.msk $0xffff, v3;
	s31 =	sor.u32 $0x1830, s29  }
0x102: {  	v3 =	vld.idx.msk [tilespmem:v0+s31+$0x0 ss:$0x1], $0xffff  }
0x103: {  	v51 =	vld.idx.msk [tilespmem:v1+s31+$0x0 ss:$0x1], $0xffff;
	_ =	sdelay $0x4  }
0x104: {  	v3 =	vadd.f32 v51, v3;
	_ =	sdelay $0x1  }
0x105: {  	[tilespmem:v2+s31+$0x0 ss:$0x1] =	vst.idx.msk $0xffff, v3;
	s31 =	sor.u32 $0x1840, s29  }
0x106: {  	v3 =	vld.idx.msk [tilespmem:v0+s31+$0x0 ss:$0x1], $0xffff  }
0x107: {  	v52 =	vld.idx.msk [tilespmem:v1+s31+$0x0 ss:$0x1], $0xffff;
	_ =	sdelay $0x4  }
0x108: {  	v3 =	vadd.f32 v52, v3;
	_ =	sdelay $0x1  }
0x109: {  	[tilespmem:v2+s31+$0x0 ss:$0x1] =	vst.idx.msk $0xffff, v3;
	s31 =	sor.u32 $0x1850, s29  }
0x10a: {  	v3 =	vld.idx.msk [tilespmem:v0+s31+$0x0 ss:$0x1], $0xffff  }
0x10b: {  	v53 =	vld.idx.msk [tilespmem:v1+s31+$0x0 ss:$0x1], $0xffff;
	_ =	sdelay $0x4  }
0x10c: {  	v3 =	vadd.f32 v53, v3;
	_ =	sdelay $0x1  }
0x10d: {  	[tilespmem:v2+s31+$0x0 ss:$0x1] =	vst.idx.msk $0xffff, v3;
	s31 =	sor.u32 $0x1860, s29  }
0x10e: {  	v3 =	vld.idx.msk [tilespmem:v0+s31+$0x0 ss:$0x1], $0xffff  }
0x10f: {  	v54 =	vld.idx.msk [tilespmem:v1+s31+$0x0 ss:$0x1], $0xffff;
	_ =	sdelay $0x4  }
0x110: {  	v3 =	vadd.f32 v54, v3;
	_ =	sdelay $0x1  }
0x111: {  	s29 =	sor.u32 $0x1870, s29;
	[tilespmem:v2+s31+$0x0 ss:$0x1] =	vst.idx.msk $0xffff, v3  }
0x112: {  	v3 =	vld.idx.msk [tilespmem:v0+s29+$0x0 ss:$0x1], $0xffff  }
0x113: {  	v55 =	vld.idx.msk [tilespmem:v1+s29+$0x0 ss:$0x1], $0xffff;
	_ =	sdelay $0x3  }
0x114: {  	s31 =	sand.u32 $0x7, s24  }
0x115: {  	s30 =	sshll.u32 s31, $0x7;
	v3 =	vadd.f32 v55, v3  }
0x116: {  	s30 =	sadd.s32 s30, s26  }
0x117: {  	s31 =	sor.u32 $0x1C00, s30;
	[tilespmem:v2+s29+$0x0 ss:$0x1] =	vst.idx.msk $0xffff, v3  }
0x118: {  	v3 =	vld.idx.msk [tilespmem:v0+s31+$0x0 ss:$0x1], $0xffff  }
0x119: {  	v56 =	vld.idx.msk [tilespmem:v1+s31+$0x0 ss:$0x1], $0xffff;
	_ =	sdelay $0x4  }
0x11a: {  	v3 =	vadd.f32 v56, v3;
	_ =	sdelay $0x1  }
0x11b: {  	[tilespmem:v2+s31+$0x0 ss:$0x1] =	vst.idx.msk $0xffff, v3;
	s31 =	sor.u32 $0x1C10, s30  }
0x11c: {  	v3 =	vld.idx.msk [tilespmem:v0+s31+$0x0 ss:$0x1], $0xffff  }
0x11d: {  	v57 =	vld.idx.msk [tilespmem:v1+s31+$0x0 ss:$0x1], $0xffff;
	_ =	sdelay $0x4  }
0x11e: {  	v3 =	vadd.f32 v57, v3;
	_ =	sdelay $0x1  }
0x11f: {  	[tilespmem:v2+s31+$0x0 ss:$0x1] =	vst.idx.msk $0xffff, v3;
	s31 =	sor.u32 $0x1C20, s30  }
0x120: {  	v3 =	vld.idx.msk [tilespmem:v0+s31+$0x0 ss:$0x1], $0xffff  }
0x121: {  	v58 =	vld.idx.msk [tilespmem:v1+s31+$0x0 ss:$0x1], $0xffff;
	_ =	sdelay $0x4  }
0x122: {  	v3 =	vadd.f32 v58, v3;
	_ =	sdelay $0x1  }
0x123: {  	[tilespmem:v2+s31+$0x0 ss:$0x1] =	vst.idx.msk $0xffff, v3;
	s31 =	sor.u32 $0x1C30, s30  }
0x124: {  	v3 =	vld.idx.msk [tilespmem:v0+s31+$0x0 ss:$0x1], $0xffff  }
0x125: {  	v59 =	vld.idx.msk [tilespmem:v1+s31+$0x0 ss:$0x1], $0xffff;
	_ =	sdelay $0x4  }
0x126: {  	v3 =	vadd.f32 v59, v3;
	_ =	sdelay $0x1  }
0x127: {  	[tilespmem:v2+s31+$0x0 ss:$0x1] =	vst.idx.msk $0xffff, v3;
	s31 =	sor.u32 $0x1C40, s30  }
0x128: {  	v3 =	vld.idx.msk [tilespmem:v0+s31+$0x0 ss:$0x1], $0xffff  }
0x129: {  	v60 =	vld.idx.msk [tilespmem:v1+s31+$0x0 ss:$0x1], $0xffff;
	_ =	sdelay $0x4  }
0x12a: {  	v3 =	vadd.f32 v60, v3;
	_ =	sdelay $0x1  }
0x12b: {  	[tilespmem:v2+s31+$0x0 ss:$0x1] =	vst.idx.msk $0xffff, v3;
	s31 =	sor.u32 $0x1C50, s30  }
0x12c: {  	v3 =	vld.idx.msk [tilespmem:v0+s31+$0x0 ss:$0x1], $0xffff  }
0x12d: {  	v61 =	vld.idx.msk [tilespmem:v1+s31+$0x0 ss:$0x1], $0xffff;
	_ =	sdelay $0x4  }
0x12e: {  	v3 =	vadd.f32 v61, v3;
	_ =	sdelay $0x1  }
0x12f: {  	[tilespmem:v2+s31+$0x0 ss:$0x1] =	vst.idx.msk $0xffff, v3;
	s31 =	sor.u32 $0x1C60, s30  }
0x130: {  	v3 =	vld.idx.msk [tilespmem:v0+s31+$0x0 ss:$0x1], $0xffff  }
0x131: {  	v62 =	vld.idx.msk [tilespmem:v1+s31+$0x0 ss:$0x1], $0xffff;
	_ =	sdelay $0x4  }
0x132: {  	v3 =	vadd.f32 v62, v3;
	_ =	sdelay $0x1  }
0x133: {  	[tilespmem:v2+s31+$0x0 ss:$0x1] =	vst.idx.msk $0xffff, v3;
	s31 =	sor.u32 $0x1C70, s30  }
0x134: {  	v3 =	vld.idx.msk [tilespmem:v0+s31+$0x0 ss:$0x1], $0xffff  }
0x135: {  	v63 =	vld.idx.msk [tilespmem:v1+s31+$0x0 ss:$0x1], $0xffff;
	_ =	sdelay $0x1  }
0x136: {  	p3 =	sne.s32 s28, $0x780  }
.Ltmp0:
0x137: {  	_ = 	snop;
	(pc) =	sbr.rel @p3 .LBB2_3-.Ltmp0, $4  }
0x138: {  	_ = 	snop  }
0x139: {  	v3 =	vadd.f32 v63, v3  }
0x13a: {  	s25 =	sadd.s32 $0x400, s25  }
0x13b: {  	s28 =	sadd.s32 $0x80, s28;
	s24 =	sadd.s32 $0x1, s24;
	s26 =	sadd.s32 $0x400, s26;
	[tilespmem:v2+s31+$0x0 ss:$0x1] =	vst.idx.msk $0xffff, v3  }
0x13c: {  	p3 =	seq.s32 s20, $0xF  }
0x13d: {  	p1 =	por p3, p1  }
0x13e: {  	_ =	strace $0x9000004D;
	s21 =	sshll.u32 @p1 s21, $0xB  }
0x13f: {  	_ =	strace @p1 $0x8000004E;
	s21 =	sand.u32 @p1 $0x1FFFF800, s21  }
0x140: {  	s22 =	sadd.s32 @p1 $0x5, s22;
	s24 =	simm.s32 @p1 $0x0;
	s21 =	sadd.s32 @p1 s3, s21  }
0x141: {  	[hbm4b:s21+s24] =	stream.linear.scatter @p1 [tilespmem:s23], [sflag:s22], $0x4000, $0x200038;
	[tilespmem:$0x18000] =	vst v63  }
0x142: {  	p0 =	por p3, p0;
	s21 =	sand.u32 @!p2 $0x1, s14;
	s22 =	simm.s32 $0x1  }
0x143: {  	s23 =	simm.s32 $0x1;
	_ =	strace @p1 $0x9000004E;
	s21 =	sadd.s32 @!p2 $0x5, s21  }
0x144: {  	s22 =	simm.s32 @!p1 $0x0;
	p1 =	sne.s32 s20, $0x0;
	s20 =	sadd.s32 $0x1, s20  }
0x145: {  	s23 =	simm.s32 @!p0 $0x0;
	_ =	strace @!p2 $0x8000004F;
	p0 =	sne.s32 s20, $0x10  }
.Ltmp1:
0x146: {  	_ =	swait.ge @!p2 [sflag:s21], $0x4000;
	(pc) =	sbr.rel @p0 .LBB2_2-.Ltmp1, $4  }
0x147: {  	[sflag:s21] =	ssyncset.done @!p2 $0x0  }
0x148: {  	[sflag:s21] =	ssyncadd.s32 @!p2 $0xFFFFC000;
	s21 =	simm.s32 $0x1  }
0x149: {  	s15 =	sadd.s32 s22, s15;
	s18 =	sadd.s32 s22, s18;
	s21 =	simm.s32 @!p1 $0x0  }
0x14a: {  	s16 =	sadd.s32 s23, s16;
	_ =	strace @!p2 $0x9000004F;
	s14 =	sadd.s32 s21, s14  }
0x14b: {  	s12 =	sadd.s32 $0x1, s12  }
0x14c: {  	p0 =	sne.s32 s12, s9  }
.Ltmp2:
0x14d: {  	_ =	strace $0x80000050;
	(pc) =	sbr.rel @p0 .LBB2_1-.Ltmp2, $4  }
0x14e: {  	_ =	swait.ge [sflag:s11], $0x4000  }
0x14f: {  	[sflag:s11] =	ssyncset.done $0x0  }
0x150: {  	[sflag:s11] =	ssyncadd.s32 $0xFFFFC000  }
0x151: {  	_ =	strace $0x90000050  }
0x152: {  	_ =	sfence.sel $0x180000  }
0x153: {  	[bflag:$0x0] =	sbarrier.arrive $0xFFFF  }
0x154: {  	p0 =	sne.s32 s5, $0x0;
	_ =	strace $0x90000047  }
0x155: {  	s0 =	sadd.s32 @!p0 $0x100000, s0;
	[bflag:$0x2] =	sbarrier.arrive $0xFFFF  }
0x156: {  	[sflag:s0] =	ssyncadd.tile.s32 @!p0 $0x1;
	_ =	shalt  }
.Lfunc_end2:
_tile_overlayer_lowered:
.L_overlay_start_2:
0x157: {  	(tag) =	ssettag $0x2  }
0x158: {  	s0 =	rddreg [dreg:$0x0];
	s2 =	stileid.u32  }
0x159: {  	s1 =	rddreg [dreg:$0x1];
	p0 =	sne.s32 s2, $0x0  }
0x15a: {  	s3 =	rddreg [dreg:$0x2];
	[bflag:$0x3] =	sbarrier.arrive $0xFFFF;
	s2 =	simm.s32 @!p0 $0x1C01  }
0x15b: {  	[timem:s3], [sflag:s2] =	dma.local @!p0 [hbm:s0], s1  }
0x15c: {  	s0 =	simm.s32 @!p0 $0x1  }
0x15d: {  	_ =	swait.ge @!p0 [sflag:s0], s1  }
0x15e: {  	s1 =	ssub.s32 @!p0 $0x0, s1;
	[sflag:s0] =	ssyncset.done @!p0 $0x0  }
0x15f: {  	[sflag:s0] =	ssyncadd.s32 @!p0 s1  }
0x160: {  	[bflag:$0x3] =	sbarrier.arrive $0xFFFF  }
0x161: {  	_ =	shalt  }

</sc_bundles>
